<compile_context>
chip_gen: v7x
topology: tpu7x:2x2x1
jax: 0.10.2.dev20260603
libtpu: 0.0.44.dev20260713+nightly
codegen_flags: <defaults>
</compile_context>

<pallas_src>
import functools

import jax
import jax.numpy as jnp
from jax import lax
from jax.experimental import pallas as pl
from jax.experimental.pallas import tpu as pltpu
from jax.experimental.pallas import tpu_sc as plsc

_N = 100
_NPAD = 112
_SC_BC = 128
_SC_WORKERS = 32



def _sc_body(err_hbm, pg_hbm, cup_hbm, cdn_hbm, pmax_hbm, wc_hbm,
             up_hbm, dn_hbm,
             cup_v, cdn_v, pmax_v, pmaxs_v, oup_v, odn_v,
             wc_v, err_v, pg0_v, pg1_v, up0_v, up1_v, dn0_v, dn1_v,
             sem_in0, sem_in1, sem_up0, sem_up1, sem_dn0, sem_dn1):
    i32, f32 = jnp.int32, jnp.float32
    b_total = pg_hbm.shape[0]
    rows = b_total // _SC_WORKERS
    wid = lax.axis_index("s") * 2 + lax.axis_index("c")
    row0 = wid * rows

    pltpu.sync_copy(cup_hbm, cup_v)
    pltpu.sync_copy(cdn_hbm, cdn_v)
    pltpu.sync_copy(pmax_hbm, pmax_v)
    pltpu.sync_copy(wc_hbm, wc_v)
    pltpu.sync_copy(err_hbm.at[pl.ds(row0, rows)], err_v)

    lane = lax.broadcasted_iota(i32, (16,), 0)
    lane0 = lane == 0
    zero16 = jnp.zeros((16,), f32)

    def rank_body(u, carry):
        ub = jnp.full((16,), u, i32)
        cu = plsc.load_gather(cup_v, [ub])
        cd = plsc.load_gather(cdn_v, [ub])
        cnt_u = jnp.zeros((16,), i32)
        cnt_d = jnp.zeros((16,), i32)
        for k in range(_NPAD // 16):
            cv = cup_v[pl.ds(k * 16, 16)]
            dv = cdn_v[pl.ds(k * 16, 16)]
            tie = (lane + (k * 16)) < ub
            mu = (cv < cu) | ((cv == cu) & tie)
            md = (dv > cd) | ((dv == cd) & tie)
            cnt_u += mu.astype(i32)
            cnt_d += md.astype(i32)
        ru = jnp.full((16,), jnp.sum(cnt_u), i32)
        rd = jnp.full((16,), jnp.sum(cnt_d), i32)
        plsc.store_scatter(oup_v, [ru], ub, mask=lane0)
        plsc.store_scatter(odn_v, [rd], ub, mask=lane0)
        pm = plsc.load_gather(pmax_v, [ub])
        plsc.store_scatter(pmaxs_v, [ru], pm, mask=lane0)
        return carry

    lax.fori_loop(0, _N, rank_body, 0)

    wv = wc_v[...]

    nk = _NPAD // 16
    gdn = lax.GatherDimensionNumbers(
        offset_dims=(), collapsed_slice_dims=(0,), start_index_map=(0,))
    idx15 = jnp.full((16, 1), 15, i32)

    def _blast(v):
        return lax.gather(v, idx15, gdn, (1,),
                          mode=lax.GatherScatterMode.PROMISE_IN_BOUNDS)

    tailmask = lane < (_N - (nk - 1) * 16)
    iup = [oup_v[pl.ds(16 * k, 16)] for k in range(nk)]
    idn = [odn_v[pl.ds(16 * k, 16)] for k in range(nk)]
    pms = [pmaxs_v[pl.ds(16 * k, 16)] for k in range(nk)]

    def _alloc(t, rowb, idxs, caps):
        scans = [plsc.cumsum(c) for c in caps]
        tots = [_blast(s) for s in scans]
        c = zero16
        for k in range(nk):
            s_k = scans[k] + c
            r_k = jnp.minimum(t, s_k) - jnp.minimum(t, s_k - caps[k])
            yield rowb, idxs[k], r_k, (tailmask if k == nk - 1 else None)
            c = c + tots[k]

    def compute_block(b, pg_v, up_v, dn_v):
        def s_body(sq, c2):
            for ds in range(2):
                s = 2 * sq + ds
                eb = plsc.load_gather(
                    err_v, [jnp.full((16,), b * _SC_BC + s, i32)])
                tu = jnp.where(eb < 0.0, jnp.abs(wv * eb), 0.0)
                td = jnp.where(eb > 0.0, wv * eb, 0.0)
                rowb = jnp.full((16,), s, i32)
                caps_u, caps_d = [], []
                for k in range(nk):
                    m = tailmask if k == nk - 1 else None
                    pgu = plsc.load_gather(pg_v, [rowb, iup[k]], mask=m)
                    pgd = plsc.load_gather(pg_v, [rowb, idn[k]], mask=m)
                    cu = jnp.maximum(pms[k] - pgu, 0.0)
                    cd = jnp.maximum(pgd, 0.0)
                    if k == nk - 1:
                        cu = jnp.where(m, cu, 0.0)
                        cd = jnp.where(m, cd, 0.0)
                    caps_u.append(cu)
                    caps_d.append(cd)
                for rb, ix, r, m in _alloc(tu, rowb, iup, caps_u):
                    plsc.store_scatter(up_v, [rb, ix], r, mask=m)
                for rb, ix, r, m in _alloc(td, rowb, idn, caps_d):
                    plsc.store_scatter(dn_v, [rb, ix], r, mask=m)
            return c2

        lax.fori_loop(0, _SC_BC // 2, s_body, 0)

    def in_cp(b, pg_v, sem):
        return pltpu.make_async_copy(
            pg_hbm.at[pl.ds(row0 + b * _SC_BC, _SC_BC), :], pg_v, sem)

    def out_cp(b, src_v, dst_hbm, sem):
        return pltpu.make_async_copy(
            src_v, dst_hbm.at[pl.ds(row0 + b * _SC_BC, _SC_BC), :], sem)

    nblk = rows // _SC_BC
    npair = nblk // 2
    in_cp(0, pg0_v, sem_in0).start()

    def pair_body(i, carry):
        b0 = 2 * i
        b1 = b0 + 1
        in_cp(b0, pg0_v, sem_in0).wait()
        in_cp(b1, pg1_v, sem_in1).start()

        @pl.when(i > 0)
        def _():
            out_cp(b0 - 2, up0_v, up_hbm, sem_up0).wait()
            out_cp(b0 - 2, dn0_v, dn_hbm, sem_dn0).wait()

        compute_block(b0, pg0_v, up0_v, dn0_v)
        out_cp(b0, up0_v, up_hbm, sem_up0).start()
        out_cp(b0, dn0_v, dn_hbm, sem_dn0).start()

        in_cp(b1, pg1_v, sem_in1).wait()

        @pl.when(i < npair - 1)
        def _():
            in_cp(b0 + 2, pg0_v, sem_in0).start()

        @pl.when(i > 0)
        def _():
            out_cp(b1 - 2, up1_v, up_hbm, sem_up1).wait()
            out_cp(b1 - 2, dn1_v, dn_hbm, sem_dn1).wait()

        compute_block(b1, pg1_v, up1_v, dn1_v)
        out_cp(b1, up1_v, up_hbm, sem_up1).start()
        out_cp(b1, dn1_v, dn_hbm, sem_dn1).start()
        return carry

    lax.fori_loop(0, npair, pair_body, 0)
    last = nblk - 2
    out_cp(last, up0_v, up_hbm, sem_up0).wait()
    out_cp(last, dn0_v, dn_hbm, sem_dn0).wait()
    out_cp(last + 1, up1_v, up_hbm, sem_up1).wait()
    out_cp(last + 1, dn1_v, dn_hbm, sem_dn1).wait()


def _sc_call(error, p_gen, C_up, C_down, Pmax, w_capacity):
    b, n = p_gen.shape
    f32 = jnp.float32
    pad = _NPAD - n
    cup_p = jnp.concatenate([C_up, jnp.full((pad,), jnp.inf, f32)])
    cdn_p = jnp.concatenate([C_down, jnp.full((pad,), -jnp.inf, f32)])
    pmax_p = jnp.concatenate([Pmax, jnp.zeros((pad,), f32)])
    wc16 = jnp.broadcast_to(w_capacity, (16,))
    err_flat = error.reshape(b)
    sds = jax.ShapeDtypeStruct((b, n), f32)
    rows = b // _SC_WORKERS

    run = pl.kernel(
        _sc_body,
        out_type=[sds, sds],
        mesh=plsc.VectorSubcoreMesh(core_axis_name="c", subcore_axis_name="s"),
        scratch_types=[
            pltpu.VMEM((_NPAD,), f32),
            pltpu.VMEM((_NPAD,), f32),
            pltpu.VMEM((_NPAD,), f32),
            pltpu.VMEM((_NPAD,), f32),
            pltpu.VMEM((_NPAD,), jnp.int32),
            pltpu.VMEM((_NPAD,), jnp.int32),
            pltpu.VMEM((16,), f32),
            pltpu.VMEM((rows,), f32),
            pltpu.VMEM((_SC_BC, n), f32),
            pltpu.VMEM((_SC_BC, n), f32),
            pltpu.VMEM((_SC_BC, n), f32),
            pltpu.VMEM((_SC_BC, n), f32),
            pltpu.VMEM((_SC_BC, n), f32),
            pltpu.VMEM((_SC_BC, n), f32),
            pltpu.SemaphoreType.DMA,
            pltpu.SemaphoreType.DMA,
            pltpu.SemaphoreType.DMA,
            pltpu.SemaphoreType.DMA,
            pltpu.SemaphoreType.DMA,
            pltpu.SemaphoreType.DMA,
        ],
        compiler_params=pltpu.CompilerParams(needs_layout_passes=False),
    )
    up, dn = run(err_flat, p_gen, cup_p, cdn_p, pmax_p, wc16)
    return up, dn



_TC_BLK = 8192


def _tc_body(err_ref, wc_ref, cuc_ref, cur_ref, cdc_ref, cdr_ref,
             pmax_ref, pg_ref, up_ref, dn_ref):
    f32 = jnp.float32
    bf16 = jnp.bfloat16
    n = pg_ref.shape[1]
    pg = pg_ref[...]
    err = err_ref[...]
    wc = wc_ref[0, 0]

    v_idx = lax.broadcasted_iota(jnp.int32, (n, n), 0)
    u_idx = lax.broadcasted_iota(jnp.int32, (n, n), 1)
    cuc = cuc_ref[...]
    cur = cur_ref[...]
    cdc = cdc_ref[...]
    cdr = cdr_ref[...]

    tie = v_idx <= u_idx
    a_up = ((cuc < cur) | ((cuc == cur) & tie)).astype(bf16)
    a_dn = ((cdc > cdr) | ((cdc == cdr) & tie)).astype(bf16)

    dot = functools.partial(
        lax.dot_general,
        dimension_numbers=(((1,), (0,)), ((), ())),
        preferred_element_type=f32,
    )

    def split_dot(cap, a):
        hi = cap.astype(bf16)
        lo = (cap - hi.astype(f32)).astype(bf16)
        return dot(hi, a) + dot(lo, a)

    cap_up = jnp.maximum(pmax_ref[...] - pg, 0.0)
    s_up = split_dot(cap_up, a_up)
    t_up = jnp.where(err < 0.0, jnp.abs(wc * err), 0.0)
    up_ref[...] = jnp.minimum(t_up, s_up) - jnp.minimum(t_up, s_up - cap_up)

    cap_dn = jnp.maximum(pg, 0.0)
    s_dn = split_dot(cap_dn, a_dn)
    t_dn = jnp.where(err > 0.0, wc * err, 0.0)
    dn_ref[...] = jnp.minimum(t_dn, s_dn) - jnp.minimum(t_dn, s_dn - cap_dn)


def _tc_call(error, p_gen, C_up, C_down, Pmax, w_capacity):
    b, n = p_gen.shape
    rb = min(_TC_BLK, b)
    grid = (b // rb,)
    full = lambda i: (0, 0)
    row_blk = lambda i: (i, 0)
    out_sd = jax.ShapeDtypeStruct((b, n), jnp.float32)
    return pl.pallas_call(
        _tc_body,
        grid=grid,
        in_specs=[
            pl.BlockSpec((rb, 1), row_blk),
            pl.BlockSpec((1, 1), full),
            pl.BlockSpec((n, 1), full),
            pl.BlockSpec((1, n), full),
            pl.BlockSpec((n, 1), full),
            pl.BlockSpec((1, n), full),
            pl.BlockSpec((1, n), full),
            pl.BlockSpec((rb, n), row_blk),
        ],
        out_specs=[
            pl.BlockSpec((rb, n), row_blk),
            pl.BlockSpec((rb, n), row_blk),
        ],
        out_shape=[out_sd, out_sd],
        compiler_params=pltpu.CompilerParams(
            dimension_semantics=("parallel",),
        ),
    )(
        error.reshape(b, 1),
        w_capacity.reshape(1, 1),
        C_up.reshape(n, 1),
        C_up.reshape(1, n),
        C_down.reshape(n, 1),
        C_down.reshape(1, n),
        Pmax.reshape(1, n),
        p_gen,
    )


def kernel(error, p_gen, C_up, C_down, Pmax, w_capacity):
    return _sc_call(error, p_gen, C_up, C_down, Pmax, w_capacity)

# --- scband reference (transcript-rebuilt; emitter-appended) ---
"""Pipeline reference for scband-tensor-rt-layer-75316546503012 (READ-ONLY COPY).

The authoritative reference and input builder live on the scoring server;
editing this copy changes nothing except your own understanding.
"""

import jax, jax.numpy as jnp
import numpy as np

B = 65536
N_UNIT = 100


def setup_inputs(seed: int = 0) -> dict:
    key = jax.random.key(seed)
    ks = jax.random.split(key, 6)
    error = jax.random.normal(ks[0], (B, 1), dtype=jnp.float32)
    p_gen = jax.random.uniform(ks[1], (B, N_UNIT), dtype=jnp.float32)
    C_up = jax.random.normal(ks[2], (N_UNIT,), dtype=jnp.float32)
    C_down = jax.random.normal(ks[3], (N_UNIT,), dtype=jnp.float32)
    Pmax = jax.random.uniform(ks[4], (N_UNIT,), dtype=jnp.float32) + 1.0
    w_capacity = jax.random.uniform(ks[5], (1,), dtype=jnp.float32) * 10.0
    return {"error": error, "p_gen": p_gen, "C_up": C_up, "C_down": C_down, "Pmax": Pmax, "w_capacity": w_capacity}


def _redispatch(error, p_gen, C_up, C_down, Pmax, w_capacity):
    Bn = error.shape[0]
    n_unit = p_gen.shape[1]
    err_flat = error.reshape(-1)
    wcap = w_capacity.reshape(())
    mask_up = err_flat < 0
    mask_down = err_flat > 0
    # merit-order: cheapest up-reserve first, most expensive down-reserve first
    order_up = jnp.argsort(C_up)
    order_down = jnp.argsort(-C_down)
    target_up = jnp.abs(wcap * err_flat)
    target_down = wcap * err_flat

    pmax_up = Pmax[order_up]                 # [n_unit]
    pgen_up = p_gen[:, order_up].T           # [n_unit, B]

    def step_up(cum, xs):
        pmax_g, pgen_g = xs
        r = jnp.minimum(target_up - cum, pmax_g - pgen_g)
        r = jnp.maximum(r, 0.0)
        r = jnp.where(mask_up, r, 0.0)
        return cum + r, r

    _, r_up_sorted = jax.lax.scan(step_up, jnp.zeros((Bn,), jnp.float32), (pmax_up, pgen_up))
    r_up = jnp.zeros((Bn, n_unit), jnp.float32).at[:, order_up].set(r_up_sorted.T)

    pgen_down = p_gen[:, order_down].T       # [n_unit, B]

    def step_down(cum, pgen_g):
        r = jnp.minimum(target_down - cum, pgen_g)
        r = jnp.maximum(r, 0.0)
        r = jnp.where(mask_down, r, 0.0)
        return cum + r, r

    _, r_down_sorted = jax.lax.scan(step_down, jnp.zeros((Bn,), jnp.float32), pgen_down)
    r_down = jnp.zeros((Bn, n_unit), jnp.float32).at[:, order_down].set(r_down_sorted.T)
    return r_up, r_down


def reference(error, p_gen, C_up, C_down, Pmax, w_capacity):
    return _redispatch(error, p_gen, C_up, C_down, Pmax, w_capacity)

if __name__ == "__main__":
    import jax
    _d = setup_inputs()
    print(jax.jit(kernel)(*tuple(_d.values())))

</pallas_src>

<mosaic_0001>
#map = affine_map<(d0, d1) -> (0)>
#map1 = affine_map<(d0, d1) -> (0, 0)>
module attributes {stable_mosaic.version = 14 : i64} {
  func.func @_sc_body(%arg0: i32, %arg1: i32, %arg2: memref<65536xf32, #tpu.memory_space<hbm>>, %arg3: memref<65536x100xf32, #tpu.memory_space<hbm>>, %arg4: memref<112xf32, #tpu.memory_space<hbm>>, %arg5: memref<112xf32, #tpu.memory_space<hbm>>, %arg6: memref<112xf32, #tpu.memory_space<hbm>>, %arg7: memref<16xf32, #tpu.memory_space<hbm>>, %arg8: memref<65536x100xf32, #tpu.memory_space<hbm>>, %arg9: memref<65536x100xf32, #tpu.memory_space<hbm>>, %arg10: memref<112xf32, #tpu.memory_space<vmem>>, %arg11: memref<112xf32, #tpu.memory_space<vmem>>, %arg12: memref<112xf32, #tpu.memory_space<vmem>>, %arg13: memref<112xf32, #tpu.memory_space<vmem>>, %arg14: memref<112xi32, #tpu.memory_space<vmem>>, %arg15: memref<112xi32, #tpu.memory_space<vmem>>, %arg16: memref<16xf32, #tpu.memory_space<vmem>>, %arg17: memref<2048xf32, #tpu.memory_space<vmem>>, %arg18: memref<128x100xf32, #tpu.memory_space<vmem>>, %arg19: memref<128x100xf32, #tpu.memory_space<vmem>>, %arg20: memref<128x100xf32, #tpu.memory_space<vmem>>, %arg21: memref<128x100xf32, #tpu.memory_space<vmem>>, %arg22: memref<128x100xf32, #tpu.memory_space<vmem>>, %arg23: memref<128x100xf32, #tpu.memory_space<vmem>>, %arg24: memref<!tpu.dma_semaphore, #tpu.memory_space<semaphore_mem>>, %arg25: memref<!tpu.dma_semaphore, #tpu.memory_space<semaphore_mem>>, %arg26: memref<!tpu.dma_semaphore, #tpu.memory_space<semaphore_mem>>, %arg27: memref<!tpu.dma_semaphore, #tpu.memory_space<semaphore_mem>>, %arg28: memref<!tpu.dma_semaphore, #tpu.memory_space<semaphore_mem>>, %arg29: memref<!tpu.dma_semaphore, #tpu.memory_space<semaphore_mem>>) attributes {dimension_semantics = [#tpu.dimension_semantics<core_parallel>, #tpu.dimension_semantics<subcore_parallel>], iteration_bounds = array<i64: 2, 16>, scalar_prefetch = 0 : i64, scratch_operands = 20 : i64, tpu.core_type = #tpu.core_type<sc_vector_subcore>, window_params = [{transform_indices = #map}, {transform_indices = #map1}, {transform_indices = #map}, {transform_indices = #map}, {transform_indices = #map}, {transform_indices = #map}, {transform_indices = #map1}, {transform_indices = #map1}]} {
    %mul3A = arith.constant 2 : i32
    %mul3A_0 = arith.muli %arg1, %mul3A : i32
    %add3A = arith.addi %mul3A_0, %arg0 : i32
    %mul3A_1 = arith.constant 2048 : i32
    %mul3A_2 = arith.muli %add3A, %mul3A_1 : i32
    "tpu.region"() ({
      %run_scoped3A = tpu.sem_alloc : memref<!tpu.dma_semaphore, #tpu.memory_space<semaphore_mem>>
      tpu.enqueue_dma source(%arg4 : memref<112xf32, #tpu.memory_space<hbm>>) target(%arg10 : memref<112xf32, #tpu.memory_space<vmem>>) target_semaphore(%run_scoped3A : memref<!tpu.dma_semaphore, #tpu.memory_space<semaphore_mem>>)
      tpu.wait_dma2 semaphore(%run_scoped3A : memref<!tpu.dma_semaphore, #tpu.memory_space<semaphore_mem>>) src(%arg4 : memref<112xf32, #tpu.memory_space<hbm>>) dst(%arg10 : memref<112xf32, #tpu.memory_space<vmem>>)
      tpu.yield
    }) : () -> ()
    "tpu.region"() ({
      %run_scoped3A = tpu.sem_alloc : memref<!tpu.dma_semaphore, #tpu.memory_space<semaphore_mem>>
      tpu.enqueue_dma source(%arg5 : memref<112xf32, #tpu.memory_space<hbm>>) target(%arg11 : memref<112xf32, #tpu.memory_space<vmem>>) target_semaphore(%run_scoped3A : memref<!tpu.dma_semaphore, #tpu.memory_space<semaphore_mem>>)
      tpu.wait_dma2 semaphore(%run_scoped3A : memref<!tpu.dma_semaphore, #tpu.memory_space<semaphore_mem>>) src(%arg5 : memref<112xf32, #tpu.memory_space<hbm>>) dst(%arg11 : memref<112xf32, #tpu.memory_space<vmem>>)
      tpu.yield
    }) : () -> ()
    "tpu.region"() ({
      %run_scoped3A = tpu.sem_alloc : memref<!tpu.dma_semaphore, #tpu.memory_space<semaphore_mem>>
      tpu.enqueue_dma source(%arg6 : memref<112xf32, #tpu.memory_space<hbm>>) target(%arg12 : memref<112xf32, #tpu.memory_space<vmem>>) target_semaphore(%run_scoped3A : memref<!tpu.dma_semaphore, #tpu.memory_space<semaphore_mem>>)
      tpu.wait_dma2 semaphore(%run_scoped3A : memref<!tpu.dma_semaphore, #tpu.memory_space<semaphore_mem>>) src(%arg6 : memref<112xf32, #tpu.memory_space<hbm>>) dst(%arg12 : memref<112xf32, #tpu.memory_space<vmem>>)
      tpu.yield
    }) : () -> ()
    "tpu.region"() ({
      %run_scoped3A = tpu.sem_alloc : memref<!tpu.dma_semaphore, #tpu.memory_space<semaphore_mem>>
      tpu.enqueue_dma source(%arg7 : memref<16xf32, #tpu.memory_space<hbm>>) target(%arg16 : memref<16xf32, #tpu.memory_space<vmem>>) target_semaphore(%run_scoped3A : memref<!tpu.dma_semaphore, #tpu.memory_space<semaphore_mem>>)
      tpu.wait_dma2 semaphore(%run_scoped3A : memref<!tpu.dma_semaphore, #tpu.memory_space<semaphore_mem>>) src(%arg7 : memref<16xf32, #tpu.memory_space<hbm>>) dst(%arg16 : memref<16xf32, #tpu.memory_space<vmem>>)
      tpu.yield
    }) : () -> ()
    "tpu.region"() ({
      %run_scoped3A = tpu.sem_alloc : memref<!tpu.dma_semaphore, #tpu.memory_space<semaphore_mem>>
      %dma_start3A_92 = tpu.memref_slice %arg2[%mul3A_2] : memref<65536xf32, #tpu.memory_space<hbm>> -> memref<2048xf32, #tpu.memory_space<hbm>>
      %dma_start3A_93 = tpu.memref_slice %arg2[%mul3A_2] : memref<65536xf32, #tpu.memory_space<hbm>> -> memref<2048xf32, #tpu.memory_space<hbm>>
      tpu.enqueue_dma source(%dma_start3A_93 : memref<2048xf32, #tpu.memory_space<hbm>>) target(%arg17 : memref<2048xf32, #tpu.memory_space<vmem>>) target_semaphore(%run_scoped3A : memref<!tpu.dma_semaphore, #tpu.memory_space<semaphore_mem>>)
      %dma_wait3A_94 = tpu.memref_slice %arg2[%mul3A_2] : memref<65536xf32, #tpu.memory_space<hbm>> -> memref<2048xf32, #tpu.memory_space<hbm>>
      %dma_wait3A_95 = tpu.memref_slice %arg2[%mul3A_2] : memref<65536xf32, #tpu.memory_space<hbm>> -> memref<2048xf32, #tpu.memory_space<hbm>>
      tpu.wait_dma2 semaphore(%run_scoped3A : memref<!tpu.dma_semaphore, #tpu.memory_space<semaphore_mem>>) src(%dma_wait3A_95 : memref<2048xf32, #tpu.memory_space<hbm>>) dst(%arg17 : memref<2048xf32, #tpu.memory_space<vmem>>)
      tpu.yield
    }) : () -> ()
    %iota3A = tpu.iota {dimensions = array<i32: 0>} : vector<16xi32>
    %eq3A = arith.constant 0 : i32
    %eq3A_3 = vector.broadcast %eq3A : i32 to vector<16xi32>
    %eq3A_4 = arith.cmpi eq, %iota3A, %eq3A_3 : vector<16xi32>
    %broadcast_in_dim3A = arith.constant 0.000000e+00 : f32
    %broadcast_in_dim3A_5 = vector.broadcast %broadcast_in_dim3A : f32 to vector<16xf32>
    %scan3A = arith.constant 0 : i32
    %scan3A_6 = arith.constant 0 : i32
    %scan3A_7 = arith.constant 100 : i32
    %scan3A_8 = arith.addi %scan3A_6, %scan3A_7 : i32
    %scan3A_9 = arith.constant 1 : i32
    scf.for %scan3A_92 = %scan3A_6 to %scan3A_8 step %scan3A_9  : i32 {
      %broadcast_in_dim3A_93 = vector.broadcast %scan3A_92 : i32 to vector<16xi32>
      %gather3A = tpu.vector_load_idx %arg10[%broadcast_in_dim3A_93] : memref<112xf32, #tpu.memory_space<vmem>>[vector<16xi32>], vector<16xf32>,
      %gather3A_94 = tpu.vector_load_idx %arg11[%broadcast_in_dim3A_93] : memref<112xf32, #tpu.memory_space<vmem>>[vector<16xi32>], vector<16xf32>,
      %broadcast_in_dim3A_95 = arith.constant 0 : i32
      %broadcast_in_dim3A_96 = vector.broadcast %broadcast_in_dim3A_95 : i32 to vector<16xi32>
      %broadcast_in_dim3A_97 = arith.constant 0 : i32
      %broadcast_in_dim3A_98 = vector.broadcast %broadcast_in_dim3A_97 : i32 to vector<16xi32>
      %get3A_99 = arith.constant 0 : index
      %get3A_100 = tpu.vector_load %arg10[%get3A_99] {strides = array<i32>} : memref<112xf32, #tpu.memory_space<vmem>>, vector<16xf32>,
      %get3A_101 = arith.constant 0 : index
      %get3A_102 = tpu.vector_load %arg11[%get3A_101] {strides = array<i32>} : memref<112xf32, #tpu.memory_space<vmem>>, vector<16xf32>,
      %add3A_103 = arith.constant 0 : i32
      %add3A_104 = vector.broadcast %add3A_103 : i32 to vector<16xi32>
      %add3A_105 = arith.addi %iota3A, %add3A_104 : vector<16xi32>
      %lt3A_106 = arith.cmpi slt, %add3A_105, %broadcast_in_dim3A_93 : vector<16xi32>
      %lt3A_107 = arith.cmpf olt, %get3A_100, %gather3A : vector<16xf32>
      %eq3A_108 = arith.cmpf oeq, %get3A_100, %gather3A : vector<16xf32>
      %and3A = arith.andi %eq3A_108, %lt3A_106 : vector<16xi1>
      %or3A = arith.ori %lt3A_107, %and3A : vector<16xi1>
      %gt3A = arith.cmpf ogt, %get3A_102, %gather3A_94 : vector<16xf32>
      %eq3A_109 = arith.cmpf oeq, %get3A_102, %gather3A_94 : vector<16xf32>
      %and3A_110 = arith.andi %eq3A_109, %lt3A_106 : vector<16xi1>
      %or3A_111 = arith.ori %gt3A, %and3A_110 : vector<16xi1>
      %convert_element_type3A = arith.extui %or3A : vector<16xi1> to vector<16xi32>
      %add3A_112 = arith.addi %broadcast_in_dim3A_96, %convert_element_type3A : vector<16xi32>
      %convert_element_type3A_113 = arith.extui %or3A_111 : vector<16xi1> to vector<16xi32>
      %add3A_114 = arith.addi %broadcast_in_dim3A_98, %convert_element_type3A_113 : vector<16xi32>
      %get3A_115 = arith.constant 16 : index
      %get3A_116 = tpu.vector_load %arg10[%get3A_115] {strides = array<i32>} : memref<112xf32, #tpu.memory_space<vmem>>, vector<16xf32>,
      %get3A_117 = arith.constant 16 : index
      %get3A_118 = tpu.vector_load %arg11[%get3A_117] {strides = array<i32>} : memref<112xf32, #tpu.memory_space<vmem>>, vector<16xf32>,
      %add3A_119 = arith.constant 16 : i32
      %add3A_120 = vector.broadcast %add3A_119 : i32 to vector<16xi32>
      %add3A_121 = arith.addi %iota3A, %add3A_120 : vector<16xi32>
      %lt3A_122 = arith.cmpi slt, %add3A_121, %broadcast_in_dim3A_93 : vector<16xi32>
      %lt3A_123 = arith.cmpf olt, %get3A_116, %gather3A : vector<16xf32>
      %eq3A_124 = arith.cmpf oeq, %get3A_116, %gather3A : vector<16xf32>
      %and3A_125 = arith.andi %eq3A_124, %lt3A_122 : vector<16xi1>
      %or3A_126 = arith.ori %lt3A_123, %and3A_125 : vector<16xi1>
      %gt3A_127 = arith.cmpf ogt, %get3A_118, %gather3A_94 : vector<16xf32>
      %eq3A_128 = arith.cmpf oeq, %get3A_118, %gather3A_94 : vector<16xf32>
      %and3A_129 = arith.andi %eq3A_128, %lt3A_122 : vector<16xi1>
      %or3A_130 = arith.ori %gt3A_127, %and3A_129 : vector<16xi1>
      %convert_element_type3A_131 = arith.extui %or3A_126 : vector<16xi1> to vector<16xi32>
      %add3A_132 = arith.addi %add3A_112, %convert_element_type3A_131 : vector<16xi32>
      %convert_element_type3A_133 = arith.extui %or3A_130 : vector<16xi1> to vector<16xi32>
      %add3A_134 = arith.addi %add3A_114, %convert_element_type3A_133 : vector<16xi32>
      %get3A_135 = arith.constant 32 : index
      %get3A_136 = tpu.vector_load %arg10[%get3A_135] {strides = array<i32>} : memref<112xf32, #tpu.memory_space<vmem>>, vector<16xf32>,
      %get3A_137 = arith.constant 32 : index
      %get3A_138 = tpu.vector_load %arg11[%get3A_137] {strides = array<i32>} : memref<112xf32, #tpu.memory_space<vmem>>, vector<16xf32>,
      %add3A_139 = arith.constant 32 : i32
      %add3A_140 = vector.broadcast %add3A_139 : i32 to vector<16xi32>
      %add3A_141 = arith.addi %iota3A, %add3A_140 : vector<16xi32>
      %lt3A_142 = arith.cmpi slt, %add3A_141, %broadcast_in_dim3A_93 : vector<16xi32>
      %lt3A_143 = arith.cmpf olt, %get3A_136, %gather3A : vector<16xf32>
      %eq3A_144 = arith.cmpf oeq, %get3A_136, %gather3A : vector<16xf32>
      %and3A_145 = arith.andi %eq3A_144, %lt3A_142 : vector<16xi1>
      %or3A_146 = arith.ori %lt3A_143, %and3A_145 : vector<16xi1>
      %gt3A_147 = arith.cmpf ogt, %get3A_138, %gather3A_94 : vector<16xf32>
      %eq3A_148 = arith.cmpf oeq, %get3A_138, %gather3A_94 : vector<16xf32>
      %and3A_149 = arith.andi %eq3A_148, %lt3A_142 : vector<16xi1>
      %or3A_150 = arith.ori %gt3A_147, %and3A_149 : vector<16xi1>
      %convert_element_type3A_151 = arith.extui %or3A_146 : vector<16xi1> to vector<16xi32>
      %add3A_152 = arith.addi %add3A_132, %convert_element_type3A_151 : vector<16xi32>
      %convert_element_type3A_153 = arith.extui %or3A_150 : vector<16xi1> to vector<16xi32>
      %add3A_154 = arith.addi %add3A_134, %convert_element_type3A_153 : vector<16xi32>
      %get3A_155 = arith.constant 48 : index
      %get3A_156 = tpu.vector_load %arg10[%get3A_155] {strides = array<i32>} : memref<112xf32, #tpu.memory_space<vmem>>, vector<16xf32>,
      %get3A_157 = arith.constant 48 : index
      %get3A_158 = tpu.vector_load %arg11[%get3A_157] {strides = array<i32>} : memref<112xf32, #tpu.memory_space<vmem>>, vector<16xf32>,
      %add3A_159 = arith.constant 48 : i32
      %add3A_160 = vector.broadcast %add3A_159 : i32 to vector<16xi32>
      %add3A_161 = arith.addi %iota3A, %add3A_160 : vector<16xi32>
      %lt3A_162 = arith.cmpi slt, %add3A_161, %broadcast_in_dim3A_93 : vector<16xi32>
      %lt3A_163 = arith.cmpf olt, %get3A_156, %gather3A : vector<16xf32>
      %eq3A_164 = arith.cmpf oeq, %get3A_156, %gather3A : vector<16xf32>
      %and3A_165 = arith.andi %eq3A_164, %lt3A_162 : vector<16xi1>
      %or3A_166 = arith.ori %lt3A_163, %and3A_165 : vector<16xi1>
      %gt3A_167 = arith.cmpf ogt, %get3A_158, %gather3A_94 : vector<16xf32>
      %eq3A_168 = arith.cmpf oeq, %get3A_158, %gather3A_94 : vector<16xf32>
      %and3A_169 = arith.andi %eq3A_168, %lt3A_162 : vector<16xi1>
      %or3A_170 = arith.ori %gt3A_167, %and3A_169 : vector<16xi1>
      %convert_element_type3A_171 = arith.extui %or3A_166 : vector<16xi1> to vector<16xi32>
      %add3A_172 = arith.addi %add3A_152, %convert_element_type3A_171 : vector<16xi32>
      %convert_element_type3A_173 = arith.extui %or3A_170 : vector<16xi1> to vector<16xi32>
      %add3A_174 = arith.addi %add3A_154, %convert_element_type3A_173 : vector<16xi32>
      %get3A_175 = arith.constant 64 : index
      %get3A_176 = tpu.vector_load %arg10[%get3A_175] {strides = array<i32>} : memref<112xf32, #tpu.memory_space<vmem>>, vector<16xf32>,
      %get3A_177 = arith.constant 64 : index
      %get3A_178 = tpu.vector_load %arg11[%get3A_177] {strides = array<i32>} : memref<112xf32, #tpu.memory_space<vmem>>, vector<16xf32>,
      %add3A_179 = arith.constant 64 : i32
      %add3A_180 = vector.broadcast %add3A_179 : i32 to vector<16xi32>
      %add3A_181 = arith.addi %iota3A, %add3A_180 : vector<16xi32>
      %lt3A_182 = arith.cmpi slt, %add3A_181, %broadcast_in_dim3A_93 : vector<16xi32>
      %lt3A_183 = arith.cmpf olt, %get3A_176, %gather3A : vector<16xf32>
      %eq3A_184 = arith.cmpf oeq, %get3A_176, %gather3A : vector<16xf32>
      %and3A_185 = arith.andi %eq3A_184, %lt3A_182 : vector<16xi1>
      %or3A_186 = arith.ori %lt3A_183, %and3A_185 : vector<16xi1>
      %gt3A_187 = arith.cmpf ogt, %get3A_178, %gather3A_94 : vector<16xf32>
      %eq3A_188 = arith.cmpf oeq, %get3A_178, %gather3A_94 : vector<16xf32>
      %and3A_189 = arith.andi %eq3A_188, %lt3A_182 : vector<16xi1>
      %or3A_190 = arith.ori %gt3A_187, %and3A_189 : vector<16xi1>
      %convert_element_type3A_191 = arith.extui %or3A_186 : vector<16xi1> to vector<16xi32>
      %add3A_192 = arith.addi %add3A_172, %convert_element_type3A_191 : vector<16xi32>
      %convert_element_type3A_193 = arith.extui %or3A_190 : vector<16xi1> to vector<16xi32>
      %add3A_194 = arith.addi %add3A_174, %convert_element_type3A_193 : vector<16xi32>
      %get3A_195 = arith.constant 80 : index
      %get3A_196 = tpu.vector_load %arg10[%get3A_195] {strides = array<i32>} : memref<112xf32, #tpu.memory_space<vmem>>, vector<16xf32>,
      %get3A_197 = arith.constant 80 : index
      %get3A_198 = tpu.vector_load %arg11[%get3A_197] {strides = array<i32>} : memref<112xf32, #tpu.memory_space<vmem>>, vector<16xf32>,
      %add3A_199 = arith.constant 80 : i32
      %add3A_200 = vector.broadcast %add3A_199 : i32 to vector<16xi32>
      %add3A_201 = arith.addi %iota3A, %add3A_200 : vector<16xi32>
      %lt3A_202 = arith.cmpi slt, %add3A_201, %broadcast_in_dim3A_93 : vector<16xi32>
      %lt3A_203 = arith.cmpf olt, %get3A_196, %gather3A : vector<16xf32>
      %eq3A_204 = arith.cmpf oeq, %get3A_196, %gather3A : vector<16xf32>
      %and3A_205 = arith.andi %eq3A_204, %lt3A_202 : vector<16xi1>
      %or3A_206 = arith.ori %lt3A_203, %and3A_205 : vector<16xi1>
      %gt3A_207 = arith.cmpf ogt, %get3A_198, %gather3A_94 : vector<16xf32>
      %eq3A_208 = arith.cmpf oeq, %get3A_198, %gather3A_94 : vector<16xf32>
      %and3A_209 = arith.andi %eq3A_208, %lt3A_202 : vector<16xi1>
      %or3A_210 = arith.ori %gt3A_207, %and3A_209 : vector<16xi1>
      %convert_element_type3A_211 = arith.extui %or3A_206 : vector<16xi1> to vector<16xi32>
      %add3A_212 = arith.addi %add3A_192, %convert_element_type3A_211 : vector<16xi32>
      %convert_element_type3A_213 = arith.extui %or3A_210 : vector<16xi1> to vector<16xi32>
      %add3A_214 = arith.addi %add3A_194, %convert_element_type3A_213 : vector<16xi32>
      %get3A_215 = arith.constant 96 : index
      %get3A_216 = tpu.vector_load %arg10[%get3A_215] {strides = array<i32>} : memref<112xf32, #tpu.memory_space<vmem>>, vector<16xf32>,
      %get3A_217 = arith.constant 96 : index
      %get3A_218 = tpu.vector_load %arg11[%get3A_217] {strides = array<i32>} : memref<112xf32, #tpu.memory_space<vmem>>, vector<16xf32>,
      %add3A_219 = arith.constant 96 : i32
      %add3A_220 = vector.broadcast %add3A_219 : i32 to vector<16xi32>
      %add3A_221 = arith.addi %iota3A, %add3A_220 : vector<16xi32>
      %lt3A_222 = arith.cmpi slt, %add3A_221, %broadcast_in_dim3A_93 : vector<16xi32>
      %lt3A_223 = arith.cmpf olt, %get3A_216, %gather3A : vector<16xf32>
      %eq3A_224 = arith.cmpf oeq, %get3A_216, %gather3A : vector<16xf32>
      %and3A_225 = arith.andi %eq3A_224, %lt3A_222 : vector<16xi1>
      %or3A_226 = arith.ori %lt3A_223, %and3A_225 : vector<16xi1>
      %gt3A_227 = arith.cmpf ogt, %get3A_218, %gather3A_94 : vector<16xf32>
      %eq3A_228 = arith.cmpf oeq, %get3A_218, %gather3A_94 : vector<16xf32>
      %and3A_229 = arith.andi %eq3A_228, %lt3A_222 : vector<16xi1>
      %or3A_230 = arith.ori %gt3A_227, %and3A_229 : vector<16xi1>
      %convert_element_type3A_231 = arith.extui %or3A_226 : vector<16xi1> to vector<16xi32>
      %add3A_232 = arith.addi %add3A_212, %convert_element_type3A_231 : vector<16xi32>
      %convert_element_type3A_233 = arith.extui %or3A_230 : vector<16xi1> to vector<16xi32>
      %add3A_234 = arith.addi %add3A_214, %convert_element_type3A_233 : vector<16xi32>
      %reduce_sum3A = arith.constant true
      %reduce_sum3A_235 = vector.broadcast %reduce_sum3A : i1 to vector<16xi1>
      %reduce_sum3A_236 = tpu.scan <sum>, %add3A_232 masked %reduce_sum3A_235 : vector<16xi32>, vector<16xi1> -> vector<16xi32>
      %reduce_sum3A_237 = vector.extract %reduce_sum3A_236[15] : i32 from vector<16xi32>
      %broadcast_in_dim3A_238 = vector.broadcast %reduce_sum3A_237 : i32 to vector<16xi32>
      %reduce_sum3A_239 = arith.constant true
      %reduce_sum3A_240 = vector.broadcast %reduce_sum3A_239 : i1 to vector<16xi1>
      %reduce_sum3A_241 = tpu.scan <sum>, %add3A_234 masked %reduce_sum3A_240 : vector<16xi32>, vector<16xi1> -> vector<16xi32>
      %reduce_sum3A_242 = vector.extract %reduce_sum3A_241[15] : i32 from vector<16xi32>
      %broadcast_in_dim3A_243 = vector.broadcast %reduce_sum3A_242 : i32 to vector<16xi32>
      tpu.vector_store_idx %arg14[%broadcast_in_dim3A_238], %broadcast_in_dim3A_93 masked %eq3A_4 : memref<112xi32, #tpu.memory_space<vmem>>[vector<16xi32>], vector<16xi32>, vector<16xi1>
      tpu.vector_store_idx %arg15[%broadcast_in_dim3A_243], %broadcast_in_dim3A_93 masked %eq3A_4 : memref<112xi32, #tpu.memory_space<vmem>>[vector<16xi32>], vector<16xi32>, vector<16xi1>
      %gather3A_244 = tpu.vector_load_idx %arg12[%broadcast_in_dim3A_93] : memref<112xf32, #tpu.memory_space<vmem>>[vector<16xi32>], vector<16xf32>,
      tpu.vector_store_idx %arg13[%broadcast_in_dim3A_238], %gather3A_244 masked %eq3A_4 : memref<112xf32, #tpu.memory_space<vmem>>[vector<16xi32>], vector<16xf32>, vector<16xi1>
    }
    %scan3A_10 = arith.constant 100 : i32
    %get3A = arith.constant 0 : index
    %get3A_11 = tpu.vector_load %arg16[%get3A] {strides = array<i32>} : memref<16xf32, #tpu.memory_space<vmem>>, vector<16xf32>,
    %broadcast_in_dim3A_12 = arith.constant 15 : i32
    %broadcast_in_dim3A_13 = vector.broadcast %broadcast_in_dim3A_12 : i32 to vector<16x1xi32>
    %lt3A = arith.constant 4 : i32
    %lt3A_14 = vector.broadcast %lt3A : i32 to vector<16xi32>
    %lt3A_15 = arith.cmpi slt, %iota3A, %lt3A_14 : vector<16xi32>
    %get3A_16 = arith.constant 0 : index
    %get3A_17 = tpu.vector_load %arg14[%get3A_16] {strides = array<i32>} : memref<112xi32, #tpu.memory_space<vmem>>, vector<16xi32>,
    %get3A_18 = arith.constant 16 : index
    %get3A_19 = tpu.vector_load %arg14[%get3A_18] {strides = array<i32>} : memref<112xi32, #tpu.memory_space<vmem>>, vector<16xi32>,
    %get3A_20 = arith.constant 32 : index
    %get3A_21 = tpu.vector_load %arg14[%get3A_20] {strides = array<i32>} : memref<112xi32, #tpu.memory_space<vmem>>, vector<16xi32>,
    %get3A_22 = arith.constant 48 : index
    %get3A_23 = tpu.vector_load %arg14[%get3A_22] {strides = array<i32>} : memref<112xi32, #tpu.memory_space<vmem>>, vector<16xi32>,
    %get3A_24 = arith.constant 64 : index
    %get3A_25 = tpu.vector_load %arg14[%get3A_24] {strides = array<i32>} : memref<112xi32, #tpu.memory_space<vmem>>, vector<16xi32>,
    %get3A_26 = arith.constant 80 : index
    %get3A_27 = tpu.vector_load %arg14[%get3A_26] {strides = array<i32>} : memref<112xi32, #tpu.memory_space<vmem>>, vector<16xi32>,
    %get3A_28 = arith.constant 96 : index
    %get3A_29 = tpu.vector_load %arg14[%get3A_28] {strides = array<i32>} : memref<112xi32, #tpu.memory_space<vmem>>, vector<16xi32>,
    %get3A_30 = arith.constant 0 : index
    %get3A_31 = tpu.vector_load %arg15[%get3A_30] {strides = array<i32>} : memref<112xi32, #tpu.memory_space<vmem>>, vector<16xi32>,
    %get3A_32 = arith.constant 16 : index
    %get3A_33 = tpu.vector_load %arg15[%get3A_32] {strides = array<i32>} : memref<112xi32, #tpu.memory_space<vmem>>, vector<16xi32>,
    %get3A_34 = arith.constant 32 : index
    %get3A_35 = tpu.vector_load %arg15[%get3A_34] {strides = array<i32>} : memref<112xi32, #tpu.memory_space<vmem>>, vector<16xi32>,
    %get3A_36 = arith.constant 48 : index
    %get3A_37 = tpu.vector_load %arg15[%get3A_36] {strides = array<i32>} : memref<112xi32, #tpu.memory_space<vmem>>, vector<16xi32>,
    %get3A_38 = arith.constant 64 : index
    %get3A_39 = tpu.vector_load %arg15[%get3A_38] {strides = array<i32>} : memref<112xi32, #tpu.memory_space<vmem>>, vector<16xi32>,
    %get3A_40 = arith.constant 80 : index
    %get3A_41 = tpu.vector_load %arg15[%get3A_40] {strides = array<i32>} : memref<112xi32, #tpu.memory_space<vmem>>, vector<16xi32>,
    %get3A_42 = arith.constant 96 : index
    %get3A_43 = tpu.vector_load %arg15[%get3A_42] {strides = array<i32>} : memref<112xi32, #tpu.memory_space<vmem>>, vector<16xi32>,
    %get3A_44 = arith.constant 0 : index
    %get3A_45 = tpu.vector_load %arg13[%get3A_44] {strides = array<i32>} : memref<112xf32, #tpu.memory_space<vmem>>, vector<16xf32>,
    %get3A_46 = arith.constant 16 : index
    %get3A_47 = tpu.vector_load %arg13[%get3A_46] {strides = array<i32>} : memref<112xf32, #tpu.memory_space<vmem>>, vector<16xf32>,
    %get3A_48 = arith.constant 32 : index
    %get3A_49 = tpu.vector_load %arg13[%get3A_48] {strides = array<i32>} : memref<112xf32, #tpu.memory_space<vmem>>, vector<16xf32>,
    %get3A_50 = arith.constant 48 : index
    %get3A_51 = tpu.vector_load %arg13[%get3A_50] {strides = array<i32>} : memref<112xf32, #tpu.memory_space<vmem>>, vector<16xf32>,
    %get3A_52 = arith.constant 64 : index
    %get3A_53 = tpu.vector_load %arg13[%get3A_52] {strides = array<i32>} : memref<112xf32, #tpu.memory_space<vmem>>, vector<16xf32>,
    %get3A_54 = arith.constant 80 : index
    %get3A_55 = tpu.vector_load %arg13[%get3A_54] {strides = array<i32>} : memref<112xf32, #tpu.memory_space<vmem>>, vector<16xf32>,
    %get3A_56 = arith.constant 96 : index
    %get3A_57 = tpu.vector_load %arg13[%get3A_56] {strides = array<i32>} : memref<112xf32, #tpu.memory_space<vmem>>, vector<16xf32>,
    %add3A_58 = arith.constant 0 : i32
    %add3A_59 = arith.addi %mul3A_2, %add3A_58 : i32
    %dma_start3A = arith.constant 0 : i32
    %dma_start3A_60 = tpu.memref_slice %arg3[%add3A_59, %dma_start3A] : memref<65536x100xf32, #tpu.memory_space<hbm>> -> memref<128x100xf32, #tpu.memory_space<hbm>>
    %dma_start3A_61 = arith.constant 0 : i32
    %dma_start3A_62 = tpu.memref_slice %arg3[%add3A_59, %dma_start3A_61] : memref<65536x100xf32, #tpu.memory_space<hbm>> -> memref<128x100xf32, #tpu.memory_space<hbm>>
    tpu.enqueue_dma source(%dma_start3A_62 : memref<128x100xf32, #tpu.memory_space<hbm>>) target(%arg18 : memref<128x100xf32, #tpu.memory_space<vmem>>) target_semaphore(%arg24 : memref<!tpu.dma_semaphore, #tpu.memory_space<semaphore_mem>>)
    %scan3A_63 = arith.constant 0 : i32
    %scan3A_64 = arith.constant 0 : i32
    %scan3A_65 = arith.constant 8 : i32
    %scan3A_66 = arith.addi %scan3A_64, %scan3A_65 : i32
    %scan3A_67 = arith.constant 1 : i32
    scf.for %scan3A_92 = %scan3A_64 to %scan3A_66 step %scan3A_67  : i32 {
      %mul3A_93 = arith.constant 2 : i32
      %mul3A_94 = arith.muli %mul3A_93, %scan3A_92 : i32
      %add3A_95 = arith.constant 1 : i32
      %add3A_96 = arith.addi %mul3A_94, %add3A_95 : i32
      %mul3A_97 = arith.constant 128 : i32
      %mul3A_98 = arith.muli %mul3A_94, %mul3A_97 : i32
      %add3A_99 = arith.addi %mul3A_2, %mul3A_98 : i32
      %dma_wait3A_100 = arith.constant 0 : i32
      %dma_wait3A_101 = tpu.memref_slice %arg3[%add3A_99, %dma_wait3A_100] : memref<65536x100xf32, #tpu.memory_space<hbm>> -> memref<128x100xf32, #tpu.memory_space<hbm>>
      %dma_wait3A_102 = arith.constant 0 : i32
      %dma_wait3A_103 = tpu.memref_slice %arg3[%add3A_99, %dma_wait3A_102] : memref<65536x100xf32, #tpu.memory_space<hbm>> -> memref<128x100xf32, #tpu.memory_space<hbm>>
      tpu.wait_dma2 semaphore(%arg24 : memref<!tpu.dma_semaphore, #tpu.memory_space<semaphore_mem>>) src(%dma_wait3A_103 : memref<128x100xf32, #tpu.memory_space<hbm>>) dst(%arg18 : memref<128x100xf32, #tpu.memory_space<vmem>>)
      %mul3A_104 = arith.constant 128 : i32
      %mul3A_105 = arith.muli %add3A_96, %mul3A_104 : i32
      %add3A_106 = arith.addi %mul3A_2, %mul3A_105 : i32
      %dma_start3A_107 = arith.constant 0 : i32
      %dma_start3A_108 = tpu.memref_slice %arg3[%add3A_106, %dma_start3A_107] : memref<65536x100xf32, #tpu.memory_space<hbm>> -> memref<128x100xf32, #tpu.memory_space<hbm>>
      %dma_start3A_109 = arith.constant 0 : i32
      %dma_start3A_110 = tpu.memref_slice %arg3[%add3A_106, %dma_start3A_109] : memref<65536x100xf32, #tpu.memory_space<hbm>> -> memref<128x100xf32, #tpu.memory_space<hbm>>
      tpu.enqueue_dma source(%dma_start3A_110 : memref<128x100xf32, #tpu.memory_space<hbm>>) target(%arg19 : memref<128x100xf32, #tpu.memory_space<vmem>>) target_semaphore(%arg25 : memref<!tpu.dma_semaphore, #tpu.memory_space<semaphore_mem>>)
      %gt3A = arith.constant 0 : i32
      %gt3A_111 = arith.cmpi sgt, %scan3A_92, %gt3A : i32
      %convert_element_type3A = arith.extui %gt3A_111 : i1 to i32
      %cond3A = arith.constant 0 : i32
      %cond3A_112 = arith.cmpi ne, %convert_element_type3A, %cond3A : i32
      scf.if %cond3A_112 {
        %sub3A = arith.constant 2 : i32
        %sub3A_170 = arith.subi %mul3A_94, %sub3A : i32
        %mul3A_171 = arith.constant 128 : i32
        %mul3A_172 = arith.muli %sub3A_170, %mul3A_171 : i32
        %add3A_173 = arith.addi %mul3A_2, %mul3A_172 : i32
        %dma_wait3A_174 = arith.constant 0 : i32
        %dma_wait3A_175 = tpu.memref_slice %arg8[%add3A_173, %dma_wait3A_174] : memref<65536x100xf32, #tpu.memory_space<hbm>> -> memref<128x100xf32, #tpu.memory_space<hbm>>
        %dma_wait3A_176 = arith.constant 0 : i32
        %dma_wait3A_177 = tpu.memref_slice %arg8[%add3A_173, %dma_wait3A_176] : memref<65536x100xf32, #tpu.memory_space<hbm>> -> memref<128x100xf32, #tpu.memory_space<hbm>>
        tpu.wait_dma2 semaphore(%arg26 : memref<!tpu.dma_semaphore, #tpu.memory_space<semaphore_mem>>) src(%arg20 : memref<128x100xf32, #tpu.memory_space<vmem>>) dst(%dma_wait3A_177 : memref<128x100xf32, #tpu.memory_space<hbm>>)
        %sub3A_178 = arith.constant 2 : i32
        %sub3A_179 = arith.subi %mul3A_94, %sub3A_178 : i32
        %mul3A_180 = arith.constant 128 : i32
        %mul3A_181 = arith.muli %sub3A_179, %mul3A_180 : i32
        %add3A_182 = arith.addi %mul3A_2, %mul3A_181 : i32
        %dma_wait3A_183 = arith.constant 0 : i32
        %dma_wait3A_184 = tpu.memref_slice %arg9[%add3A_182, %dma_wait3A_183] : memref<65536x100xf32, #tpu.memory_space<hbm>> -> memref<128x100xf32, #tpu.memory_space<hbm>>
        %dma_wait3A_185 = arith.constant 0 : i32
        %dma_wait3A_186 = tpu.memref_slice %arg9[%add3A_182, %dma_wait3A_185] : memref<65536x100xf32, #tpu.memory_space<hbm>> -> memref<128x100xf32, #tpu.memory_space<hbm>>
        tpu.wait_dma2 semaphore(%arg28 : memref<!tpu.dma_semaphore, #tpu.memory_space<semaphore_mem>>) src(%arg22 : memref<128x100xf32, #tpu.memory_space<vmem>>) dst(%dma_wait3A_186 : memref<128x100xf32, #tpu.memory_space<hbm>>)
      } else {
      }
      %scan3A_113 = arith.constant 0 : i32
      %scan3A_114 = arith.constant 0 : i32
      %scan3A_115 = arith.constant 64 : i32
      %scan3A_116 = arith.addi %scan3A_114, %scan3A_115 : i32
      %scan3A_117 = arith.constant 1 : i32
      scf.for %scan3A_170 = %scan3A_114 to %scan3A_116 step %scan3A_117  : i32 {
        %mul3A_171 = arith.constant 2 : i32
        %mul3A_172 = arith.muli %mul3A_171, %scan3A_170 : i32
        %add3A_173 = arith.constant 0 : i32
        %add3A_174 = arith.addi %mul3A_172, %add3A_173 : i32
        %mul3A_175 = arith.constant 128 : i32
        %mul3A_176 = arith.muli %mul3A_94, %mul3A_175 : i32
        %add3A_177 = arith.addi %mul3A_176, %add3A_174 : i32
        %broadcast_in_dim3A_178 = vector.broadcast %add3A_177 : i32 to vector<16xi32>
        %gather3A = tpu.vector_load_idx %arg17[%broadcast_in_dim3A_178] : memref<2048xf32, #tpu.memory_space<vmem>>[vector<16xi32>], vector<16xf32>,
        %lt3A_179 = arith.constant 0.000000e+00 : f32
        %lt3A_180 = vector.broadcast %lt3A_179 : f32 to vector<16xf32>
        %lt3A_181 = arith.cmpf olt, %gather3A, %lt3A_180 : vector<16xf32>
        %mul3A_182 = arith.mulf %get3A_11, %gather3A : vector<16xf32>
        %abs3A = math.absf %mul3A_182 : vector<16xf32>
        %jit3A = arith.constant 0.000000e+00 : f32
        %broadcast_in_dim3A_183 = vector.broadcast %jit3A : f32 to vector<16xf32>
        %select_n3A = arith.select %lt3A_181, %abs3A, %broadcast_in_dim3A_183 : vector<16xi1>, vector<16xf32>
        %gt3A_184 = arith.constant 0.000000e+00 : f32
        %gt3A_185 = vector.broadcast %gt3A_184 : f32 to vector<16xf32>
        %gt3A_186 = arith.cmpf ogt, %gather3A, %gt3A_185 : vector<16xf32>
        %mul3A_187 = arith.mulf %get3A_11, %gather3A : vector<16xf32>
        %jit3A_188 = arith.constant 0.000000e+00 : f32
        %broadcast_in_dim3A_189 = vector.broadcast %jit3A_188 : f32 to vector<16xf32>
        %select_n3A_190 = arith.select %gt3A_186, %mul3A_187, %broadcast_in_dim3A_189 : vector<16xi1>, vector<16xf32>
        %broadcast_in_dim3A_191 = vector.broadcast %add3A_174 : i32 to vector<16xi32>
        %gather3A_192 = tpu.vector_load_idx %arg18[%broadcast_in_dim3A_191, %get3A_17] : memref<128x100xf32, #tpu.memory_space<vmem>>[vector<16xi32>, vector<16xi32>], vector<16xf32>,
        %gather3A_193 = tpu.vector_load_idx %arg18[%broadcast_in_dim3A_191, %get3A_31] : memref<128x100xf32, #tpu.memory_space<vmem>>[vector<16xi32>, vector<16xi32>], vector<16xf32>,
        %sub3A = arith.subf %get3A_45, %gather3A_192 : vector<16xf32>
        %max3A = arith.constant 0.000000e+00 : f32
        %max3A_194 = vector.broadcast %max3A : f32 to vector<16xf32>
        %max3A_195 = arith.maximumf %sub3A, %max3A_194 : vector<16xf32>
        %max3A_196 = arith.constant 0.000000e+00 : f32
        %max3A_197 = vector.broadcast %max3A_196 : f32 to vector<16xf32>
        %max3A_198 = arith.maximumf %gather3A_193, %max3A_197 : vector<16xf32>
        %gather3A_199 = tpu.vector_load_idx %arg18[%broadcast_in_dim3A_191, %get3A_19] : memref<128x100xf32, #tpu.memory_space<vmem>>[vector<16xi32>, vector<16xi32>], vector<16xf32>,
        %gather3A_200 = tpu.vector_load_idx %arg18[%broadcast_in_dim3A_191, %get3A_33] : memref<128x100xf32, #tpu.memory_space<vmem>>[vector<16xi32>, vector<16xi32>], vector<16xf32>,
        %sub3A_201 = arith.subf %get3A_47, %gather3A_199 : vector<16xf32>
        %max3A_202 = arith.constant 0.000000e+00 : f32
        %max3A_203 = vector.broadcast %max3A_202 : f32 to vector<16xf32>
        %max3A_204 = arith.maximumf %sub3A_201, %max3A_203 : vector<16xf32>
        %max3A_205 = arith.constant 0.000000e+00 : f32
        %max3A_206 = vector.broadcast %max3A_205 : f32 to vector<16xf32>
        %max3A_207 = arith.maximumf %gather3A_200, %max3A_206 : vector<16xf32>
        %gather3A_208 = tpu.vector_load_idx %arg18[%broadcast_in_dim3A_191, %get3A_21] : memref<128x100xf32, #tpu.memory_space<vmem>>[vector<16xi32>, vector<16xi32>], vector<16xf32>,
        %gather3A_209 = tpu.vector_load_idx %arg18[%broadcast_in_dim3A_191, %get3A_35] : memref<128x100xf32, #tpu.memory_space<vmem>>[vector<16xi32>, vector<16xi32>], vector<16xf32>,
        %sub3A_210 = arith.subf %get3A_49, %gather3A_208 : vector<16xf32>
        %max3A_211 = arith.constant 0.000000e+00 : f32
        %max3A_212 = vector.broadcast %max3A_211 : f32 to vector<16xf32>
        %max3A_213 = arith.maximumf %sub3A_210, %max3A_212 : vector<16xf32>
        %max3A_214 = arith.constant 0.000000e+00 : f32
        %max3A_215 = vector.broadcast %max3A_214 : f32 to vector<16xf32>
        %max3A_216 = arith.maximumf %gather3A_209, %max3A_215 : vector<16xf32>
        %gather3A_217 = tpu.vector_load_idx %arg18[%broadcast_in_dim3A_191, %get3A_23] : memref<128x100xf32, #tpu.memory_space<vmem>>[vector<16xi32>, vector<16xi32>], vector<16xf32>,
        %gather3A_218 = tpu.vector_load_idx %arg18[%broadcast_in_dim3A_191, %get3A_37] : memref<128x100xf32, #tpu.memory_space<vmem>>[vector<16xi32>, vector<16xi32>], vector<16xf32>,
        %sub3A_219 = arith.subf %get3A_51, %gather3A_217 : vector<16xf32>
        %max3A_220 = arith.constant 0.000000e+00 : f32
        %max3A_221 = vector.broadcast %max3A_220 : f32 to vector<16xf32>
        %max3A_222 = arith.maximumf %sub3A_219, %max3A_221 : vector<16xf32>
        %max3A_223 = arith.constant 0.000000e+00 : f32
        %max3A_224 = vector.broadcast %max3A_223 : f32 to vector<16xf32>
        %max3A_225 = arith.maximumf %gather3A_218, %max3A_224 : vector<16xf32>
        %gather3A_226 = tpu.vector_load_idx %arg18[%broadcast_in_dim3A_191, %get3A_25] : memref<128x100xf32, #tpu.memory_space<vmem>>[vector<16xi32>, vector<16xi32>], vector<16xf32>,
        %gather3A_227 = tpu.vector_load_idx %arg18[%broadcast_in_dim3A_191, %get3A_39] : memref<128x100xf32, #tpu.memory_space<vmem>>[vector<16xi32>, vector<16xi32>], vector<16xf32>,
        %sub3A_228 = arith.subf %get3A_53, %gather3A_226 : vector<16xf32>
        %max3A_229 = arith.constant 0.000000e+00 : f32
        %max3A_230 = vector.broadcast %max3A_229 : f32 to vector<16xf32>
        %max3A_231 = arith.maximumf %sub3A_228, %max3A_230 : vector<16xf32>
        %max3A_232 = arith.constant 0.000000e+00 : f32
        %max3A_233 = vector.broadcast %max3A_232 : f32 to vector<16xf32>
        %max3A_234 = arith.maximumf %gather3A_227, %max3A_233 : vector<16xf32>
        %gather3A_235 = tpu.vector_load_idx %arg18[%broadcast_in_dim3A_191, %get3A_27] : memref<128x100xf32, #tpu.memory_space<vmem>>[vector<16xi32>, vector<16xi32>], vector<16xf32>,
        %gather3A_236 = tpu.vector_load_idx %arg18[%broadcast_in_dim3A_191, %get3A_41] : memref<128x100xf32, #tpu.memory_space<vmem>>[vector<16xi32>, vector<16xi32>], vector<16xf32>,
        %sub3A_237 = arith.subf %get3A_55, %gather3A_235 : vector<16xf32>
        %max3A_238 = arith.constant 0.000000e+00 : f32
        %max3A_239 = vector.broadcast %max3A_238 : f32 to vector<16xf32>
        %max3A_240 = arith.maximumf %sub3A_237, %max3A_239 : vector<16xf32>
        %max3A_241 = arith.constant 0.000000e+00 : f32
        %max3A_242 = vector.broadcast %max3A_241 : f32 to vector<16xf32>
        %max3A_243 = arith.maximumf %gather3A_236, %max3A_242 : vector<16xf32>
        %gather3A_244 = tpu.vector_load_idx %arg18[%broadcast_in_dim3A_191, %get3A_29] masked %lt3A_15 : memref<128x100xf32, #tpu.memory_space<vmem>>[vector<16xi32>, vector<16xi32>], vector<16xf32>, vector<16xi1>
        %gather3A_245 = tpu.vector_load_idx %arg18[%broadcast_in_dim3A_191, %get3A_43] masked %lt3A_15 : memref<128x100xf32, #tpu.memory_space<vmem>>[vector<16xi32>, vector<16xi32>], vector<16xf32>, vector<16xi1>
        %sub3A_246 = arith.subf %get3A_57, %gather3A_244 : vector<16xf32>
        %max3A_247 = arith.constant 0.000000e+00 : f32
        %max3A_248 = vector.broadcast %max3A_247 : f32 to vector<16xf32>
        %max3A_249 = arith.maximumf %sub3A_246, %max3A_248 : vector<16xf32>
        %max3A_250 = arith.constant 0.000000e+00 : f32
        %max3A_251 = vector.broadcast %max3A_250 : f32 to vector<16xf32>
        %max3A_252 = arith.maximumf %gather3A_245, %max3A_251 : vector<16xf32>
        %jit3A_253 = arith.constant 0.000000e+00 : f32
        %broadcast_in_dim3A_254 = vector.broadcast %jit3A_253 : f32 to vector<16xf32>
        %select_n3A_255 = arith.select %lt3A_15, %max3A_249, %broadcast_in_dim3A_254 : vector<16xi1>, vector<16xf32>
        %jit3A_256 = arith.constant 0.000000e+00 : f32
        %broadcast_in_dim3A_257 = vector.broadcast %jit3A_256 : f32 to vector<16xf32>
        %select_n3A_258 = arith.select %lt3A_15, %max3A_252, %broadcast_in_dim3A_257 : vector<16xi1>, vector<16xf32>
        %broadcast_in_dim3A_259 = arith.constant true
        %broadcast_in_dim3A_260 = vector.broadcast %broadcast_in_dim3A_259 : i1 to vector<16xi1>
        %masked_cumsum3A = tpu.scan <sum>, %max3A_195 masked %broadcast_in_dim3A_260 : vector<16xf32>, vector<16xi1> -> vector<16xf32>
        %broadcast_in_dim3A_261 = arith.constant true
        %broadcast_in_dim3A_262 = vector.broadcast %broadcast_in_dim3A_261 : i1 to vector<16xi1>
        %masked_cumsum3A_263 = tpu.scan <sum>, %max3A_204 masked %broadcast_in_dim3A_262 : vector<16xf32>, vector<16xi1> -> vector<16xf32>
        %broadcast_in_dim3A_264 = arith.constant true
        %broadcast_in_dim3A_265 = vector.broadcast %broadcast_in_dim3A_264 : i1 to vector<16xi1>
        %masked_cumsum3A_266 = tpu.scan <sum>, %max3A_213 masked %broadcast_in_dim3A_265 : vector<16xf32>, vector<16xi1> -> vector<16xf32>
        %broadcast_in_dim3A_267 = arith.constant true
        %broadcast_in_dim3A_268 = vector.broadcast %broadcast_in_dim3A_267 : i1 to vector<16xi1>
        %masked_cumsum3A_269 = tpu.scan <sum>, %max3A_222 masked %broadcast_in_dim3A_268 : vector<16xf32>, vector<16xi1> -> vector<16xf32>
        %broadcast_in_dim3A_270 = arith.constant true
        %broadcast_in_dim3A_271 = vector.broadcast %broadcast_in_dim3A_270 : i1 to vector<16xi1>
        %masked_cumsum3A_272 = tpu.scan <sum>, %max3A_231 masked %broadcast_in_dim3A_271 : vector<16xf32>, vector<16xi1> -> vector<16xf32>
        %broadcast_in_dim3A_273 = arith.constant true
        %broadcast_in_dim3A_274 = vector.broadcast %broadcast_in_dim3A_273 : i1 to vector<16xi1>
        %masked_cumsum3A_275 = tpu.scan <sum>, %max3A_240 masked %broadcast_in_dim3A_274 : vector<16xf32>, vector<16xi1> -> vector<16xf32>
        %broadcast_in_dim3A_276 = arith.constant true
        %broadcast_in_dim3A_277 = vector.broadcast %broadcast_in_dim3A_276 : i1 to vector<16xi1>
        %masked_cumsum3A_278 = tpu.scan <sum>, %select_n3A_255 masked %broadcast_in_dim3A_277 : vector<16xf32>, vector<16xi1> -> vector<16xf32>
        %gather3A_279 = vector.shape_cast %broadcast_in_dim3A_13 : vector<16x1xi32> to vector<16xi32>
        %gather3A_280 = tpu.dynamic_gather %masked_cumsum3A[%gather3A_279] in [0] : vector<16xf32>, vector<16xi32> -> vector<16xf32>
        %gather3A_281 = vector.shape_cast %broadcast_in_dim3A_13 : vector<16x1xi32> to vector<16xi32>
        %gather3A_282 = tpu.dynamic_gather %masked_cumsum3A_263[%gather3A_281] in [0] : vector<16xf32>, vector<16xi32> -> vector<16xf32>
        %gather3A_283 = vector.shape_cast %broadcast_in_dim3A_13 : vector<16x1xi32> to vector<16xi32>
        %gather3A_284 = tpu.dynamic_gather %masked_cumsum3A_266[%gather3A_283] in [0] : vector<16xf32>, vector<16xi32> -> vector<16xf32>
        %gather3A_285 = vector.shape_cast %broadcast_in_dim3A_13 : vector<16x1xi32> to vector<16xi32>
        %gather3A_286 = tpu.dynamic_gather %masked_cumsum3A_269[%gather3A_285] in [0] : vector<16xf32>, vector<16xi32> -> vector<16xf32>
        %gather3A_287 = vector.shape_cast %broadcast_in_dim3A_13 : vector<16x1xi32> to vector<16xi32>
        %gather3A_288 = tpu.dynamic_gather %masked_cumsum3A_272[%gather3A_287] in [0] : vector<16xf32>, vector<16xi32> -> vector<16xf32>
        %gather3A_289 = vector.shape_cast %broadcast_in_dim3A_13 : vector<16x1xi32> to vector<16xi32>
        %gather3A_290 = tpu.dynamic_gather %masked_cumsum3A_275[%gather3A_289] in [0] : vector<16xf32>, vector<16xi32> -> vector<16xf32>
        %gather3A_291 = vector.shape_cast %broadcast_in_dim3A_13 : vector<16x1xi32> to vector<16xi32>
        %gather3A_292 = tpu.dynamic_gather %masked_cumsum3A_278[%gather3A_291] in [0] : vector<16xf32>, vector<16xi32> -> vector<16xf32>
        %add3A_293 = arith.addf %masked_cumsum3A, %broadcast_in_dim3A_5 : vector<16xf32>
        %min3A = arith.minimumf %select_n3A, %add3A_293 : vector<16xf32>
        %sub3A_294 = arith.subf %add3A_293, %max3A_195 : vector<16xf32>
        %min3A_295 = arith.minimumf %select_n3A, %sub3A_294 : vector<16xf32>
        %sub3A_296 = arith.subf %min3A, %min3A_295 : vector<16xf32>
        tpu.vector_store_idx %arg20[%broadcast_in_dim3A_191, %get3A_17], %sub3A_296 : memref<128x100xf32, #tpu.memory_space<vmem>>[vector<16xi32>, vector<16xi32>], vector<16xf32>,
        %add3A_297 = arith.addf %broadcast_in_dim3A_5, %gather3A_280 : vector<16xf32>
        %add3A_298 = arith.addf %masked_cumsum3A_263, %add3A_297 : vector<16xf32>
        %min3A_299 = arith.minimumf %select_n3A, %add3A_298 : vector<16xf32>
        %sub3A_300 = arith.subf %add3A_298, %max3A_204 : vector<16xf32>
        %min3A_301 = arith.minimumf %select_n3A, %sub3A_300 : vector<16xf32>
        %sub3A_302 = arith.subf %min3A_299, %min3A_301 : vector<16xf32>
        tpu.vector_store_idx %arg20[%broadcast_in_dim3A_191, %get3A_19], %sub3A_302 : memref<128x100xf32, #tpu.memory_space<vmem>>[vector<16xi32>, vector<16xi32>], vector<16xf32>,
        %add3A_303 = arith.addf %add3A_297, %gather3A_282 : vector<16xf32>
        %add3A_304 = arith.addf %masked_cumsum3A_266, %add3A_303 : vector<16xf32>
        %min3A_305 = arith.minimumf %select_n3A, %add3A_304 : vector<16xf32>
        %sub3A_306 = arith.subf %add3A_304, %max3A_213 : vector<16xf32>
        %min3A_307 = arith.minimumf %select_n3A, %sub3A_306 : vector<16xf32>
        %sub3A_308 = arith.subf %min3A_305, %min3A_307 : vector<16xf32>
        tpu.vector_store_idx %arg20[%broadcast_in_dim3A_191, %get3A_21], %sub3A_308 : memref<128x100xf32, #tpu.memory_space<vmem>>[vector<16xi32>, vector<16xi32>], vector<16xf32>,
        %add3A_309 = arith.addf %add3A_303, %gather3A_284 : vector<16xf32>
        %add3A_310 = arith.addf %masked_cumsum3A_269, %add3A_309 : vector<16xf32>
        %min3A_311 = arith.minimumf %select_n3A, %add3A_310 : vector<16xf32>
        %sub3A_312 = arith.subf %add3A_310, %max3A_222 : vector<16xf32>
        %min3A_313 = arith.minimumf %select_n3A, %sub3A_312 : vector<16xf32>
        %sub3A_314 = arith.subf %min3A_311, %min3A_313 : vector<16xf32>
        tpu.vector_store_idx %arg20[%broadcast_in_dim3A_191, %get3A_23], %sub3A_314 : memref<128x100xf32, #tpu.memory_space<vmem>>[vector<16xi32>, vector<16xi32>], vector<16xf32>,
        %add3A_315 = arith.addf %add3A_309, %gather3A_286 : vector<16xf32>
        %add3A_316 = arith.addf %masked_cumsum3A_272, %add3A_315 : vector<16xf32>
        %min3A_317 = arith.minimumf %select_n3A, %add3A_316 : vector<16xf32>
        %sub3A_318 = arith.subf %add3A_316, %max3A_231 : vector<16xf32>
        %min3A_319 = arith.minimumf %select_n3A, %sub3A_318 : vector<16xf32>
        %sub3A_320 = arith.subf %min3A_317, %min3A_319 : vector<16xf32>
        tpu.vector_store_idx %arg20[%broadcast_in_dim3A_191, %get3A_25], %sub3A_320 : memref<128x100xf32, #tpu.memory_space<vmem>>[vector<16xi32>, vector<16xi32>], vector<16xf32>,
        %add3A_321 = arith.addf %add3A_315, %gather3A_288 : vector<16xf32>
        %add3A_322 = arith.addf %masked_cumsum3A_275, %add3A_321 : vector<16xf32>
        %min3A_323 = arith.minimumf %select_n3A, %add3A_322 : vector<16xf32>
        %sub3A_324 = arith.subf %add3A_322, %max3A_240 : vector<16xf32>
        %min3A_325 = arith.minimumf %select_n3A, %sub3A_324 : vector<16xf32>
        %sub3A_326 = arith.subf %min3A_323, %min3A_325 : vector<16xf32>
        tpu.vector_store_idx %arg20[%broadcast_in_dim3A_191, %get3A_27], %sub3A_326 : memref<128x100xf32, #tpu.memory_space<vmem>>[vector<16xi32>, vector<16xi32>], vector<16xf32>,
        %add3A_327 = arith.addf %add3A_321, %gather3A_290 : vector<16xf32>
        %add3A_328 = arith.addf %masked_cumsum3A_278, %add3A_327 : vector<16xf32>
        %min3A_329 = arith.minimumf %select_n3A, %add3A_328 : vector<16xf32>
        %sub3A_330 = arith.subf %add3A_328, %select_n3A_255 : vector<16xf32>
        %min3A_331 = arith.minimumf %select_n3A, %sub3A_330 : vector<16xf32>
        %sub3A_332 = arith.subf %min3A_329, %min3A_331 : vector<16xf32>
        tpu.vector_store_idx %arg20[%broadcast_in_dim3A_191, %get3A_29], %sub3A_332 masked %lt3A_15 : memref<128x100xf32, #tpu.memory_space<vmem>>[vector<16xi32>, vector<16xi32>], vector<16xf32>, vector<16xi1>
        %add3A_333 = arith.addf %add3A_327, %gather3A_292 : vector<16xf32>
        %broadcast_in_dim3A_334 = arith.constant true
        %broadcast_in_dim3A_335 = vector.broadcast %broadcast_in_dim3A_334 : i1 to vector<16xi1>
        %masked_cumsum3A_336 = tpu.scan <sum>, %max3A_198 masked %broadcast_in_dim3A_335 : vector<16xf32>, vector<16xi1> -> vector<16xf32>
        %broadcast_in_dim3A_337 = arith.constant true
        %broadcast_in_dim3A_338 = vector.broadcast %broadcast_in_dim3A_337 : i1 to vector<16xi1>
        %masked_cumsum3A_339 = tpu.scan <sum>, %max3A_207 masked %broadcast_in_dim3A_338 : vector<16xf32>, vector<16xi1> -> vector<16xf32>
        %broadcast_in_dim3A_340 = arith.constant true
        %broadcast_in_dim3A_341 = vector.broadcast %broadcast_in_dim3A_340 : i1 to vector<16xi1>
        %masked_cumsum3A_342 = tpu.scan <sum>, %max3A_216 masked %broadcast_in_dim3A_341 : vector<16xf32>, vector<16xi1> -> vector<16xf32>
        %broadcast_in_dim3A_343 = arith.constant true
        %broadcast_in_dim3A_344 = vector.broadcast %broadcast_in_dim3A_343 : i1 to vector<16xi1>
        %masked_cumsum3A_345 = tpu.scan <sum>, %max3A_225 masked %broadcast_in_dim3A_344 : vector<16xf32>, vector<16xi1> -> vector<16xf32>
        %broadcast_in_dim3A_346 = arith.constant true
        %broadcast_in_dim3A_347 = vector.broadcast %broadcast_in_dim3A_346 : i1 to vector<16xi1>
        %masked_cumsum3A_348 = tpu.scan <sum>, %max3A_234 masked %broadcast_in_dim3A_347 : vector<16xf32>, vector<16xi1> -> vector<16xf32>
        %broadcast_in_dim3A_349 = arith.constant true
        %broadcast_in_dim3A_350 = vector.broadcast %broadcast_in_dim3A_349 : i1 to vector<16xi1>
        %masked_cumsum3A_351 = tpu.scan <sum>, %max3A_243 masked %broadcast_in_dim3A_350 : vector<16xf32>, vector<16xi1> -> vector<16xf32>
        %broadcast_in_dim3A_352 = arith.constant true
        %broadcast_in_dim3A_353 = vector.broadcast %broadcast_in_dim3A_352 : i1 to vector<16xi1>
        %masked_cumsum3A_354 = tpu.scan <sum>, %select_n3A_258 masked %broadcast_in_dim3A_353 : vector<16xf32>, vector<16xi1> -> vector<16xf32>
        %gather3A_355 = vector.shape_cast %broadcast_in_dim3A_13 : vector<16x1xi32> to vector<16xi32>
        %gather3A_356 = tpu.dynamic_gather %masked_cumsum3A_336[%gather3A_355] in [0] : vector<16xf32>, vector<16xi32> -> vector<16xf32>
        %gather3A_357 = vector.shape_cast %broadcast_in_dim3A_13 : vector<16x1xi32> to vector<16xi32>
        %gather3A_358 = tpu.dynamic_gather %masked_cumsum3A_339[%gather3A_357] in [0] : vector<16xf32>, vector<16xi32> -> vector<16xf32>
        %gather3A_359 = vector.shape_cast %broadcast_in_dim3A_13 : vector<16x1xi32> to vector<16xi32>
        %gather3A_360 = tpu.dynamic_gather %masked_cumsum3A_342[%gather3A_359] in [0] : vector<16xf32>, vector<16xi32> -> vector<16xf32>
        %gather3A_361 = vector.shape_cast %broadcast_in_dim3A_13 : vector<16x1xi32> to vector<16xi32>
        %gather3A_362 = tpu.dynamic_gather %masked_cumsum3A_345[%gather3A_361] in [0] : vector<16xf32>, vector<16xi32> -> vector<16xf32>
        %gather3A_363 = vector.shape_cast %broadcast_in_dim3A_13 : vector<16x1xi32> to vector<16xi32>
        %gather3A_364 = tpu.dynamic_gather %masked_cumsum3A_348[%gather3A_363] in [0] : vector<16xf32>, vector<16xi32> -> vector<16xf32>
        %gather3A_365 = vector.shape_cast %broadcast_in_dim3A_13 : vector<16x1xi32> to vector<16xi32>
        %gather3A_366 = tpu.dynamic_gather %masked_cumsum3A_351[%gather3A_365] in [0] : vector<16xf32>, vector<16xi32> -> vector<16xf32>
        %gather3A_367 = vector.shape_cast %broadcast_in_dim3A_13 : vector<16x1xi32> to vector<16xi32>
        %gather3A_368 = tpu.dynamic_gather %masked_cumsum3A_354[%gather3A_367] in [0] : vector<16xf32>, vector<16xi32> -> vector<16xf32>
        %add3A_369 = arith.addf %masked_cumsum3A_336, %broadcast_in_dim3A_5 : vector<16xf32>
        %min3A_370 = arith.minimumf %select_n3A_190, %add3A_369 : vector<16xf32>
        %sub3A_371 = arith.subf %add3A_369, %max3A_198 : vector<16xf32>
        %min3A_372 = arith.minimumf %select_n3A_190, %sub3A_371 : vector<16xf32>
        %sub3A_373 = arith.subf %min3A_370, %min3A_372 : vector<16xf32>
        tpu.vector_store_idx %arg22[%broadcast_in_dim3A_191, %get3A_31], %sub3A_373 : memref<128x100xf32, #tpu.memory_space<vmem>>[vector<16xi32>, vector<16xi32>], vector<16xf32>,
        %add3A_374 = arith.addf %broadcast_in_dim3A_5, %gather3A_356 : vector<16xf32>
        %add3A_375 = arith.addf %masked_cumsum3A_339, %add3A_374 : vector<16xf32>
        %min3A_376 = arith.minimumf %select_n3A_190, %add3A_375 : vector<16xf32>
        %sub3A_377 = arith.subf %add3A_375, %max3A_207 : vector<16xf32>
        %min3A_378 = arith.minimumf %select_n3A_190, %sub3A_377 : vector<16xf32>
        %sub3A_379 = arith.subf %min3A_376, %min3A_378 : vector<16xf32>
        tpu.vector_store_idx %arg22[%broadcast_in_dim3A_191, %get3A_33], %sub3A_379 : memref<128x100xf32, #tpu.memory_space<vmem>>[vector<16xi32>, vector<16xi32>], vector<16xf32>,
        %add3A_380 = arith.addf %add3A_374, %gather3A_358 : vector<16xf32>
        %add3A_381 = arith.addf %masked_cumsum3A_342, %add3A_380 : vector<16xf32>
        %min3A_382 = arith.minimumf %select_n3A_190, %add3A_381 : vector<16xf32>
        %sub3A_383 = arith.subf %add3A_381, %max3A_216 : vector<16xf32>
        %min3A_384 = arith.minimumf %select_n3A_190, %sub3A_383 : vector<16xf32>
        %sub3A_385 = arith.subf %min3A_382, %min3A_384 : vector<16xf32>
        tpu.vector_store_idx %arg22[%broadcast_in_dim3A_191, %get3A_35], %sub3A_385 : memref<128x100xf32, #tpu.memory_space<vmem>>[vector<16xi32>, vector<16xi32>], vector<16xf32>,
        %add3A_386 = arith.addf %add3A_380, %gather3A_360 : vector<16xf32>
        %add3A_387 = arith.addf %masked_cumsum3A_345, %add3A_386 : vector<16xf32>
        %min3A_388 = arith.minimumf %select_n3A_190, %add3A_387 : vector<16xf32>
        %sub3A_389 = arith.subf %add3A_387, %max3A_225 : vector<16xf32>
        %min3A_390 = arith.minimumf %select_n3A_190, %sub3A_389 : vector<16xf32>
        %sub3A_391 = arith.subf %min3A_388, %min3A_390 : vector<16xf32>
        tpu.vector_store_idx %arg22[%broadcast_in_dim3A_191, %get3A_37], %sub3A_391 : memref<128x100xf32, #tpu.memory_space<vmem>>[vector<16xi32>, vector<16xi32>], vector<16xf32>,
        %add3A_392 = arith.addf %add3A_386, %gather3A_362 : vector<16xf32>
        %add3A_393 = arith.addf %masked_cumsum3A_348, %add3A_392 : vector<16xf32>
        %min3A_394 = arith.minimumf %select_n3A_190, %add3A_393 : vector<16xf32>
        %sub3A_395 = arith.subf %add3A_393, %max3A_234 : vector<16xf32>
        %min3A_396 = arith.minimumf %select_n3A_190, %sub3A_395 : vector<16xf32>
        %sub3A_397 = arith.subf %min3A_394, %min3A_396 : vector<16xf32>
        tpu.vector_store_idx %arg22[%broadcast_in_dim3A_191, %get3A_39], %sub3A_397 : memref<128x100xf32, #tpu.memory_space<vmem>>[vector<16xi32>, vector<16xi32>], vector<16xf32>,
        %add3A_398 = arith.addf %add3A_392, %gather3A_364 : vector<16xf32>
        %add3A_399 = arith.addf %masked_cumsum3A_351, %add3A_398 : vector<16xf32>
        %min3A_400 = arith.minimumf %select_n3A_190, %add3A_399 : vector<16xf32>
        %sub3A_401 = arith.subf %add3A_399, %max3A_243 : vector<16xf32>
        %min3A_402 = arith.minimumf %select_n3A_190, %sub3A_401 : vector<16xf32>
        %sub3A_403 = arith.subf %min3A_400, %min3A_402 : vector<16xf32>
        tpu.vector_store_idx %arg22[%broadcast_in_dim3A_191, %get3A_41], %sub3A_403 : memref<128x100xf32, #tpu.memory_space<vmem>>[vector<16xi32>, vector<16xi32>], vector<16xf32>,
        %add3A_404 = arith.addf %add3A_398, %gather3A_366 : vector<16xf32>
        %add3A_405 = arith.addf %masked_cumsum3A_354, %add3A_404 : vector<16xf32>
        %min3A_406 = arith.minimumf %select_n3A_190, %add3A_405 : vector<16xf32>
        %sub3A_407 = arith.subf %add3A_405, %select_n3A_258 : vector<16xf32>
        %min3A_408 = arith.minimumf %select_n3A_190, %sub3A_407 : vector<16xf32>
        %sub3A_409 = arith.subf %min3A_406, %min3A_408 : vector<16xf32>
        tpu.vector_store_idx %arg22[%broadcast_in_dim3A_191, %get3A_43], %sub3A_409 masked %lt3A_15 : memref<128x100xf32, #tpu.memory_space<vmem>>[vector<16xi32>, vector<16xi32>], vector<16xf32>, vector<16xi1>
        %add3A_410 = arith.addf %add3A_404, %gather3A_368 : vector<16xf32>
        %mul3A_411 = arith.constant 2 : i32
        %mul3A_412 = arith.muli %mul3A_411, %scan3A_170 : i32
        %add3A_413 = arith.constant 1 : i32
        %add3A_414 = arith.addi %mul3A_412, %add3A_413 : i32
        %mul3A_415 = arith.constant 128 : i32
        %mul3A_416 = arith.muli %mul3A_94, %mul3A_415 : i32
        %add3A_417 = arith.addi %mul3A_416, %add3A_414 : i32
        %broadcast_in_dim3A_418 = vector.broadcast %add3A_417 : i32 to vector<16xi32>
        %gather3A_419 = tpu.vector_load_idx %arg17[%broadcast_in_dim3A_418] : memref<2048xf32, #tpu.memory_space<vmem>>[vector<16xi32>], vector<16xf32>,
        %lt3A_420 = arith.constant 0.000000e+00 : f32
        %lt3A_421 = vector.broadcast %lt3A_420 : f32 to vector<16xf32>
        %lt3A_422 = arith.cmpf olt, %gather3A_419, %lt3A_421 : vector<16xf32>
        %mul3A_423 = arith.mulf %get3A_11, %gather3A_419 : vector<16xf32>
        %abs3A_424 = math.absf %mul3A_423 : vector<16xf32>
        %jit3A_425 = arith.constant 0.000000e+00 : f32
        %broadcast_in_dim3A_426 = vector.broadcast %jit3A_425 : f32 to vector<16xf32>
        %select_n3A_427 = arith.select %lt3A_422, %abs3A_424, %broadcast_in_dim3A_426 : vector<16xi1>, vector<16xf32>
        %gt3A_428 = arith.constant 0.000000e+00 : f32
        %gt3A_429 = vector.broadcast %gt3A_428 : f32 to vector<16xf32>
        %gt3A_430 = arith.cmpf ogt, %gather3A_419, %gt3A_429 : vector<16xf32>
        %mul3A_431 = arith.mulf %get3A_11, %gather3A_419 : vector<16xf32>
        %jit3A_432 = arith.constant 0.000000e+00 : f32
        %broadcast_in_dim3A_433 = vector.broadcast %jit3A_432 : f32 to vector<16xf32>
        %select_n3A_434 = arith.select %gt3A_430, %mul3A_431, %broadcast_in_dim3A_433 : vector<16xi1>, vector<16xf32>
        %broadcast_in_dim3A_435 = vector.broadcast %add3A_414 : i32 to vector<16xi32>
        %gather3A_436 = tpu.vector_load_idx %arg18[%broadcast_in_dim3A_435, %get3A_17] : memref<128x100xf32, #tpu.memory_space<vmem>>[vector<16xi32>, vector<16xi32>], vector<16xf32>,
        %gather3A_437 = tpu.vector_load_idx %arg18[%broadcast_in_dim3A_435, %get3A_31] : memref<128x100xf32, #tpu.memory_space<vmem>>[vector<16xi32>, vector<16xi32>], vector<16xf32>,
        %sub3A_438 = arith.subf %get3A_45, %gather3A_436 : vector<16xf32>
        %max3A_439 = arith.constant 0.000000e+00 : f32
        %max3A_440 = vector.broadcast %max3A_439 : f32 to vector<16xf32>
        %max3A_441 = arith.maximumf %sub3A_438, %max3A_440 : vector<16xf32>
        %max3A_442 = arith.constant 0.000000e+00 : f32
        %max3A_443 = vector.broadcast %max3A_442 : f32 to vector<16xf32>
        %max3A_444 = arith.maximumf %gather3A_437, %max3A_443 : vector<16xf32>
        %gather3A_445 = tpu.vector_load_idx %arg18[%broadcast_in_dim3A_435, %get3A_19] : memref<128x100xf32, #tpu.memory_space<vmem>>[vector<16xi32>, vector<16xi32>], vector<16xf32>,
        %gather3A_446 = tpu.vector_load_idx %arg18[%broadcast_in_dim3A_435, %get3A_33] : memref<128x100xf32, #tpu.memory_space<vmem>>[vector<16xi32>, vector<16xi32>], vector<16xf32>,
        %sub3A_447 = arith.subf %get3A_47, %gather3A_445 : vector<16xf32>
        %max3A_448 = arith.constant 0.000000e+00 : f32
        %max3A_449 = vector.broadcast %max3A_448 : f32 to vector<16xf32>
        %max3A_450 = arith.maximumf %sub3A_447, %max3A_449 : vector<16xf32>
        %max3A_451 = arith.constant 0.000000e+00 : f32
        %max3A_452 = vector.broadcast %max3A_451 : f32 to vector<16xf32>
        %max3A_453 = arith.maximumf %gather3A_446, %max3A_452 : vector<16xf32>
        %gather3A_454 = tpu.vector_load_idx %arg18[%broadcast_in_dim3A_435, %get3A_21] : memref<128x100xf32, #tpu.memory_space<vmem>>[vector<16xi32>, vector<16xi32>], vector<16xf32>,
        %gather3A_455 = tpu.vector_load_idx %arg18[%broadcast_in_dim3A_435, %get3A_35] : memref<128x100xf32, #tpu.memory_space<vmem>>[vector<16xi32>, vector<16xi32>], vector<16xf32>,
        %sub3A_456 = arith.subf %get3A_49, %gather3A_454 : vector<16xf32>
        %max3A_457 = arith.constant 0.000000e+00 : f32
        %max3A_458 = vector.broadcast %max3A_457 : f32 to vector<16xf32>
        %max3A_459 = arith.maximumf %sub3A_456, %max3A_458 : vector<16xf32>
        %max3A_460 = arith.constant 0.000000e+00 : f32
        %max3A_461 = vector.broadcast %max3A_460 : f32 to vector<16xf32>
        %max3A_462 = arith.maximumf %gather3A_455, %max3A_461 : vector<16xf32>
        %gather3A_463 = tpu.vector_load_idx %arg18[%broadcast_in_dim3A_435, %get3A_23] : memref<128x100xf32, #tpu.memory_space<vmem>>[vector<16xi32>, vector<16xi32>], vector<16xf32>,
        %gather3A_464 = tpu.vector_load_idx %arg18[%broadcast_in_dim3A_435, %get3A_37] : memref<128x100xf32, #tpu.memory_space<vmem>>[vector<16xi32>, vector<16xi32>], vector<16xf32>,
        %sub3A_465 = arith.subf %get3A_51, %gather3A_463 : vector<16xf32>
        %max3A_466 = arith.constant 0.000000e+00 : f32
        %max3A_467 = vector.broadcast %max3A_466 : f32 to vector<16xf32>
        %max3A_468 = arith.maximumf %sub3A_465, %max3A_467 : vector<16xf32>
        %max3A_469 = arith.constant 0.000000e+00 : f32
        %max3A_470 = vector.broadcast %max3A_469 : f32 to vector<16xf32>
        %max3A_471 = arith.maximumf %gather3A_464, %max3A_470 : vector<16xf32>
        %gather3A_472 = tpu.vector_load_idx %arg18[%broadcast_in_dim3A_435, %get3A_25] : memref<128x100xf32, #tpu.memory_space<vmem>>[vector<16xi32>, vector<16xi32>], vector<16xf32>,
        %gather3A_473 = tpu.vector_load_idx %arg18[%broadcast_in_dim3A_435, %get3A_39] : memref<128x100xf32, #tpu.memory_space<vmem>>[vector<16xi32>, vector<16xi32>], vector<16xf32>,
        %sub3A_474 = arith.subf %get3A_53, %gather3A_472 : vector<16xf32>
        %max3A_475 = arith.constant 0.000000e+00 : f32
        %max3A_476 = vector.broadcast %max3A_475 : f32 to vector<16xf32>
        %max3A_477 = arith.maximumf %sub3A_474, %max3A_476 : vector<16xf32>
        %max3A_478 = arith.constant 0.000000e+00 : f32
        %max3A_479 = vector.broadcast %max3A_478 : f32 to vector<16xf32>
        %max3A_480 = arith.maximumf %gather3A_473, %max3A_479 : vector<16xf32>
        %gather3A_481 = tpu.vector_load_idx %arg18[%broadcast_in_dim3A_435, %get3A_27] : memref<128x100xf32, #tpu.memory_space<vmem>>[vector<16xi32>, vector<16xi32>], vector<16xf32>,
        %gather3A_482 = tpu.vector_load_idx %arg18[%broadcast_in_dim3A_435, %get3A_41] : memref<128x100xf32, #tpu.memory_space<vmem>>[vector<16xi32>, vector<16xi32>], vector<16xf32>,
        %sub3A_483 = arith.subf %get3A_55, %gather3A_481 : vector<16xf32>
        %max3A_484 = arith.constant 0.000000e+00 : f32
        %max3A_485 = vector.broadcast %max3A_484 : f32 to vector<16xf32>
        %max3A_486 = arith.maximumf %sub3A_483, %max3A_485 : vector<16xf32>
        %max3A_487 = arith.constant 0.000000e+00 : f32
        %max3A_488 = vector.broadcast %max3A_487 : f32 to vector<16xf32>
        %max3A_489 = arith.maximumf %gather3A_482, %max3A_488 : vector<16xf32>
        %gather3A_490 = tpu.vector_load_idx %arg18[%broadcast_in_dim3A_435, %get3A_29] masked %lt3A_15 : memref<128x100xf32, #tpu.memory_space<vmem>>[vector<16xi32>, vector<16xi32>], vector<16xf32>, vector<16xi1>
        %gather3A_491 = tpu.vector_load_idx %arg18[%broadcast_in_dim3A_435, %get3A_43] masked %lt3A_15 : memref<128x100xf32, #tpu.memory_space<vmem>>[vector<16xi32>, vector<16xi32>], vector<16xf32>, vector<16xi1>
        %sub3A_492 = arith.subf %get3A_57, %gather3A_490 : vector<16xf32>
        %max3A_493 = arith.constant 0.000000e+00 : f32
        %max3A_494 = vector.broadcast %max3A_493 : f32 to vector<16xf32>
        %max3A_495 = arith.maximumf %sub3A_492, %max3A_494 : vector<16xf32>
        %max3A_496 = arith.constant 0.000000e+00 : f32
        %max3A_497 = vector.broadcast %max3A_496 : f32 to vector<16xf32>
        %max3A_498 = arith.maximumf %gather3A_491, %max3A_497 : vector<16xf32>
        %jit3A_499 = arith.constant 0.000000e+00 : f32
        %broadcast_in_dim3A_500 = vector.broadcast %jit3A_499 : f32 to vector<16xf32>
        %select_n3A_501 = arith.select %lt3A_15, %max3A_495, %broadcast_in_dim3A_500 : vector<16xi1>, vector<16xf32>
        %jit3A_502 = arith.constant 0.000000e+00 : f32
        %broadcast_in_dim3A_503 = vector.broadcast %jit3A_502 : f32 to vector<16xf32>
        %select_n3A_504 = arith.select %lt3A_15, %max3A_498, %broadcast_in_dim3A_503 : vector<16xi1>, vector<16xf32>
        %broadcast_in_dim3A_505 = arith.constant true
        %broadcast_in_dim3A_506 = vector.broadcast %broadcast_in_dim3A_505 : i1 to vector<16xi1>
        %masked_cumsum3A_507 = tpu.scan <sum>, %max3A_441 masked %broadcast_in_dim3A_506 : vector<16xf32>, vector<16xi1> -> vector<16xf32>
        %broadcast_in_dim3A_508 = arith.constant true
        %broadcast_in_dim3A_509 = vector.broadcast %broadcast_in_dim3A_508 : i1 to vector<16xi1>
        %masked_cumsum3A_510 = tpu.scan <sum>, %max3A_450 masked %broadcast_in_dim3A_509 : vector<16xf32>, vector<16xi1> -> vector<16xf32>
        %broadcast_in_dim3A_511 = arith.constant true
        %broadcast_in_dim3A_512 = vector.broadcast %broadcast_in_dim3A_511 : i1 to vector<16xi1>
        %masked_cumsum3A_513 = tpu.scan <sum>, %max3A_459 masked %broadcast_in_dim3A_512 : vector<16xf32>, vector<16xi1> -> vector<16xf32>
        %broadcast_in_dim3A_514 = arith.constant true
        %broadcast_in_dim3A_515 = vector.broadcast %broadcast_in_dim3A_514 : i1 to vector<16xi1>
        %masked_cumsum3A_516 = tpu.scan <sum>, %max3A_468 masked %broadcast_in_dim3A_515 : vector<16xf32>, vector<16xi1> -> vector<16xf32>
        %broadcast_in_dim3A_517 = arith.constant true
        %broadcast_in_dim3A_518 = vector.broadcast %broadcast_in_dim3A_517 : i1 to vector<16xi1>
        %masked_cumsum3A_519 = tpu.scan <sum>, %max3A_477 masked %broadcast_in_dim3A_518 : vector<16xf32>, vector<16xi1> -> vector<16xf32>
        %broadcast_in_dim3A_520 = arith.constant true
        %broadcast_in_dim3A_521 = vector.broadcast %broadcast_in_dim3A_520 : i1 to vector<16xi1>
        %masked_cumsum3A_522 = tpu.scan <sum>, %max3A_486 masked %broadcast_in_dim3A_521 : vector<16xf32>, vector<16xi1> -> vector<16xf32>
        %broadcast_in_dim3A_523 = arith.constant true
        %broadcast_in_dim3A_524 = vector.broadcast %broadcast_in_dim3A_523 : i1 to vector<16xi1>
        %masked_cumsum3A_525 = tpu.scan <sum>, %select_n3A_501 masked %broadcast_in_dim3A_524 : vector<16xf32>, vector<16xi1> -> vector<16xf32>
        %gather3A_526 = vector.shape_cast %broadcast_in_dim3A_13 : vector<16x1xi32> to vector<16xi32>
        %gather3A_527 = tpu.dynamic_gather %masked_cumsum3A_507[%gather3A_526] in [0] : vector<16xf32>, vector<16xi32> -> vector<16xf32>
        %gather3A_528 = vector.shape_cast %broadcast_in_dim3A_13 : vector<16x1xi32> to vector<16xi32>
        %gather3A_529 = tpu.dynamic_gather %masked_cumsum3A_510[%gather3A_528] in [0] : vector<16xf32>, vector<16xi32> -> vector<16xf32>
        %gather3A_530 = vector.shape_cast %broadcast_in_dim3A_13 : vector<16x1xi32> to vector<16xi32>
        %gather3A_531 = tpu.dynamic_gather %masked_cumsum3A_513[%gather3A_530] in [0] : vector<16xf32>, vector<16xi32> -> vector<16xf32>
        %gather3A_532 = vector.shape_cast %broadcast_in_dim3A_13 : vector<16x1xi32> to vector<16xi32>
        %gather3A_533 = tpu.dynamic_gather %masked_cumsum3A_516[%gather3A_532] in [0] : vector<16xf32>, vector<16xi32> -> vector<16xf32>
        %gather3A_534 = vector.shape_cast %broadcast_in_dim3A_13 : vector<16x1xi32> to vector<16xi32>
        %gather3A_535 = tpu.dynamic_gather %masked_cumsum3A_519[%gather3A_534] in [0] : vector<16xf32>, vector<16xi32> -> vector<16xf32>
        %gather3A_536 = vector.shape_cast %broadcast_in_dim3A_13 : vector<16x1xi32> to vector<16xi32>
        %gather3A_537 = tpu.dynamic_gather %masked_cumsum3A_522[%gather3A_536] in [0] : vector<16xf32>, vector<16xi32> -> vector<16xf32>
        %gather3A_538 = vector.shape_cast %broadcast_in_dim3A_13 : vector<16x1xi32> to vector<16xi32>
        %gather3A_539 = tpu.dynamic_gather %masked_cumsum3A_525[%gather3A_538] in [0] : vector<16xf32>, vector<16xi32> -> vector<16xf32>
        %add3A_540 = arith.addf %masked_cumsum3A_507, %broadcast_in_dim3A_5 : vector<16xf32>
        %min3A_541 = arith.minimumf %select_n3A_427, %add3A_540 : vector<16xf32>
        %sub3A_542 = arith.subf %add3A_540, %max3A_441 : vector<16xf32>
        %min3A_543 = arith.minimumf %select_n3A_427, %sub3A_542 : vector<16xf32>
        %sub3A_544 = arith.subf %min3A_541, %min3A_543 : vector<16xf32>
        tpu.vector_store_idx %arg20[%broadcast_in_dim3A_435, %get3A_17], %sub3A_544 : memref<128x100xf32, #tpu.memory_space<vmem>>[vector<16xi32>, vector<16xi32>], vector<16xf32>,
        %add3A_545 = arith.addf %broadcast_in_dim3A_5, %gather3A_527 : vector<16xf32>
        %add3A_546 = arith.addf %masked_cumsum3A_510, %add3A_545 : vector<16xf32>
        %min3A_547 = arith.minimumf %select_n3A_427, %add3A_546 : vector<16xf32>
        %sub3A_548 = arith.subf %add3A_546, %max3A_450 : vector<16xf32>
        %min3A_549 = arith.minimumf %select_n3A_427, %sub3A_548 : vector<16xf32>
        %sub3A_550 = arith.subf %min3A_547, %min3A_549 : vector<16xf32>
        tpu.vector_store_idx %arg20[%broadcast_in_dim3A_435, %get3A_19], %sub3A_550 : memref<128x100xf32, #tpu.memory_space<vmem>>[vector<16xi32>, vector<16xi32>], vector<16xf32>,
        %add3A_551 = arith.addf %add3A_545, %gather3A_529 : vector<16xf32>
        %add3A_552 = arith.addf %masked_cumsum3A_513, %add3A_551 : vector<16xf32>
        %min3A_553 = arith.minimumf %select_n3A_427, %add3A_552 : vector<16xf32>
        %sub3A_554 = arith.subf %add3A_552, %max3A_459 : vector<16xf32>
        %min3A_555 = arith.minimumf %select_n3A_427, %sub3A_554 : vector<16xf32>
        %sub3A_556 = arith.subf %min3A_553, %min3A_555 : vector<16xf32>
        tpu.vector_store_idx %arg20[%broadcast_in_dim3A_435, %get3A_21], %sub3A_556 : memref<128x100xf32, #tpu.memory_space<vmem>>[vector<16xi32>, vector<16xi32>], vector<16xf32>,
        %add3A_557 = arith.addf %add3A_551, %gather3A_531 : vector<16xf32>
        %add3A_558 = arith.addf %masked_cumsum3A_516, %add3A_557 : vector<16xf32>
        %min3A_559 = arith.minimumf %select_n3A_427, %add3A_558 : vector<16xf32>
        %sub3A_560 = arith.subf %add3A_558, %max3A_468 : vector<16xf32>
        %min3A_561 = arith.minimumf %select_n3A_427, %sub3A_560 : vector<16xf32>
        %sub3A_562 = arith.subf %min3A_559, %min3A_561 : vector<16xf32>
        tpu.vector_store_idx %arg20[%broadcast_in_dim3A_435, %get3A_23], %sub3A_562 : memref<128x100xf32, #tpu.memory_space<vmem>>[vector<16xi32>, vector<16xi32>], vector<16xf32>,
        %add3A_563 = arith.addf %add3A_557, %gather3A_533 : vector<16xf32>
        %add3A_564 = arith.addf %masked_cumsum3A_519, %add3A_563 : vector<16xf32>
        %min3A_565 = arith.minimumf %select_n3A_427, %add3A_564 : vector<16xf32>
        %sub3A_566 = arith.subf %add3A_564, %max3A_477 : vector<16xf32>
        %min3A_567 = arith.minimumf %select_n3A_427, %sub3A_566 : vector<16xf32>
        %sub3A_568 = arith.subf %min3A_565, %min3A_567 : vector<16xf32>
        tpu.vector_store_idx %arg20[%broadcast_in_dim3A_435, %get3A_25], %sub3A_568 : memref<128x100xf32, #tpu.memory_space<vmem>>[vector<16xi32>, vector<16xi32>], vector<16xf32>,
        %add3A_569 = arith.addf %add3A_563, %gather3A_535 : vector<16xf32>
        %add3A_570 = arith.addf %masked_cumsum3A_522, %add3A_569 : vector<16xf32>
        %min3A_571 = arith.minimumf %select_n3A_427, %add3A_570 : vector<16xf32>
        %sub3A_572 = arith.subf %add3A_570, %max3A_486 : vector<16xf32>
        %min3A_573 = arith.minimumf %select_n3A_427, %sub3A_572 : vector<16xf32>
        %sub3A_574 = arith.subf %min3A_571, %min3A_573 : vector<16xf32>
        tpu.vector_store_idx %arg20[%broadcast_in_dim3A_435, %get3A_27], %sub3A_574 : memref<128x100xf32, #tpu.memory_space<vmem>>[vector<16xi32>, vector<16xi32>], vector<16xf32>,
        %add3A_575 = arith.addf %add3A_569, %gather3A_537 : vector<16xf32>
        %add3A_576 = arith.addf %masked_cumsum3A_525, %add3A_575 : vector<16xf32>
        %min3A_577 = arith.minimumf %select_n3A_427, %add3A_576 : vector<16xf32>
        %sub3A_578 = arith.subf %add3A_576, %select_n3A_501 : vector<16xf32>
        %min3A_579 = arith.minimumf %select_n3A_427, %sub3A_578 : vector<16xf32>
        %sub3A_580 = arith.subf %min3A_577, %min3A_579 : vector<16xf32>
        tpu.vector_store_idx %arg20[%broadcast_in_dim3A_435, %get3A_29], %sub3A_580 masked %lt3A_15 : memref<128x100xf32, #tpu.memory_space<vmem>>[vector<16xi32>, vector<16xi32>], vector<16xf32>, vector<16xi1>
        %add3A_581 = arith.addf %add3A_575, %gather3A_539 : vector<16xf32>
        %broadcast_in_dim3A_582 = arith.constant true
        %broadcast_in_dim3A_583 = vector.broadcast %broadcast_in_dim3A_582 : i1 to vector<16xi1>
        %masked_cumsum3A_584 = tpu.scan <sum>, %max3A_444 masked %broadcast_in_dim3A_583 : vector<16xf32>, vector<16xi1> -> vector<16xf32>
        %broadcast_in_dim3A_585 = arith.constant true
        %broadcast_in_dim3A_586 = vector.broadcast %broadcast_in_dim3A_585 : i1 to vector<16xi1>
        %masked_cumsum3A_587 = tpu.scan <sum>, %max3A_453 masked %broadcast_in_dim3A_586 : vector<16xf32>, vector<16xi1> -> vector<16xf32>
        %broadcast_in_dim3A_588 = arith.constant true
        %broadcast_in_dim3A_589 = vector.broadcast %broadcast_in_dim3A_588 : i1 to vector<16xi1>
        %masked_cumsum3A_590 = tpu.scan <sum>, %max3A_462 masked %broadcast_in_dim3A_589 : vector<16xf32>, vector<16xi1> -> vector<16xf32>
        %broadcast_in_dim3A_591 = arith.constant true
        %broadcast_in_dim3A_592 = vector.broadcast %broadcast_in_dim3A_591 : i1 to vector<16xi1>
        %masked_cumsum3A_593 = tpu.scan <sum>, %max3A_471 masked %broadcast_in_dim3A_592 : vector<16xf32>, vector<16xi1> -> vector<16xf32>
        %broadcast_in_dim3A_594 = arith.constant true
        %broadcast_in_dim3A_595 = vector.broadcast %broadcast_in_dim3A_594 : i1 to vector<16xi1>
        %masked_cumsum3A_596 = tpu.scan <sum>, %max3A_480 masked %broadcast_in_dim3A_595 : vector<16xf32>, vector<16xi1> -> vector<16xf32>
        %broadcast_in_dim3A_597 = arith.constant true
        %broadcast_in_dim3A_598 = vector.broadcast %broadcast_in_dim3A_597 : i1 to vector<16xi1>
        %masked_cumsum3A_599 = tpu.scan <sum>, %max3A_489 masked %broadcast_in_dim3A_598 : vector<16xf32>, vector<16xi1> -> vector<16xf32>
        %broadcast_in_dim3A_600 = arith.constant true
        %broadcast_in_dim3A_601 = vector.broadcast %broadcast_in_dim3A_600 : i1 to vector<16xi1>
        %masked_cumsum3A_602 = tpu.scan <sum>, %select_n3A_504 masked %broadcast_in_dim3A_601 : vector<16xf32>, vector<16xi1> -> vector<16xf32>
        %gather3A_603 = vector.shape_cast %broadcast_in_dim3A_13 : vector<16x1xi32> to vector<16xi32>
        %gather3A_604 = tpu.dynamic_gather %masked_cumsum3A_584[%gather3A_603] in [0] : vector<16xf32>, vector<16xi32> -> vector<16xf32>
        %gather3A_605 = vector.shape_cast %broadcast_in_dim3A_13 : vector<16x1xi32> to vector<16xi32>
        %gather3A_606 = tpu.dynamic_gather %masked_cumsum3A_587[%gather3A_605] in [0] : vector<16xf32>, vector<16xi32> -> vector<16xf32>
        %gather3A_607 = vector.shape_cast %broadcast_in_dim3A_13 : vector<16x1xi32> to vector<16xi32>
        %gather3A_608 = tpu.dynamic_gather %masked_cumsum3A_590[%gather3A_607] in [0] : vector<16xf32>, vector<16xi32> -> vector<16xf32>
        %gather3A_609 = vector.shape_cast %broadcast_in_dim3A_13 : vector<16x1xi32> to vector<16xi32>
        %gather3A_610 = tpu.dynamic_gather %masked_cumsum3A_593[%gather3A_609] in [0] : vector<16xf32>, vector<16xi32> -> vector<16xf32>
        %gather3A_611 = vector.shape_cast %broadcast_in_dim3A_13 : vector<16x1xi32> to vector<16xi32>
        %gather3A_612 = tpu.dynamic_gather %masked_cumsum3A_596[%gather3A_611] in [0] : vector<16xf32>, vector<16xi32> -> vector<16xf32>
        %gather3A_613 = vector.shape_cast %broadcast_in_dim3A_13 : vector<16x1xi32> to vector<16xi32>
        %gather3A_614 = tpu.dynamic_gather %masked_cumsum3A_599[%gather3A_613] in [0] : vector<16xf32>, vector<16xi32> -> vector<16xf32>
        %gather3A_615 = vector.shape_cast %broadcast_in_dim3A_13 : vector<16x1xi32> to vector<16xi32>
        %gather3A_616 = tpu.dynamic_gather %masked_cumsum3A_602[%gather3A_615] in [0] : vector<16xf32>, vector<16xi32> -> vector<16xf32>
        %add3A_617 = arith.addf %masked_cumsum3A_584, %broadcast_in_dim3A_5 : vector<16xf32>
        %min3A_618 = arith.minimumf %select_n3A_434, %add3A_617 : vector<16xf32>
        %sub3A_619 = arith.subf %add3A_617, %max3A_444 : vector<16xf32>
        %min3A_620 = arith.minimumf %select_n3A_434, %sub3A_619 : vector<16xf32>
        %sub3A_621 = arith.subf %min3A_618, %min3A_620 : vector<16xf32>
        tpu.vector_store_idx %arg22[%broadcast_in_dim3A_435, %get3A_31], %sub3A_621 : memref<128x100xf32, #tpu.memory_space<vmem>>[vector<16xi32>, vector<16xi32>], vector<16xf32>,
        %add3A_622 = arith.addf %broadcast_in_dim3A_5, %gather3A_604 : vector<16xf32>
        %add3A_623 = arith.addf %masked_cumsum3A_587, %add3A_622 : vector<16xf32>
        %min3A_624 = arith.minimumf %select_n3A_434, %add3A_623 : vector<16xf32>
        %sub3A_625 = arith.subf %add3A_623, %max3A_453 : vector<16xf32>
        %min3A_626 = arith.minimumf %select_n3A_434, %sub3A_625 : vector<16xf32>
        %sub3A_627 = arith.subf %min3A_624, %min3A_626 : vector<16xf32>
        tpu.vector_store_idx %arg22[%broadcast_in_dim3A_435, %get3A_33], %sub3A_627 : memref<128x100xf32, #tpu.memory_space<vmem>>[vector<16xi32>, vector<16xi32>], vector<16xf32>,
        %add3A_628 = arith.addf %add3A_622, %gather3A_606 : vector<16xf32>
        %add3A_629 = arith.addf %masked_cumsum3A_590, %add3A_628 : vector<16xf32>
        %min3A_630 = arith.minimumf %select_n3A_434, %add3A_629 : vector<16xf32>
        %sub3A_631 = arith.subf %add3A_629, %max3A_462 : vector<16xf32>
        %min3A_632 = arith.minimumf %select_n3A_434, %sub3A_631 : vector<16xf32>
        %sub3A_633 = arith.subf %min3A_630, %min3A_632 : vector<16xf32>
        tpu.vector_store_idx %arg22[%broadcast_in_dim3A_435, %get3A_35], %sub3A_633 : memref<128x100xf32, #tpu.memory_space<vmem>>[vector<16xi32>, vector<16xi32>], vector<16xf32>,
        %add3A_634 = arith.addf %add3A_628, %gather3A_608 : vector<16xf32>
        %add3A_635 = arith.addf %masked_cumsum3A_593, %add3A_634 : vector<16xf32>
        %min3A_636 = arith.minimumf %select_n3A_434, %add3A_635 : vector<16xf32>
        %sub3A_637 = arith.subf %add3A_635, %max3A_471 : vector<16xf32>
        %min3A_638 = arith.minimumf %select_n3A_434, %sub3A_637 : vector<16xf32>
        %sub3A_639 = arith.subf %min3A_636, %min3A_638 : vector<16xf32>
        tpu.vector_store_idx %arg22[%broadcast_in_dim3A_435, %get3A_37], %sub3A_639 : memref<128x100xf32, #tpu.memory_space<vmem>>[vector<16xi32>, vector<16xi32>], vector<16xf32>,
        %add3A_640 = arith.addf %add3A_634, %gather3A_610 : vector<16xf32>
        %add3A_641 = arith.addf %masked_cumsum3A_596, %add3A_640 : vector<16xf32>
        %min3A_642 = arith.minimumf %select_n3A_434, %add3A_641 : vector<16xf32>
        %sub3A_643 = arith.subf %add3A_641, %max3A_480 : vector<16xf32>
        %min3A_644 = arith.minimumf %select_n3A_434, %sub3A_643 : vector<16xf32>
        %sub3A_645 = arith.subf %min3A_642, %min3A_644 : vector<16xf32>
        tpu.vector_store_idx %arg22[%broadcast_in_dim3A_435, %get3A_39], %sub3A_645 : memref<128x100xf32, #tpu.memory_space<vmem>>[vector<16xi32>, vector<16xi32>], vector<16xf32>,
        %add3A_646 = arith.addf %add3A_640, %gather3A_612 : vector<16xf32>
        %add3A_647 = arith.addf %masked_cumsum3A_599, %add3A_646 : vector<16xf32>
        %min3A_648 = arith.minimumf %select_n3A_434, %add3A_647 : vector<16xf32>
        %sub3A_649 = arith.subf %add3A_647, %max3A_489 : vector<16xf32>
        %min3A_650 = arith.minimumf %select_n3A_434, %sub3A_649 : vector<16xf32>
        %sub3A_651 = arith.subf %min3A_648, %min3A_650 : vector<16xf32>
        tpu.vector_store_idx %arg22[%broadcast_in_dim3A_435, %get3A_41], %sub3A_651 : memref<128x100xf32, #tpu.memory_space<vmem>>[vector<16xi32>, vector<16xi32>], vector<16xf32>,
        %add3A_652 = arith.addf %add3A_646, %gather3A_614 : vector<16xf32>
        %add3A_653 = arith.addf %masked_cumsum3A_602, %add3A_652 : vector<16xf32>
        %min3A_654 = arith.minimumf %select_n3A_434, %add3A_653 : vector<16xf32>
        %sub3A_655 = arith.subf %add3A_653, %select_n3A_504 : vector<16xf32>
        %min3A_656 = arith.minimumf %select_n3A_434, %sub3A_655 : vector<16xf32>
        %sub3A_657 = arith.subf %min3A_654, %min3A_656 : vector<16xf32>
        tpu.vector_store_idx %arg22[%broadcast_in_dim3A_435, %get3A_43], %sub3A_657 masked %lt3A_15 : memref<128x100xf32, #tpu.memory_space<vmem>>[vector<16xi32>, vector<16xi32>], vector<16xf32>, vector<16xi1>
        %add3A_658 = arith.addf %add3A_652, %gather3A_616 : vector<16xf32>
      }
      %scan3A_118 = arith.constant 64 : i32
      %mul3A_119 = arith.constant 128 : i32
      %mul3A_120 = arith.muli %mul3A_94, %mul3A_119 : i32
      %add3A_121 = arith.addi %mul3A_2, %mul3A_120 : i32
      %dma_start3A_122 = arith.constant 0 : i32
      %dma_start3A_123 = tpu.memref_slice %arg8[%add3A_121, %dma_start3A_122] : memref<65536x100xf32, #tpu.memory_space<hbm>> -> memref<128x100xf32, #tpu.memory_space<hbm>>
      %dma_start3A_124 = arith.constant 0 : i32
      %dma_start3A_125 = tpu.memref_slice %arg8[%add3A_121, %dma_start3A_124] : memref<65536x100xf32, #tpu.memory_space<hbm>> -> memref<128x100xf32, #tpu.memory_space<hbm>>
      tpu.enqueue_dma source(%arg20 : memref<128x100xf32, #tpu.memory_space<vmem>>) target(%dma_start3A_125 : memref<128x100xf32, #tpu.memory_space<hbm>>) target_semaphore(%arg26 : memref<!tpu.dma_semaphore, #tpu.memory_space<semaphore_mem>>)
      %mul3A_126 = arith.constant 128 : i32
      %mul3A_127 = arith.muli %mul3A_94, %mul3A_126 : i32
      %add3A_128 = arith.addi %mul3A_2, %mul3A_127 : i32
      %dma_start3A_129 = arith.constant 0 : i32
      %dma_start3A_130 = tpu.memref_slice %arg9[%add3A_128, %dma_start3A_129] : memref<65536x100xf32, #tpu.memory_space<hbm>> -> memref<128x100xf32, #tpu.memory_space<hbm>>
      %dma_start3A_131 = arith.constant 0 : i32
      %dma_start3A_132 = tpu.memref_slice %arg9[%add3A_128, %dma_start3A_131] : memref<65536x100xf32, #tpu.memory_space<hbm>> -> memref<128x100xf32, #tpu.memory_space<hbm>>
      tpu.enqueue_dma source(%arg22 : memref<128x100xf32, #tpu.memory_space<vmem>>) target(%dma_start3A_132 : memref<128x100xf32, #tpu.memory_space<hbm>>) target_semaphore(%arg28 : memref<!tpu.dma_semaphore, #tpu.memory_space<semaphore_mem>>)
      %mul3A_133 = arith.constant 128 : i32
      %mul3A_134 = arith.muli %add3A_96, %mul3A_133 : i32
      %add3A_135 = arith.addi %mul3A_2, %mul3A_134 : i32
      %dma_wait3A_136 = arith.constant 0 : i32
      %dma_wait3A_137 = tpu.memref_slice %arg3[%add3A_135, %dma_wait3A_136] : memref<65536x100xf32, #tpu.memory_space<hbm>> -> memref<128x100xf32, #tpu.memory_space<hbm>>
      %dma_wait3A_138 = arith.constant 0 : i32
      %dma_wait3A_139 = tpu.memref_slice %arg3[%add3A_135, %dma_wait3A_138] : memref<65536x100xf32, #tpu.memory_space<hbm>> -> memref<128x100xf32, #tpu.memory_space<hbm>>
      tpu.wait_dma2 semaphore(%arg25 : memref<!tpu.dma_semaphore, #tpu.memory_space<semaphore_mem>>) src(%dma_wait3A_139 : memref<128x100xf32, #tpu.memory_space<hbm>>) dst(%arg19 : memref<128x100xf32, #tpu.memory_space<vmem>>)
      %lt3A_140 = arith.constant 7 : i32
      %lt3A_141 = arith.cmpi slt, %scan3A_92, %lt3A_140 : i32
      %convert_element_type3A_142 = arith.extui %lt3A_141 : i1 to i32
      %cond3A_143 = arith.constant 0 : i32
      %cond3A_144 = arith.cmpi ne, %convert_element_type3A_142, %cond3A_143 : i32
      scf.if %cond3A_144 {
        %add3A_170 = arith.constant 2 : i32
        %add3A_171 = arith.addi %mul3A_94, %add3A_170 : i32
        %mul3A_172 = arith.constant 128 : i32
        %mul3A_173 = arith.muli %add3A_171, %mul3A_172 : i32
        %add3A_174 = arith.addi %mul3A_2, %mul3A_173 : i32
        %dma_start3A_175 = arith.constant 0 : i32
        %dma_start3A_176 = tpu.memref_slice %arg3[%add3A_174, %dma_start3A_175] : memref<65536x100xf32, #tpu.memory_space<hbm>> -> memref<128x100xf32, #tpu.memory_space<hbm>>
        %dma_start3A_177 = arith.constant 0 : i32
        %dma_start3A_178 = tpu.memref_slice %arg3[%add3A_174, %dma_start3A_177] : memref<65536x100xf32, #tpu.memory_space<hbm>> -> memref<128x100xf32, #tpu.memory_space<hbm>>
        tpu.enqueue_dma source(%dma_start3A_178 : memref<128x100xf32, #tpu.memory_space<hbm>>) target(%arg18 : memref<128x100xf32, #tpu.memory_space<vmem>>) target_semaphore(%arg24 : memref<!tpu.dma_semaphore, #tpu.memory_space<semaphore_mem>>)
      } else {
      }
      %gt3A_145 = arith.constant 0 : i32
      %gt3A_146 = arith.cmpi sgt, %scan3A_92, %gt3A_145 : i32
      %convert_element_type3A_147 = arith.extui %gt3A_146 : i1 to i32
      %cond3A_148 = arith.constant 0 : i32
      %cond3A_149 = arith.cmpi ne, %convert_element_type3A_147, %cond3A_148 : i32
      scf.if %cond3A_149 {
        %sub3A = arith.constant 2 : i32
        %sub3A_170 = arith.subi %add3A_96, %sub3A : i32
        %mul3A_171 = arith.constant 128 : i32
        %mul3A_172 = arith.muli %sub3A_170, %mul3A_171 : i32
        %add3A_173 = arith.addi %mul3A_2, %mul3A_172 : i32
        %dma_wait3A_174 = arith.constant 0 : i32
        %dma_wait3A_175 = tpu.memref_slice %arg8[%add3A_173, %dma_wait3A_174] : memref<65536x100xf32, #tpu.memory_space<hbm>> -> memref<128x100xf32, #tpu.memory_space<hbm>>
        %dma_wait3A_176 = arith.constant 0 : i32
        %dma_wait3A_177 = tpu.memref_slice %arg8[%add3A_173, %dma_wait3A_176] : memref<65536x100xf32, #tpu.memory_space<hbm>> -> memref<128x100xf32, #tpu.memory_space<hbm>>
        tpu.wait_dma2 semaphore(%arg27 : memref<!tpu.dma_semaphore, #tpu.memory_space<semaphore_mem>>) src(%arg21 : memref<128x100xf32, #tpu.memory_space<vmem>>) dst(%dma_wait3A_177 : memref<128x100xf32, #tpu.memory_space<hbm>>)
        %sub3A_178 = arith.constant 2 : i32
        %sub3A_179 = arith.subi %add3A_96, %sub3A_178 : i32
        %mul3A_180 = arith.constant 128 : i32
        %mul3A_181 = arith.muli %sub3A_179, %mul3A_180 : i32
        %add3A_182 = arith.addi %mul3A_2, %mul3A_181 : i32
        %dma_wait3A_183 = arith.constant 0 : i32
        %dma_wait3A_184 = tpu.memref_slice %arg9[%add3A_182, %dma_wait3A_183] : memref<65536x100xf32, #tpu.memory_space<hbm>> -> memref<128x100xf32, #tpu.memory_space<hbm>>
        %dma_wait3A_185 = arith.constant 0 : i32
        %dma_wait3A_186 = tpu.memref_slice %arg9[%add3A_182, %dma_wait3A_185] : memref<65536x100xf32, #tpu.memory_space<hbm>> -> memref<128x100xf32, #tpu.memory_space<hbm>>
        tpu.wait_dma2 semaphore(%arg29 : memref<!tpu.dma_semaphore, #tpu.memory_space<semaphore_mem>>) src(%arg23 : memref<128x100xf32, #tpu.memory_space<vmem>>) dst(%dma_wait3A_186 : memref<128x100xf32, #tpu.memory_space<hbm>>)
      } else {
      }
      %scan3A_150 = arith.constant 0 : i32
      %scan3A_151 = arith.constant 0 : i32
      %scan3A_152 = arith.constant 64 : i32
      %scan3A_153 = arith.addi %scan3A_151, %scan3A_152 : i32
      %scan3A_154 = arith.constant 1 : i32
      scf.for %scan3A_170 = %scan3A_151 to %scan3A_153 step %scan3A_154  : i32 {
        %mul3A_171 = arith.constant 2 : i32
        %mul3A_172 = arith.muli %mul3A_171, %scan3A_170 : i32
        %add3A_173 = arith.constant 0 : i32
        %add3A_174 = arith.addi %mul3A_172, %add3A_173 : i32
        %mul3A_175 = arith.constant 128 : i32
        %mul3A_176 = arith.muli %add3A_96, %mul3A_175 : i32
        %add3A_177 = arith.addi %mul3A_176, %add3A_174 : i32
        %broadcast_in_dim3A_178 = vector.broadcast %add3A_177 : i32 to vector<16xi32>
        %gather3A = tpu.vector_load_idx %arg17[%broadcast_in_dim3A_178] : memref<2048xf32, #tpu.memory_space<vmem>>[vector<16xi32>], vector<16xf32>,
        %lt3A_179 = arith.constant 0.000000e+00 : f32
        %lt3A_180 = vector.broadcast %lt3A_179 : f32 to vector<16xf32>
        %lt3A_181 = arith.cmpf olt, %gather3A, %lt3A_180 : vector<16xf32>
        %mul3A_182 = arith.mulf %get3A_11, %gather3A : vector<16xf32>
        %abs3A = math.absf %mul3A_182 : vector<16xf32>
        %jit3A = arith.constant 0.000000e+00 : f32
        %broadcast_in_dim3A_183 = vector.broadcast %jit3A : f32 to vector<16xf32>
        %select_n3A = arith.select %lt3A_181, %abs3A, %broadcast_in_dim3A_183 : vector<16xi1>, vector<16xf32>
        %gt3A_184 = arith.constant 0.000000e+00 : f32
        %gt3A_185 = vector.broadcast %gt3A_184 : f32 to vector<16xf32>
        %gt3A_186 = arith.cmpf ogt, %gather3A, %gt3A_185 : vector<16xf32>
        %mul3A_187 = arith.mulf %get3A_11, %gather3A : vector<16xf32>
        %jit3A_188 = arith.constant 0.000000e+00 : f32
        %broadcast_in_dim3A_189 = vector.broadcast %jit3A_188 : f32 to vector<16xf32>
        %select_n3A_190 = arith.select %gt3A_186, %mul3A_187, %broadcast_in_dim3A_189 : vector<16xi1>, vector<16xf32>
        %broadcast_in_dim3A_191 = vector.broadcast %add3A_174 : i32 to vector<16xi32>
        %gather3A_192 = tpu.vector_load_idx %arg19[%broadcast_in_dim3A_191, %get3A_17] : memref<128x100xf32, #tpu.memory_space<vmem>>[vector<16xi32>, vector<16xi32>], vector<16xf32>,
        %gather3A_193 = tpu.vector_load_idx %arg19[%broadcast_in_dim3A_191, %get3A_31] : memref<128x100xf32, #tpu.memory_space<vmem>>[vector<16xi32>, vector<16xi32>], vector<16xf32>,
        %sub3A = arith.subf %get3A_45, %gather3A_192 : vector<16xf32>
        %max3A = arith.constant 0.000000e+00 : f32
        %max3A_194 = vector.broadcast %max3A : f32 to vector<16xf32>
        %max3A_195 = arith.maximumf %sub3A, %max3A_194 : vector<16xf32>
        %max3A_196 = arith.constant 0.000000e+00 : f32
        %max3A_197 = vector.broadcast %max3A_196 : f32 to vector<16xf32>
        %max3A_198 = arith.maximumf %gather3A_193, %max3A_197 : vector<16xf32>
        %gather3A_199 = tpu.vector_load_idx %arg19[%broadcast_in_dim3A_191, %get3A_19] : memref<128x100xf32, #tpu.memory_space<vmem>>[vector<16xi32>, vector<16xi32>], vector<16xf32>,
        %gather3A_200 = tpu.vector_load_idx %arg19[%broadcast_in_dim3A_191, %get3A_33] : memref<128x100xf32, #tpu.memory_space<vmem>>[vector<16xi32>, vector<16xi32>], vector<16xf32>,
        %sub3A_201 = arith.subf %get3A_47, %gather3A_199 : vector<16xf32>
        %max3A_202 = arith.constant 0.000000e+00 : f32
        %max3A_203 = vector.broadcast %max3A_202 : f32 to vector<16xf32>
        %max3A_204 = arith.maximumf %sub3A_201, %max3A_203 : vector<16xf32>
        %max3A_205 = arith.constant 0.000000e+00 : f32
        %max3A_206 = vector.broadcast %max3A_205 : f32 to vector<16xf32>
        %max3A_207 = arith.maximumf %gather3A_200, %max3A_206 : vector<16xf32>
        %gather3A_208 = tpu.vector_load_idx %arg19[%broadcast_in_dim3A_191, %get3A_21] : memref<128x100xf32, #tpu.memory_space<vmem>>[vector<16xi32>, vector<16xi32>], vector<16xf32>,
        %gather3A_209 = tpu.vector_load_idx %arg19[%broadcast_in_dim3A_191, %get3A_35] : memref<128x100xf32, #tpu.memory_space<vmem>>[vector<16xi32>, vector<16xi32>], vector<16xf32>,
        %sub3A_210 = arith.subf %get3A_49, %gather3A_208 : vector<16xf32>
        %max3A_211 = arith.constant 0.000000e+00 : f32
        %max3A_212 = vector.broadcast %max3A_211 : f32 to vector<16xf32>
        %max3A_213 = arith.maximumf %sub3A_210, %max3A_212 : vector<16xf32>
        %max3A_214 = arith.constant 0.000000e+00 : f32
        %max3A_215 = vector.broadcast %max3A_214 : f32 to vector<16xf32>
        %max3A_216 = arith.maximumf %gather3A_209, %max3A_215 : vector<16xf32>
        %gather3A_217 = tpu.vector_load_idx %arg19[%broadcast_in_dim3A_191, %get3A_23] : memref<128x100xf32, #tpu.memory_space<vmem>>[vector<16xi32>, vector<16xi32>], vector<16xf32>,
        %gather3A_218 = tpu.vector_load_idx %arg19[%broadcast_in_dim3A_191, %get3A_37] : memref<128x100xf32, #tpu.memory_space<vmem>>[vector<16xi32>, vector<16xi32>], vector<16xf32>,
        %sub3A_219 = arith.subf %get3A_51, %gather3A_217 : vector<16xf32>
        %max3A_220 = arith.constant 0.000000e+00 : f32
        %max3A_221 = vector.broadcast %max3A_220 : f32 to vector<16xf32>
        %max3A_222 = arith.maximumf %sub3A_219, %max3A_221 : vector<16xf32>
        %max3A_223 = arith.constant 0.000000e+00 : f32
        %max3A_224 = vector.broadcast %max3A_223 : f32 to vector<16xf32>
        %max3A_225 = arith.maximumf %gather3A_218, %max3A_224 : vector<16xf32>
        %gather3A_226 = tpu.vector_load_idx %arg19[%broadcast_in_dim3A_191, %get3A_25] : memref<128x100xf32, #tpu.memory_space<vmem>>[vector<16xi32>, vector<16xi32>], vector<16xf32>,
        %gather3A_227 = tpu.vector_load_idx %arg19[%broadcast_in_dim3A_191, %get3A_39] : memref<128x100xf32, #tpu.memory_space<vmem>>[vector<16xi32>, vector<16xi32>], vector<16xf32>,
        %sub3A_228 = arith.subf %get3A_53, %gather3A_226 : vector<16xf32>
        %max3A_229 = arith.constant 0.000000e+00 : f32
        %max3A_230 = vector.broadcast %max3A_229 : f32 to vector<16xf32>
        %max3A_231 = arith.maximumf %sub3A_228, %max3A_230 : vector<16xf32>
        %max3A_232 = arith.constant 0.000000e+00 : f32
        %max3A_233 = vector.broadcast %max3A_232 : f32 to vector<16xf32>
        %max3A_234 = arith.maximumf %gather3A_227, %max3A_233 : vector<16xf32>
        %gather3A_235 = tpu.vector_load_idx %arg19[%broadcast_in_dim3A_191, %get3A_27] : memref<128x100xf32, #tpu.memory_space<vmem>>[vector<16xi32>, vector<16xi32>], vector<16xf32>,
        %gather3A_236 = tpu.vector_load_idx %arg19[%broadcast_in_dim3A_191, %get3A_41] : memref<128x100xf32, #tpu.memory_space<vmem>>[vector<16xi32>, vector<16xi32>], vector<16xf32>,
        %sub3A_237 = arith.subf %get3A_55, %gather3A_235 : vector<16xf32>
        %max3A_238 = arith.constant 0.000000e+00 : f32
        %max3A_239 = vector.broadcast %max3A_238 : f32 to vector<16xf32>
        %max3A_240 = arith.maximumf %sub3A_237, %max3A_239 : vector<16xf32>
        %max3A_241 = arith.constant 0.000000e+00 : f32
        %max3A_242 = vector.broadcast %max3A_241 : f32 to vector<16xf32>
        %max3A_243 = arith.maximumf %gather3A_236, %max3A_242 : vector<16xf32>
        %gather3A_244 = tpu.vector_load_idx %arg19[%broadcast_in_dim3A_191, %get3A_29] masked %lt3A_15 : memref<128x100xf32, #tpu.memory_space<vmem>>[vector<16xi32>, vector<16xi32>], vector<16xf32>, vector<16xi1>
        %gather3A_245 = tpu.vector_load_idx %arg19[%broadcast_in_dim3A_191, %get3A_43] masked %lt3A_15 : memref<128x100xf32, #tpu.memory_space<vmem>>[vector<16xi32>, vector<16xi32>], vector<16xf32>, vector<16xi1>
        %sub3A_246 = arith.subf %get3A_57, %gather3A_244 : vector<16xf32>
        %max3A_247 = arith.constant 0.000000e+00 : f32
        %max3A_248 = vector.broadcast %max3A_247 : f32 to vector<16xf32>
        %max3A_249 = arith.maximumf %sub3A_246, %max3A_248 : vector<16xf32>
        %max3A_250 = arith.constant 0.000000e+00 : f32
        %max3A_251 = vector.broadcast %max3A_250 : f32 to vector<16xf32>
        %max3A_252 = arith.maximumf %gather3A_245, %max3A_251 : vector<16xf32>
        %jit3A_253 = arith.constant 0.000000e+00 : f32
        %broadcast_in_dim3A_254 = vector.broadcast %jit3A_253 : f32 to vector<16xf32>
        %select_n3A_255 = arith.select %lt3A_15, %max3A_249, %broadcast_in_dim3A_254 : vector<16xi1>, vector<16xf32>
        %jit3A_256 = arith.constant 0.000000e+00 : f32
        %broadcast_in_dim3A_257 = vector.broadcast %jit3A_256 : f32 to vector<16xf32>
        %select_n3A_258 = arith.select %lt3A_15, %max3A_252, %broadcast_in_dim3A_257 : vector<16xi1>, vector<16xf32>
        %broadcast_in_dim3A_259 = arith.constant true
        %broadcast_in_dim3A_260 = vector.broadcast %broadcast_in_dim3A_259 : i1 to vector<16xi1>
        %masked_cumsum3A = tpu.scan <sum>, %max3A_195 masked %broadcast_in_dim3A_260 : vector<16xf32>, vector<16xi1> -> vector<16xf32>
        %broadcast_in_dim3A_261 = arith.constant true
        %broadcast_in_dim3A_262 = vector.broadcast %broadcast_in_dim3A_261 : i1 to vector<16xi1>
        %masked_cumsum3A_263 = tpu.scan <sum>, %max3A_204 masked %broadcast_in_dim3A_262 : vector<16xf32>, vector<16xi1> -> vector<16xf32>
        %broadcast_in_dim3A_264 = arith.constant true
        %broadcast_in_dim3A_265 = vector.broadcast %broadcast_in_dim3A_264 : i1 to vector<16xi1>
        %masked_cumsum3A_266 = tpu.scan <sum>, %max3A_213 masked %broadcast_in_dim3A_265 : vector<16xf32>, vector<16xi1> -> vector<16xf32>
        %broadcast_in_dim3A_267 = arith.constant true
        %broadcast_in_dim3A_268 = vector.broadcast %broadcast_in_dim3A_267 : i1 to vector<16xi1>
        %masked_cumsum3A_269 = tpu.scan <sum>, %max3A_222 masked %broadcast_in_dim3A_268 : vector<16xf32>, vector<16xi1> -> vector<16xf32>
        %broadcast_in_dim3A_270 = arith.constant true
        %broadcast_in_dim3A_271 = vector.broadcast %broadcast_in_dim3A_270 : i1 to vector<16xi1>
        %masked_cumsum3A_272 = tpu.scan <sum>, %max3A_231 masked %broadcast_in_dim3A_271 : vector<16xf32>, vector<16xi1> -> vector<16xf32>
        %broadcast_in_dim3A_273 = arith.constant true
        %broadcast_in_dim3A_274 = vector.broadcast %broadcast_in_dim3A_273 : i1 to vector<16xi1>
        %masked_cumsum3A_275 = tpu.scan <sum>, %max3A_240 masked %broadcast_in_dim3A_274 : vector<16xf32>, vector<16xi1> -> vector<16xf32>
        %broadcast_in_dim3A_276 = arith.constant true
        %broadcast_in_dim3A_277 = vector.broadcast %broadcast_in_dim3A_276 : i1 to vector<16xi1>
        %masked_cumsum3A_278 = tpu.scan <sum>, %select_n3A_255 masked %broadcast_in_dim3A_277 : vector<16xf32>, vector<16xi1> -> vector<16xf32>
        %gather3A_279 = vector.shape_cast %broadcast_in_dim3A_13 : vector<16x1xi32> to vector<16xi32>
        %gather3A_280 = tpu.dynamic_gather %masked_cumsum3A[%gather3A_279] in [0] : vector<16xf32>, vector<16xi32> -> vector<16xf32>
        %gather3A_281 = vector.shape_cast %broadcast_in_dim3A_13 : vector<16x1xi32> to vector<16xi32>
        %gather3A_282 = tpu.dynamic_gather %masked_cumsum3A_263[%gather3A_281] in [0] : vector<16xf32>, vector<16xi32> -> vector<16xf32>
        %gather3A_283 = vector.shape_cast %broadcast_in_dim3A_13 : vector<16x1xi32> to vector<16xi32>
        %gather3A_284 = tpu.dynamic_gather %masked_cumsum3A_266[%gather3A_283] in [0] : vector<16xf32>, vector<16xi32> -> vector<16xf32>
        %gather3A_285 = vector.shape_cast %broadcast_in_dim3A_13 : vector<16x1xi32> to vector<16xi32>
        %gather3A_286 = tpu.dynamic_gather %masked_cumsum3A_269[%gather3A_285] in [0] : vector<16xf32>, vector<16xi32> -> vector<16xf32>
        %gather3A_287 = vector.shape_cast %broadcast_in_dim3A_13 : vector<16x1xi32> to vector<16xi32>
        %gather3A_288 = tpu.dynamic_gather %masked_cumsum3A_272[%gather3A_287] in [0] : vector<16xf32>, vector<16xi32> -> vector<16xf32>
        %gather3A_289 = vector.shape_cast %broadcast_in_dim3A_13 : vector<16x1xi32> to vector<16xi32>
        %gather3A_290 = tpu.dynamic_gather %masked_cumsum3A_275[%gather3A_289] in [0] : vector<16xf32>, vector<16xi32> -> vector<16xf32>
        %gather3A_291 = vector.shape_cast %broadcast_in_dim3A_13 : vector<16x1xi32> to vector<16xi32>
        %gather3A_292 = tpu.dynamic_gather %masked_cumsum3A_278[%gather3A_291] in [0] : vector<16xf32>, vector<16xi32> -> vector<16xf32>
        %add3A_293 = arith.addf %masked_cumsum3A, %broadcast_in_dim3A_5 : vector<16xf32>
        %min3A = arith.minimumf %select_n3A, %add3A_293 : vector<16xf32>
        %sub3A_294 = arith.subf %add3A_293, %max3A_195 : vector<16xf32>
        %min3A_295 = arith.minimumf %select_n3A, %sub3A_294 : vector<16xf32>
        %sub3A_296 = arith.subf %min3A, %min3A_295 : vector<16xf32>
        tpu.vector_store_idx %arg21[%broadcast_in_dim3A_191, %get3A_17], %sub3A_296 : memref<128x100xf32, #tpu.memory_space<vmem>>[vector<16xi32>, vector<16xi32>], vector<16xf32>,
        %add3A_297 = arith.addf %broadcast_in_dim3A_5, %gather3A_280 : vector<16xf32>
        %add3A_298 = arith.addf %masked_cumsum3A_263, %add3A_297 : vector<16xf32>
        %min3A_299 = arith.minimumf %select_n3A, %add3A_298 : vector<16xf32>
        %sub3A_300 = arith.subf %add3A_298, %max3A_204 : vector<16xf32>
        %min3A_301 = arith.minimumf %select_n3A, %sub3A_300 : vector<16xf32>
        %sub3A_302 = arith.subf %min3A_299, %min3A_301 : vector<16xf32>
        tpu.vector_store_idx %arg21[%broadcast_in_dim3A_191, %get3A_19], %sub3A_302 : memref<128x100xf32, #tpu.memory_space<vmem>>[vector<16xi32>, vector<16xi32>], vector<16xf32>,
        %add3A_303 = arith.addf %add3A_297, %gather3A_282 : vector<16xf32>
        %add3A_304 = arith.addf %masked_cumsum3A_266, %add3A_303 : vector<16xf32>
        %min3A_305 = arith.minimumf %select_n3A, %add3A_304 : vector<16xf32>
        %sub3A_306 = arith.subf %add3A_304, %max3A_213 : vector<16xf32>
        %min3A_307 = arith.minimumf %select_n3A, %sub3A_306 : vector<16xf32>
        %sub3A_308 = arith.subf %min3A_305, %min3A_307 : vector<16xf32>
        tpu.vector_store_idx %arg21[%broadcast_in_dim3A_191, %get3A_21], %sub3A_308 : memref<128x100xf32, #tpu.memory_space<vmem>>[vector<16xi32>, vector<16xi32>], vector<16xf32>,
        %add3A_309 = arith.addf %add3A_303, %gather3A_284 : vector<16xf32>
        %add3A_310 = arith.addf %masked_cumsum3A_269, %add3A_309 : vector<16xf32>
        %min3A_311 = arith.minimumf %select_n3A, %add3A_310 : vector<16xf32>
        %sub3A_312 = arith.subf %add3A_310, %max3A_222 : vector<16xf32>
        %min3A_313 = arith.minimumf %select_n3A, %sub3A_312 : vector<16xf32>
        %sub3A_314 = arith.subf %min3A_311, %min3A_313 : vector<16xf32>
        tpu.vector_store_idx %arg21[%broadcast_in_dim3A_191, %get3A_23], %sub3A_314 : memref<128x100xf32, #tpu.memory_space<vmem>>[vector<16xi32>, vector<16xi32>], vector<16xf32>,
        %add3A_315 = arith.addf %add3A_309, %gather3A_286 : vector<16xf32>
        %add3A_316 = arith.addf %masked_cumsum3A_272, %add3A_315 : vector<16xf32>
        %min3A_317 = arith.minimumf %select_n3A, %add3A_316 : vector<16xf32>
        %sub3A_318 = arith.subf %add3A_316, %max3A_231 : vector<16xf32>
        %min3A_319 = arith.minimumf %select_n3A, %sub3A_318 : vector<16xf32>
        %sub3A_320 = arith.subf %min3A_317, %min3A_319 : vector<16xf32>
        tpu.vector_store_idx %arg21[%broadcast_in_dim3A_191, %get3A_25], %sub3A_320 : memref<128x100xf32, #tpu.memory_space<vmem>>[vector<16xi32>, vector<16xi32>], vector<16xf32>,
        %add3A_321 = arith.addf %add3A_315, %gather3A_288 : vector<16xf32>
        %add3A_322 = arith.addf %masked_cumsum3A_275, %add3A_321 : vector<16xf32>
        %min3A_323 = arith.minimumf %select_n3A, %add3A_322 : vector<16xf32>
        %sub3A_324 = arith.subf %add3A_322, %max3A_240 : vector<16xf32>
        %min3A_325 = arith.minimumf %select_n3A, %sub3A_324 : vector<16xf32>
        %sub3A_326 = arith.subf %min3A_323, %min3A_325 : vector<16xf32>
        tpu.vector_store_idx %arg21[%broadcast_in_dim3A_191, %get3A_27], %sub3A_326 : memref<128x100xf32, #tpu.memory_space<vmem>>[vector<16xi32>, vector<16xi32>], vector<16xf32>,
        %add3A_327 = arith.addf %add3A_321, %gather3A_290 : vector<16xf32>
        %add3A_328 = arith.addf %masked_cumsum3A_278, %add3A_327 : vector<16xf32>
        %min3A_329 = arith.minimumf %select_n3A, %add3A_328 : vector<16xf32>
        %sub3A_330 = arith.subf %add3A_328, %select_n3A_255 : vector<16xf32>
        %min3A_331 = arith.minimumf %select_n3A, %sub3A_330 : vector<16xf32>
        %sub3A_332 = arith.subf %min3A_329, %min3A_331 : vector<16xf32>
        tpu.vector_store_idx %arg21[%broadcast_in_dim3A_191, %get3A_29], %sub3A_332 masked %lt3A_15 : memref<128x100xf32, #tpu.memory_space<vmem>>[vector<16xi32>, vector<16xi32>], vector<16xf32>, vector<16xi1>
        %add3A_333 = arith.addf %add3A_327, %gather3A_292 : vector<16xf32>
        %broadcast_in_dim3A_334 = arith.constant true
        %broadcast_in_dim3A_335 = vector.broadcast %broadcast_in_dim3A_334 : i1 to vector<16xi1>
        %masked_cumsum3A_336 = tpu.scan <sum>, %max3A_198 masked %broadcast_in_dim3A_335 : vector<16xf32>, vector<16xi1> -> vector<16xf32>
        %broadcast_in_dim3A_337 = arith.constant true
        %broadcast_in_dim3A_338 = vector.broadcast %broadcast_in_dim3A_337 : i1 to vector<16xi1>
        %masked_cumsum3A_339 = tpu.scan <sum>, %max3A_207 masked %broadcast_in_dim3A_338 : vector<16xf32>, vector<16xi1> -> vector<16xf32>
        %broadcast_in_dim3A_340 = arith.constant true
        %broadcast_in_dim3A_341 = vector.broadcast %broadcast_in_dim3A_340 : i1 to vector<16xi1>
        %masked_cumsum3A_342 = tpu.scan <sum>, %max3A_216 masked %broadcast_in_dim3A_341 : vector<16xf32>, vector<16xi1> -> vector<16xf32>
        %broadcast_in_dim3A_343 = arith.constant true
        %broadcast_in_dim3A_344 = vector.broadcast %broadcast_in_dim3A_343 : i1 to vector<16xi1>
        %masked_cumsum3A_345 = tpu.scan <sum>, %max3A_225 masked %broadcast_in_dim3A_344 : vector<16xf32>, vector<16xi1> -> vector<16xf32>
        %broadcast_in_dim3A_346 = arith.constant true
        %broadcast_in_dim3A_347 = vector.broadcast %broadcast_in_dim3A_346 : i1 to vector<16xi1>
        %masked_cumsum3A_348 = tpu.scan <sum>, %max3A_234 masked %broadcast_in_dim3A_347 : vector<16xf32>, vector<16xi1> -> vector<16xf32>
        %broadcast_in_dim3A_349 = arith.constant true
        %broadcast_in_dim3A_350 = vector.broadcast %broadcast_in_dim3A_349 : i1 to vector<16xi1>
        %masked_cumsum3A_351 = tpu.scan <sum>, %max3A_243 masked %broadcast_in_dim3A_350 : vector<16xf32>, vector<16xi1> -> vector<16xf32>
        %broadcast_in_dim3A_352 = arith.constant true
        %broadcast_in_dim3A_353 = vector.broadcast %broadcast_in_dim3A_352 : i1 to vector<16xi1>
        %masked_cumsum3A_354 = tpu.scan <sum>, %select_n3A_258 masked %broadcast_in_dim3A_353 : vector<16xf32>, vector<16xi1> -> vector<16xf32>
        %gather3A_355 = vector.shape_cast %broadcast_in_dim3A_13 : vector<16x1xi32> to vector<16xi32>
        %gather3A_356 = tpu.dynamic_gather %masked_cumsum3A_336[%gather3A_355] in [0] : vector<16xf32>, vector<16xi32> -> vector<16xf32>
        %gather3A_357 = vector.shape_cast %broadcast_in_dim3A_13 : vector<16x1xi32> to vector<16xi32>
        %gather3A_358 = tpu.dynamic_gather %masked_cumsum3A_339[%gather3A_357] in [0] : vector<16xf32>, vector<16xi32> -> vector<16xf32>
        %gather3A_359 = vector.shape_cast %broadcast_in_dim3A_13 : vector<16x1xi32> to vector<16xi32>
        %gather3A_360 = tpu.dynamic_gather %masked_cumsum3A_342[%gather3A_359] in [0] : vector<16xf32>, vector<16xi32> -> vector<16xf32>
        %gather3A_361 = vector.shape_cast %broadcast_in_dim3A_13 : vector<16x1xi32> to vector<16xi32>
        %gather3A_362 = tpu.dynamic_gather %masked_cumsum3A_345[%gather3A_361] in [0] : vector<16xf32>, vector<16xi32> -> vector<16xf32>
        %gather3A_363 = vector.shape_cast %broadcast_in_dim3A_13 : vector<16x1xi32> to vector<16xi32>
        %gather3A_364 = tpu.dynamic_gather %masked_cumsum3A_348[%gather3A_363] in [0] : vector<16xf32>, vector<16xi32> -> vector<16xf32>
        %gather3A_365 = vector.shape_cast %broadcast_in_dim3A_13 : vector<16x1xi32> to vector<16xi32>
        %gather3A_366 = tpu.dynamic_gather %masked_cumsum3A_351[%gather3A_365] in [0] : vector<16xf32>, vector<16xi32> -> vector<16xf32>
        %gather3A_367 = vector.shape_cast %broadcast_in_dim3A_13 : vector<16x1xi32> to vector<16xi32>
        %gather3A_368 = tpu.dynamic_gather %masked_cumsum3A_354[%gather3A_367] in [0] : vector<16xf32>, vector<16xi32> -> vector<16xf32>
        %add3A_369 = arith.addf %masked_cumsum3A_336, %broadcast_in_dim3A_5 : vector<16xf32>
        %min3A_370 = arith.minimumf %select_n3A_190, %add3A_369 : vector<16xf32>
        %sub3A_371 = arith.subf %add3A_369, %max3A_198 : vector<16xf32>
        %min3A_372 = arith.minimumf %select_n3A_190, %sub3A_371 : vector<16xf32>
        %sub3A_373 = arith.subf %min3A_370, %min3A_372 : vector<16xf32>
        tpu.vector_store_idx %arg23[%broadcast_in_dim3A_191, %get3A_31], %sub3A_373 : memref<128x100xf32, #tpu.memory_space<vmem>>[vector<16xi32>, vector<16xi32>], vector<16xf32>,
        %add3A_374 = arith.addf %broadcast_in_dim3A_5, %gather3A_356 : vector<16xf32>
        %add3A_375 = arith.addf %masked_cumsum3A_339, %add3A_374 : vector<16xf32>
        %min3A_376 = arith.minimumf %select_n3A_190, %add3A_375 : vector<16xf32>
        %sub3A_377 = arith.subf %add3A_375, %max3A_207 : vector<16xf32>
        %min3A_378 = arith.minimumf %select_n3A_190, %sub3A_377 : vector<16xf32>
        %sub3A_379 = arith.subf %min3A_376, %min3A_378 : vector<16xf32>
        tpu.vector_store_idx %arg23[%broadcast_in_dim3A_191, %get3A_33], %sub3A_379 : memref<128x100xf32, #tpu.memory_space<vmem>>[vector<16xi32>, vector<16xi32>], vector<16xf32>,
        %add3A_380 = arith.addf %add3A_374, %gather3A_358 : vector<16xf32>
        %add3A_381 = arith.addf %masked_cumsum3A_342, %add3A_380 : vector<16xf32>
        %min3A_382 = arith.minimumf %select_n3A_190, %add3A_381 : vector<16xf32>
        %sub3A_383 = arith.subf %add3A_381, %max3A_216 : vector<16xf32>
        %min3A_384 = arith.minimumf %select_n3A_190, %sub3A_383 : vector<16xf32>
        %sub3A_385 = arith.subf %min3A_382, %min3A_384 : vector<16xf32>
        tpu.vector_store_idx %arg23[%broadcast_in_dim3A_191, %get3A_35], %sub3A_385 : memref<128x100xf32, #tpu.memory_space<vmem>>[vector<16xi32>, vector<16xi32>], vector<16xf32>,
        %add3A_386 = arith.addf %add3A_380, %gather3A_360 : vector<16xf32>
        %add3A_387 = arith.addf %masked_cumsum3A_345, %add3A_386 : vector<16xf32>
        %min3A_388 = arith.minimumf %select_n3A_190, %add3A_387 : vector<16xf32>
        %sub3A_389 = arith.subf %add3A_387, %max3A_225 : vector<16xf32>
        %min3A_390 = arith.minimumf %select_n3A_190, %sub3A_389 : vector<16xf32>
        %sub3A_391 = arith.subf %min3A_388, %min3A_390 : vector<16xf32>
        tpu.vector_store_idx %arg23[%broadcast_in_dim3A_191, %get3A_37], %sub3A_391 : memref<128x100xf32, #tpu.memory_space<vmem>>[vector<16xi32>, vector<16xi32>], vector<16xf32>,
        %add3A_392 = arith.addf %add3A_386, %gather3A_362 : vector<16xf32>
        %add3A_393 = arith.addf %masked_cumsum3A_348, %add3A_392 : vector<16xf32>
        %min3A_394 = arith.minimumf %select_n3A_190, %add3A_393 : vector<16xf32>
        %sub3A_395 = arith.subf %add3A_393, %max3A_234 : vector<16xf32>
        %min3A_396 = arith.minimumf %select_n3A_190, %sub3A_395 : vector<16xf32>
        %sub3A_397 = arith.subf %min3A_394, %min3A_396 : vector<16xf32>
        tpu.vector_store_idx %arg23[%broadcast_in_dim3A_191, %get3A_39], %sub3A_397 : memref<128x100xf32, #tpu.memory_space<vmem>>[vector<16xi32>, vector<16xi32>], vector<16xf32>,
        %add3A_398 = arith.addf %add3A_392, %gather3A_364 : vector<16xf32>
        %add3A_399 = arith.addf %masked_cumsum3A_351, %add3A_398 : vector<16xf32>
        %min3A_400 = arith.minimumf %select_n3A_190, %add3A_399 : vector<16xf32>
        %sub3A_401 = arith.subf %add3A_399, %max3A_243 : vector<16xf32>
        %min3A_402 = arith.minimumf %select_n3A_190, %sub3A_401 : vector<16xf32>
        %sub3A_403 = arith.subf %min3A_400, %min3A_402 : vector<16xf32>
        tpu.vector_store_idx %arg23[%broadcast_in_dim3A_191, %get3A_41], %sub3A_403 : memref<128x100xf32, #tpu.memory_space<vmem>>[vector<16xi32>, vector<16xi32>], vector<16xf32>,
        %add3A_404 = arith.addf %add3A_398, %gather3A_366 : vector<16xf32>
        %add3A_405 = arith.addf %masked_cumsum3A_354, %add3A_404 : vector<16xf32>
        %min3A_406 = arith.minimumf %select_n3A_190, %add3A_405 : vector<16xf32>
        %sub3A_407 = arith.subf %add3A_405, %select_n3A_258 : vector<16xf32>
        %min3A_408 = arith.minimumf %select_n3A_190, %sub3A_407 : vector<16xf32>
        %sub3A_409 = arith.subf %min3A_406, %min3A_408 : vector<16xf32>
        tpu.vector_store_idx %arg23[%broadcast_in_dim3A_191, %get3A_43], %sub3A_409 masked %lt3A_15 : memref<128x100xf32, #tpu.memory_space<vmem>>[vector<16xi32>, vector<16xi32>], vector<16xf32>, vector<16xi1>
        %add3A_410 = arith.addf %add3A_404, %gather3A_368 : vector<16xf32>
        %mul3A_411 = arith.constant 2 : i32
        %mul3A_412 = arith.muli %mul3A_411, %scan3A_170 : i32
        %add3A_413 = arith.constant 1 : i32
        %add3A_414 = arith.addi %mul3A_412, %add3A_413 : i32
        %mul3A_415 = arith.constant 128 : i32
        %mul3A_416 = arith.muli %add3A_96, %mul3A_415 : i32
        %add3A_417 = arith.addi %mul3A_416, %add3A_414 : i32
        %broadcast_in_dim3A_418 = vector.broadcast %add3A_417 : i32 to vector<16xi32>
        %gather3A_419 = tpu.vector_load_idx %arg17[%broadcast_in_dim3A_418] : memref<2048xf32, #tpu.memory_space<vmem>>[vector<16xi32>], vector<16xf32>,
        %lt3A_420 = arith.constant 0.000000e+00 : f32
        %lt3A_421 = vector.broadcast %lt3A_420 : f32 to vector<16xf32>
        %lt3A_422 = arith.cmpf olt, %gather3A_419, %lt3A_421 : vector<16xf32>
        %mul3A_423 = arith.mulf %get3A_11, %gather3A_419 : vector<16xf32>
        %abs3A_424 = math.absf %mul3A_423 : vector<16xf32>
        %jit3A_425 = arith.constant 0.000000e+00 : f32
        %broadcast_in_dim3A_426 = vector.broadcast %jit3A_425 : f32 to vector<16xf32>
        %select_n3A_427 = arith.select %lt3A_422, %abs3A_424, %broadcast_in_dim3A_426 : vector<16xi1>, vector<16xf32>
        %gt3A_428 = arith.constant 0.000000e+00 : f32
        %gt3A_429 = vector.broadcast %gt3A_428 : f32 to vector<16xf32>
        %gt3A_430 = arith.cmpf ogt, %gather3A_419, %gt3A_429 : vector<16xf32>
        %mul3A_431 = arith.mulf %get3A_11, %gather3A_419 : vector<16xf32>
        %jit3A_432 = arith.constant 0.000000e+00 : f32
        %broadcast_in_dim3A_433 = vector.broadcast %jit3A_432 : f32 to vector<16xf32>
        %select_n3A_434 = arith.select %gt3A_430, %mul3A_431, %broadcast_in_dim3A_433 : vector<16xi1>, vector<16xf32>
        %broadcast_in_dim3A_435 = vector.broadcast %add3A_414 : i32 to vector<16xi32>
        %gather3A_436 = tpu.vector_load_idx %arg19[%broadcast_in_dim3A_435, %get3A_17] : memref<128x100xf32, #tpu.memory_space<vmem>>[vector<16xi32>, vector<16xi32>], vector<16xf32>,
        %gather3A_437 = tpu.vector_load_idx %arg19[%broadcast_in_dim3A_435, %get3A_31] : memref<128x100xf32, #tpu.memory_space<vmem>>[vector<16xi32>, vector<16xi32>], vector<16xf32>,
        %sub3A_438 = arith.subf %get3A_45, %gather3A_436 : vector<16xf32>
        %max3A_439 = arith.constant 0.000000e+00 : f32
        %max3A_440 = vector.broadcast %max3A_439 : f32 to vector<16xf32>
        %max3A_441 = arith.maximumf %sub3A_438, %max3A_440 : vector<16xf32>
        %max3A_442 = arith.constant 0.000000e+00 : f32
        %max3A_443 = vector.broadcast %max3A_442 : f32 to vector<16xf32>
        %max3A_444 = arith.maximumf %gather3A_437, %max3A_443 : vector<16xf32>
        %gather3A_445 = tpu.vector_load_idx %arg19[%broadcast_in_dim3A_435, %get3A_19] : memref<128x100xf32, #tpu.memory_space<vmem>>[vector<16xi32>, vector<16xi32>], vector<16xf32>,
        %gather3A_446 = tpu.vector_load_idx %arg19[%broadcast_in_dim3A_435, %get3A_33] : memref<128x100xf32, #tpu.memory_space<vmem>>[vector<16xi32>, vector<16xi32>], vector<16xf32>,
        %sub3A_447 = arith.subf %get3A_47, %gather3A_445 : vector<16xf32>
        %max3A_448 = arith.constant 0.000000e+00 : f32
        %max3A_449 = vector.broadcast %max3A_448 : f32 to vector<16xf32>
        %max3A_450 = arith.maximumf %sub3A_447, %max3A_449 : vector<16xf32>
        %max3A_451 = arith.constant 0.000000e+00 : f32
        %max3A_452 = vector.broadcast %max3A_451 : f32 to vector<16xf32>
        %max3A_453 = arith.maximumf %gather3A_446, %max3A_452 : vector<16xf32>
        %gather3A_454 = tpu.vector_load_idx %arg19[%broadcast_in_dim3A_435, %get3A_21] : memref<128x100xf32, #tpu.memory_space<vmem>>[vector<16xi32>, vector<16xi32>], vector<16xf32>,
        %gather3A_455 = tpu.vector_load_idx %arg19[%broadcast_in_dim3A_435, %get3A_35] : memref<128x100xf32, #tpu.memory_space<vmem>>[vector<16xi32>, vector<16xi32>], vector<16xf32>,
        %sub3A_456 = arith.subf %get3A_49, %gather3A_454 : vector<16xf32>
        %max3A_457 = arith.constant 0.000000e+00 : f32
        %max3A_458 = vector.broadcast %max3A_457 : f32 to vector<16xf32>
        %max3A_459 = arith.maximumf %sub3A_456, %max3A_458 : vector<16xf32>
        %max3A_460 = arith.constant 0.000000e+00 : f32
        %max3A_461 = vector.broadcast %max3A_460 : f32 to vector<16xf32>
        %max3A_462 = arith.maximumf %gather3A_455, %max3A_461 : vector<16xf32>
        %gather3A_463 = tpu.vector_load_idx %arg19[%broadcast_in_dim3A_435, %get3A_23] : memref<128x100xf32, #tpu.memory_space<vmem>>[vector<16xi32>, vector<16xi32>], vector<16xf32>,
        %gather3A_464 = tpu.vector_load_idx %arg19[%broadcast_in_dim3A_435, %get3A_37] : memref<128x100xf32, #tpu.memory_space<vmem>>[vector<16xi32>, vector<16xi32>], vector<16xf32>,
        %sub3A_465 = arith.subf %get3A_51, %gather3A_463 : vector<16xf32>
        %max3A_466 = arith.constant 0.000000e+00 : f32
        %max3A_467 = vector.broadcast %max3A_466 : f32 to vector<16xf32>
        %max3A_468 = arith.maximumf %sub3A_465, %max3A_467 : vector<16xf32>
        %max3A_469 = arith.constant 0.000000e+00 : f32
        %max3A_470 = vector.broadcast %max3A_469 : f32 to vector<16xf32>
        %max3A_471 = arith.maximumf %gather3A_464, %max3A_470 : vector<16xf32>
        %gather3A_472 = tpu.vector_load_idx %arg19[%broadcast_in_dim3A_435, %get3A_25] : memref<128x100xf32, #tpu.memory_space<vmem>>[vector<16xi32>, vector<16xi32>], vector<16xf32>,
        %gather3A_473 = tpu.vector_load_idx %arg19[%broadcast_in_dim3A_435, %get3A_39] : memref<128x100xf32, #tpu.memory_space<vmem>>[vector<16xi32>, vector<16xi32>], vector<16xf32>,
        %sub3A_474 = arith.subf %get3A_53, %gather3A_472 : vector<16xf32>
        %max3A_475 = arith.constant 0.000000e+00 : f32
        %max3A_476 = vector.broadcast %max3A_475 : f32 to vector<16xf32>
        %max3A_477 = arith.maximumf %sub3A_474, %max3A_476 : vector<16xf32>
        %max3A_478 = arith.constant 0.000000e+00 : f32
        %max3A_479 = vector.broadcast %max3A_478 : f32 to vector<16xf32>
        %max3A_480 = arith.maximumf %gather3A_473, %max3A_479 : vector<16xf32>
        %gather3A_481 = tpu.vector_load_idx %arg19[%broadcast_in_dim3A_435, %get3A_27] : memref<128x100xf32, #tpu.memory_space<vmem>>[vector<16xi32>, vector<16xi32>], vector<16xf32>,
        %gather3A_482 = tpu.vector_load_idx %arg19[%broadcast_in_dim3A_435, %get3A_41] : memref<128x100xf32, #tpu.memory_space<vmem>>[vector<16xi32>, vector<16xi32>], vector<16xf32>,
        %sub3A_483 = arith.subf %get3A_55, %gather3A_481 : vector<16xf32>
        %max3A_484 = arith.constant 0.000000e+00 : f32
        %max3A_485 = vector.broadcast %max3A_484 : f32 to vector<16xf32>
        %max3A_486 = arith.maximumf %sub3A_483, %max3A_485 : vector<16xf32>
        %max3A_487 = arith.constant 0.000000e+00 : f32
        %max3A_488 = vector.broadcast %max3A_487 : f32 to vector<16xf32>
        %max3A_489 = arith.maximumf %gather3A_482, %max3A_488 : vector<16xf32>
        %gather3A_490 = tpu.vector_load_idx %arg19[%broadcast_in_dim3A_435, %get3A_29] masked %lt3A_15 : memref<128x100xf32, #tpu.memory_space<vmem>>[vector<16xi32>, vector<16xi32>], vector<16xf32>, vector<16xi1>
        %gather3A_491 = tpu.vector_load_idx %arg19[%broadcast_in_dim3A_435, %get3A_43] masked %lt3A_15 : memref<128x100xf32, #tpu.memory_space<vmem>>[vector<16xi32>, vector<16xi32>], vector<16xf32>, vector<16xi1>
        %sub3A_492 = arith.subf %get3A_57, %gather3A_490 : vector<16xf32>
        %max3A_493 = arith.constant 0.000000e+00 : f32
        %max3A_494 = vector.broadcast %max3A_493 : f32 to vector<16xf32>
        %max3A_495 = arith.maximumf %sub3A_492, %max3A_494 : vector<16xf32>
        %max3A_496 = arith.constant 0.000000e+00 : f32
        %max3A_497 = vector.broadcast %max3A_496 : f32 to vector<16xf32>
        %max3A_498 = arith.maximumf %gather3A_491, %max3A_497 : vector<16xf32>
        %jit3A_499 = arith.constant 0.000000e+00 : f32
        %broadcast_in_dim3A_500 = vector.broadcast %jit3A_499 : f32 to vector<16xf32>
        %select_n3A_501 = arith.select %lt3A_15, %max3A_495, %broadcast_in_dim3A_500 : vector<16xi1>, vector<16xf32>
        %jit3A_502 = arith.constant 0.000000e+00 : f32
        %broadcast_in_dim3A_503 = vector.broadcast %jit3A_502 : f32 to vector<16xf32>
        %select_n3A_504 = arith.select %lt3A_15, %max3A_498, %broadcast_in_dim3A_503 : vector<16xi1>, vector<16xf32>
        %broadcast_in_dim3A_505 = arith.constant true
        %broadcast_in_dim3A_506 = vector.broadcast %broadcast_in_dim3A_505 : i1 to vector<16xi1>
        %masked_cumsum3A_507 = tpu.scan <sum>, %max3A_441 masked %broadcast_in_dim3A_506 : vector<16xf32>, vector<16xi1> -> vector<16xf32>
        %broadcast_in_dim3A_508 = arith.constant true
        %broadcast_in_dim3A_509 = vector.broadcast %broadcast_in_dim3A_508 : i1 to vector<16xi1>
        %masked_cumsum3A_510 = tpu.scan <sum>, %max3A_450 masked %broadcast_in_dim3A_509 : vector<16xf32>, vector<16xi1> -> vector<16xf32>
        %broadcast_in_dim3A_511 = arith.constant true
        %broadcast_in_dim3A_512 = vector.broadcast %broadcast_in_dim3A_511 : i1 to vector<16xi1>
        %masked_cumsum3A_513 = tpu.scan <sum>, %max3A_459 masked %broadcast_in_dim3A_512 : vector<16xf32>, vector<16xi1> -> vector<16xf32>
        %broadcast_in_dim3A_514 = arith.constant true
        %broadcast_in_dim3A_515 = vector.broadcast %broadcast_in_dim3A_514 : i1 to vector<16xi1>
        %masked_cumsum3A_516 = tpu.scan <sum>, %max3A_468 masked %broadcast_in_dim3A_515 : vector<16xf32>, vector<16xi1> -> vector<16xf32>
        %broadcast_in_dim3A_517 = arith.constant true
        %broadcast_in_dim3A_518 = vector.broadcast %broadcast_in_dim3A_517 : i1 to vector<16xi1>
        %masked_cumsum3A_519 = tpu.scan <sum>, %max3A_477 masked %broadcast_in_dim3A_518 : vector<16xf32>, vector<16xi1> -> vector<16xf32>
        %broadcast_in_dim3A_520 = arith.constant true
        %broadcast_in_dim3A_521 = vector.broadcast %broadcast_in_dim3A_520 : i1 to vector<16xi1>
        %masked_cumsum3A_522 = tpu.scan <sum>, %max3A_486 masked %broadcast_in_dim3A_521 : vector<16xf32>, vector<16xi1> -> vector<16xf32>
        %broadcast_in_dim3A_523 = arith.constant true
        %broadcast_in_dim3A_524 = vector.broadcast %broadcast_in_dim3A_523 : i1 to vector<16xi1>
        %masked_cumsum3A_525 = tpu.scan <sum>, %select_n3A_501 masked %broadcast_in_dim3A_524 : vector<16xf32>, vector<16xi1> -> vector<16xf32>
        %gather3A_526 = vector.shape_cast %broadcast_in_dim3A_13 : vector<16x1xi32> to vector<16xi32>
        %gather3A_527 = tpu.dynamic_gather %masked_cumsum3A_507[%gather3A_526] in [0] : vector<16xf32>, vector<16xi32> -> vector<16xf32>
        %gather3A_528 = vector.shape_cast %broadcast_in_dim3A_13 : vector<16x1xi32> to vector<16xi32>
        %gather3A_529 = tpu.dynamic_gather %masked_cumsum3A_510[%gather3A_528] in [0] : vector<16xf32>, vector<16xi32> -> vector<16xf32>
        %gather3A_530 = vector.shape_cast %broadcast_in_dim3A_13 : vector<16x1xi32> to vector<16xi32>
        %gather3A_531 = tpu.dynamic_gather %masked_cumsum3A_513[%gather3A_530] in [0] : vector<16xf32>, vector<16xi32> -> vector<16xf32>
        %gather3A_532 = vector.shape_cast %broadcast_in_dim3A_13 : vector<16x1xi32> to vector<16xi32>
        %gather3A_533 = tpu.dynamic_gather %masked_cumsum3A_516[%gather3A_532] in [0] : vector<16xf32>, vector<16xi32> -> vector<16xf32>
        %gather3A_534 = vector.shape_cast %broadcast_in_dim3A_13 : vector<16x1xi32> to vector<16xi32>
        %gather3A_535 = tpu.dynamic_gather %masked_cumsum3A_519[%gather3A_534] in [0] : vector<16xf32>, vector<16xi32> -> vector<16xf32>
        %gather3A_536 = vector.shape_cast %broadcast_in_dim3A_13 : vector<16x1xi32> to vector<16xi32>
        %gather3A_537 = tpu.dynamic_gather %masked_cumsum3A_522[%gather3A_536] in [0] : vector<16xf32>, vector<16xi32> -> vector<16xf32>
        %gather3A_538 = vector.shape_cast %broadcast_in_dim3A_13 : vector<16x1xi32> to vector<16xi32>
        %gather3A_539 = tpu.dynamic_gather %masked_cumsum3A_525[%gather3A_538] in [0] : vector<16xf32>, vector<16xi32> -> vector<16xf32>
        %add3A_540 = arith.addf %masked_cumsum3A_507, %broadcast_in_dim3A_5 : vector<16xf32>
        %min3A_541 = arith.minimumf %select_n3A_427, %add3A_540 : vector<16xf32>
        %sub3A_542 = arith.subf %add3A_540, %max3A_441 : vector<16xf32>
        %min3A_543 = arith.minimumf %select_n3A_427, %sub3A_542 : vector<16xf32>
        %sub3A_544 = arith.subf %min3A_541, %min3A_543 : vector<16xf32>
        tpu.vector_store_idx %arg21[%broadcast_in_dim3A_435, %get3A_17], %sub3A_544 : memref<128x100xf32, #tpu.memory_space<vmem>>[vector<16xi32>, vector<16xi32>], vector<16xf32>,
        %add3A_545 = arith.addf %broadcast_in_dim3A_5, %gather3A_527 : vector<16xf32>
        %add3A_546 = arith.addf %masked_cumsum3A_510, %add3A_545 : vector<16xf32>
        %min3A_547 = arith.minimumf %select_n3A_427, %add3A_546 : vector<16xf32>
        %sub3A_548 = arith.subf %add3A_546, %max3A_450 : vector<16xf32>
        %min3A_549 = arith.minimumf %select_n3A_427, %sub3A_548 : vector<16xf32>
        %sub3A_550 = arith.subf %min3A_547, %min3A_549 : vector<16xf32>
        tpu.vector_store_idx %arg21[%broadcast_in_dim3A_435, %get3A_19], %sub3A_550 : memref<128x100xf32, #tpu.memory_space<vmem>>[vector<16xi32>, vector<16xi32>], vector<16xf32>,
        %add3A_551 = arith.addf %add3A_545, %gather3A_529 : vector<16xf32>
        %add3A_552 = arith.addf %masked_cumsum3A_513, %add3A_551 : vector<16xf32>
        %min3A_553 = arith.minimumf %select_n3A_427, %add3A_552 : vector<16xf32>
        %sub3A_554 = arith.subf %add3A_552, %max3A_459 : vector<16xf32>
        %min3A_555 = arith.minimumf %select_n3A_427, %sub3A_554 : vector<16xf32>
        %sub3A_556 = arith.subf %min3A_553, %min3A_555 : vector<16xf32>
        tpu.vector_store_idx %arg21[%broadcast_in_dim3A_435, %get3A_21], %sub3A_556 : memref<128x100xf32, #tpu.memory_space<vmem>>[vector<16xi32>, vector<16xi32>], vector<16xf32>,
        %add3A_557 = arith.addf %add3A_551, %gather3A_531 : vector<16xf32>
        %add3A_558 = arith.addf %masked_cumsum3A_516, %add3A_557 : vector<16xf32>
        %min3A_559 = arith.minimumf %select_n3A_427, %add3A_558 : vector<16xf32>
        %sub3A_560 = arith.subf %add3A_558, %max3A_468 : vector<16xf32>
        %min3A_561 = arith.minimumf %select_n3A_427, %sub3A_560 : vector<16xf32>
        %sub3A_562 = arith.subf %min3A_559, %min3A_561 : vector<16xf32>
        tpu.vector_store_idx %arg21[%broadcast_in_dim3A_435, %get3A_23], %sub3A_562 : memref<128x100xf32, #tpu.memory_space<vmem>>[vector<16xi32>, vector<16xi32>], vector<16xf32>,
        %add3A_563 = arith.addf %add3A_557, %gather3A_533 : vector<16xf32>
        %add3A_564 = arith.addf %masked_cumsum3A_519, %add3A_563 : vector<16xf32>
        %min3A_565 = arith.minimumf %select_n3A_427, %add3A_564 : vector<16xf32>
        %sub3A_566 = arith.subf %add3A_564, %max3A_477 : vector<16xf32>
        %min3A_567 = arith.minimumf %select_n3A_427, %sub3A_566 : vector<16xf32>
        %sub3A_568 = arith.subf %min3A_565, %min3A_567 : vector<16xf32>
        tpu.vector_store_idx %arg21[%broadcast_in_dim3A_435, %get3A_25], %sub3A_568 : memref<128x100xf32, #tpu.memory_space<vmem>>[vector<16xi32>, vector<16xi32>], vector<16xf32>,
        %add3A_569 = arith.addf %add3A_563, %gather3A_535 : vector<16xf32>
        %add3A_570 = arith.addf %masked_cumsum3A_522, %add3A_569 : vector<16xf32>
        %min3A_571 = arith.minimumf %select_n3A_427, %add3A_570 : vector<16xf32>
        %sub3A_572 = arith.subf %add3A_570, %max3A_486 : vector<16xf32>
        %min3A_573 = arith.minimumf %select_n3A_427, %sub3A_572 : vector<16xf32>
        %sub3A_574 = arith.subf %min3A_571, %min3A_573 : vector<16xf32>
        tpu.vector_store_idx %arg21[%broadcast_in_dim3A_435, %get3A_27], %sub3A_574 : memref<128x100xf32, #tpu.memory_space<vmem>>[vector<16xi32>, vector<16xi32>], vector<16xf32>,
        %add3A_575 = arith.addf %add3A_569, %gather3A_537 : vector<16xf32>
        %add3A_576 = arith.addf %masked_cumsum3A_525, %add3A_575 : vector<16xf32>
        %min3A_577 = arith.minimumf %select_n3A_427, %add3A_576 : vector<16xf32>
        %sub3A_578 = arith.subf %add3A_576, %select_n3A_501 : vector<16xf32>
        %min3A_579 = arith.minimumf %select_n3A_427, %sub3A_578 : vector<16xf32>
        %sub3A_580 = arith.subf %min3A_577, %min3A_579 : vector<16xf32>
        tpu.vector_store_idx %arg21[%broadcast_in_dim3A_435, %get3A_29], %sub3A_580 masked %lt3A_15 : memref<128x100xf32, #tpu.memory_space<vmem>>[vector<16xi32>, vector<16xi32>], vector<16xf32>, vector<16xi1>
        %add3A_581 = arith.addf %add3A_575, %gather3A_539 : vector<16xf32>
        %broadcast_in_dim3A_582 = arith.constant true
        %broadcast_in_dim3A_583 = vector.broadcast %broadcast_in_dim3A_582 : i1 to vector<16xi1>
        %masked_cumsum3A_584 = tpu.scan <sum>, %max3A_444 masked %broadcast_in_dim3A_583 : vector<16xf32>, vector<16xi1> -> vector<16xf32>
        %broadcast_in_dim3A_585 = arith.constant true
        %broadcast_in_dim3A_586 = vector.broadcast %broadcast_in_dim3A_585 : i1 to vector<16xi1>
        %masked_cumsum3A_587 = tpu.scan <sum>, %max3A_453 masked %broadcast_in_dim3A_586 : vector<16xf32>, vector<16xi1> -> vector<16xf32>
        %broadcast_in_dim3A_588 = arith.constant true
        %broadcast_in_dim3A_589 = vector.broadcast %broadcast_in_dim3A_588 : i1 to vector<16xi1>
        %masked_cumsum3A_590 = tpu.scan <sum>, %max3A_462 masked %broadcast_in_dim3A_589 : vector<16xf32>, vector<16xi1> -> vector<16xf32>
        %broadcast_in_dim3A_591 = arith.constant true
        %broadcast_in_dim3A_592 = vector.broadcast %broadcast_in_dim3A_591 : i1 to vector<16xi1>
        %masked_cumsum3A_593 = tpu.scan <sum>, %max3A_471 masked %broadcast_in_dim3A_592 : vector<16xf32>, vector<16xi1> -> vector<16xf32>
        %broadcast_in_dim3A_594 = arith.constant true
        %broadcast_in_dim3A_595 = vector.broadcast %broadcast_in_dim3A_594 : i1 to vector<16xi1>
        %masked_cumsum3A_596 = tpu.scan <sum>, %max3A_480 masked %broadcast_in_dim3A_595 : vector<16xf32>, vector<16xi1> -> vector<16xf32>
        %broadcast_in_dim3A_597 = arith.constant true
        %broadcast_in_dim3A_598 = vector.broadcast %broadcast_in_dim3A_597 : i1 to vector<16xi1>
        %masked_cumsum3A_599 = tpu.scan <sum>, %max3A_489 masked %broadcast_in_dim3A_598 : vector<16xf32>, vector<16xi1> -> vector<16xf32>
        %broadcast_in_dim3A_600 = arith.constant true
        %broadcast_in_dim3A_601 = vector.broadcast %broadcast_in_dim3A_600 : i1 to vector<16xi1>
        %masked_cumsum3A_602 = tpu.scan <sum>, %select_n3A_504 masked %broadcast_in_dim3A_601 : vector<16xf32>, vector<16xi1> -> vector<16xf32>
        %gather3A_603 = vector.shape_cast %broadcast_in_dim3A_13 : vector<16x1xi32> to vector<16xi32>
        %gather3A_604 = tpu.dynamic_gather %masked_cumsum3A_584[%gather3A_603] in [0] : vector<16xf32>, vector<16xi32> -> vector<16xf32>
        %gather3A_605 = vector.shape_cast %broadcast_in_dim3A_13 : vector<16x1xi32> to vector<16xi32>
        %gather3A_606 = tpu.dynamic_gather %masked_cumsum3A_587[%gather3A_605] in [0] : vector<16xf32>, vector<16xi32> -> vector<16xf32>
        %gather3A_607 = vector.shape_cast %broadcast_in_dim3A_13 : vector<16x1xi32> to vector<16xi32>
        %gather3A_608 = tpu.dynamic_gather %masked_cumsum3A_590[%gather3A_607] in [0] : vector<16xf32>, vector<16xi32> -> vector<16xf32>
        %gather3A_609 = vector.shape_cast %broadcast_in_dim3A_13 : vector<16x1xi32> to vector<16xi32>
        %gather3A_610 = tpu.dynamic_gather %masked_cumsum3A_593[%gather3A_609] in [0] : vector<16xf32>, vector<16xi32> -> vector<16xf32>
        %gather3A_611 = vector.shape_cast %broadcast_in_dim3A_13 : vector<16x1xi32> to vector<16xi32>
        %gather3A_612 = tpu.dynamic_gather %masked_cumsum3A_596[%gather3A_611] in [0] : vector<16xf32>, vector<16xi32> -> vector<16xf32>
        %gather3A_613 = vector.shape_cast %broadcast_in_dim3A_13 : vector<16x1xi32> to vector<16xi32>
        %gather3A_614 = tpu.dynamic_gather %masked_cumsum3A_599[%gather3A_613] in [0] : vector<16xf32>, vector<16xi32> -> vector<16xf32>
        %gather3A_615 = vector.shape_cast %broadcast_in_dim3A_13 : vector<16x1xi32> to vector<16xi32>
        %gather3A_616 = tpu.dynamic_gather %masked_cumsum3A_602[%gather3A_615] in [0] : vector<16xf32>, vector<16xi32> -> vector<16xf32>
        %add3A_617 = arith.addf %masked_cumsum3A_584, %broadcast_in_dim3A_5 : vector<16xf32>
        %min3A_618 = arith.minimumf %select_n3A_434, %add3A_617 : vector<16xf32>
        %sub3A_619 = arith.subf %add3A_617, %max3A_444 : vector<16xf32>
        %min3A_620 = arith.minimumf %select_n3A_434, %sub3A_619 : vector<16xf32>
        %sub3A_621 = arith.subf %min3A_618, %min3A_620 : vector<16xf32>
        tpu.vector_store_idx %arg23[%broadcast_in_dim3A_435, %get3A_31], %sub3A_621 : memref<128x100xf32, #tpu.memory_space<vmem>>[vector<16xi32>, vector<16xi32>], vector<16xf32>,
        %add3A_622 = arith.addf %broadcast_in_dim3A_5, %gather3A_604 : vector<16xf32>
        %add3A_623 = arith.addf %masked_cumsum3A_587, %add3A_622 : vector<16xf32>
        %min3A_624 = arith.minimumf %select_n3A_434, %add3A_623 : vector<16xf32>
        %sub3A_625 = arith.subf %add3A_623, %max3A_453 : vector<16xf32>
        %min3A_626 = arith.minimumf %select_n3A_434, %sub3A_625 : vector<16xf32>
        %sub3A_627 = arith.subf %min3A_624, %min3A_626 : vector<16xf32>
        tpu.vector_store_idx %arg23[%broadcast_in_dim3A_435, %get3A_33], %sub3A_627 : memref<128x100xf32, #tpu.memory_space<vmem>>[vector<16xi32>, vector<16xi32>], vector<16xf32>,
        %add3A_628 = arith.addf %add3A_622, %gather3A_606 : vector<16xf32>
        %add3A_629 = arith.addf %masked_cumsum3A_590, %add3A_628 : vector<16xf32>
        %min3A_630 = arith.minimumf %select_n3A_434, %add3A_629 : vector<16xf32>
        %sub3A_631 = arith.subf %add3A_629, %max3A_462 : vector<16xf32>
        %min3A_632 = arith.minimumf %select_n3A_434, %sub3A_631 : vector<16xf32>
        %sub3A_633 = arith.subf %min3A_630, %min3A_632 : vector<16xf32>
        tpu.vector_store_idx %arg23[%broadcast_in_dim3A_435, %get3A_35], %sub3A_633 : memref<128x100xf32, #tpu.memory_space<vmem>>[vector<16xi32>, vector<16xi32>], vector<16xf32>,
        %add3A_634 = arith.addf %add3A_628, %gather3A_608 : vector<16xf32>
        %add3A_635 = arith.addf %masked_cumsum3A_593, %add3A_634 : vector<16xf32>
        %min3A_636 = arith.minimumf %select_n3A_434, %add3A_635 : vector<16xf32>
        %sub3A_637 = arith.subf %add3A_635, %max3A_471 : vector<16xf32>
        %min3A_638 = arith.minimumf %select_n3A_434, %sub3A_637 : vector<16xf32>
        %sub3A_639 = arith.subf %min3A_636, %min3A_638 : vector<16xf32>
        tpu.vector_store_idx %arg23[%broadcast_in_dim3A_435, %get3A_37], %sub3A_639 : memref<128x100xf32, #tpu.memory_space<vmem>>[vector<16xi32>, vector<16xi32>], vector<16xf32>,
        %add3A_640 = arith.addf %add3A_634, %gather3A_610 : vector<16xf32>
        %add3A_641 = arith.addf %masked_cumsum3A_596, %add3A_640 : vector<16xf32>
        %min3A_642 = arith.minimumf %select_n3A_434, %add3A_641 : vector<16xf32>
        %sub3A_643 = arith.subf %add3A_641, %max3A_480 : vector<16xf32>
        %min3A_644 = arith.minimumf %select_n3A_434, %sub3A_643 : vector<16xf32>
        %sub3A_645 = arith.subf %min3A_642, %min3A_644 : vector<16xf32>
        tpu.vector_store_idx %arg23[%broadcast_in_dim3A_435, %get3A_39], %sub3A_645 : memref<128x100xf32, #tpu.memory_space<vmem>>[vector<16xi32>, vector<16xi32>], vector<16xf32>,
        %add3A_646 = arith.addf %add3A_640, %gather3A_612 : vector<16xf32>
        %add3A_647 = arith.addf %masked_cumsum3A_599, %add3A_646 : vector<16xf32>
        %min3A_648 = arith.minimumf %select_n3A_434, %add3A_647 : vector<16xf32>
        %sub3A_649 = arith.subf %add3A_647, %max3A_489 : vector<16xf32>
        %min3A_650 = arith.minimumf %select_n3A_434, %sub3A_649 : vector<16xf32>
        %sub3A_651 = arith.subf %min3A_648, %min3A_650 : vector<16xf32>
        tpu.vector_store_idx %arg23[%broadcast_in_dim3A_435, %get3A_41], %sub3A_651 : memref<128x100xf32, #tpu.memory_space<vmem>>[vector<16xi32>, vector<16xi32>], vector<16xf32>,
        %add3A_652 = arith.addf %add3A_646, %gather3A_614 : vector<16xf32>
        %add3A_653 = arith.addf %masked_cumsum3A_602, %add3A_652 : vector<16xf32>
        %min3A_654 = arith.minimumf %select_n3A_434, %add3A_653 : vector<16xf32>
        %sub3A_655 = arith.subf %add3A_653, %select_n3A_504 : vector<16xf32>
        %min3A_656 = arith.minimumf %select_n3A_434, %sub3A_655 : vector<16xf32>
        %sub3A_657 = arith.subf %min3A_654, %min3A_656 : vector<16xf32>
        tpu.vector_store_idx %arg23[%broadcast_in_dim3A_435, %get3A_43], %sub3A_657 masked %lt3A_15 : memref<128x100xf32, #tpu.memory_space<vmem>>[vector<16xi32>, vector<16xi32>], vector<16xf32>, vector<16xi1>
        %add3A_658 = arith.addf %add3A_652, %gather3A_616 : vector<16xf32>
      }
      %scan3A_155 = arith.constant 64 : i32
      %mul3A_156 = arith.constant 128 : i32
      %mul3A_157 = arith.muli %add3A_96, %mul3A_156 : i32
      %add3A_158 = arith.addi %mul3A_2, %mul3A_157 : i32
      %dma_start3A_159 = arith.constant 0 : i32
      %dma_start3A_160 = tpu.memref_slice %arg8[%add3A_158, %dma_start3A_159] : memref<65536x100xf32, #tpu.memory_space<hbm>> -> memref<128x100xf32, #tpu.memory_space<hbm>>
      %dma_start3A_161 = arith.constant 0 : i32
      %dma_start3A_162 = tpu.memref_slice %arg8[%add3A_158, %dma_start3A_161] : memref<65536x100xf32, #tpu.memory_space<hbm>> -> memref<128x100xf32, #tpu.memory_space<hbm>>
      tpu.enqueue_dma source(%arg21 : memref<128x100xf32, #tpu.memory_space<vmem>>) target(%dma_start3A_162 : memref<128x100xf32, #tpu.memory_space<hbm>>) target_semaphore(%arg27 : memref<!tpu.dma_semaphore, #tpu.memory_space<semaphore_mem>>)
      %mul3A_163 = arith.constant 128 : i32
      %mul3A_164 = arith.muli %add3A_96, %mul3A_163 : i32
      %add3A_165 = arith.addi %mul3A_2, %mul3A_164 : i32
      %dma_start3A_166 = arith.constant 0 : i32
      %dma_start3A_167 = tpu.memref_slice %arg9[%add3A_165, %dma_start3A_166] : memref<65536x100xf32, #tpu.memory_space<hbm>> -> memref<128x100xf32, #tpu.memory_space<hbm>>
      %dma_start3A_168 = arith.constant 0 : i32
      %dma_start3A_169 = tpu.memref_slice %arg9[%add3A_165, %dma_start3A_168] : memref<65536x100xf32, #tpu.memory_space<hbm>> -> memref<128x100xf32, #tpu.memory_space<hbm>>
      tpu.enqueue_dma source(%arg23 : memref<128x100xf32, #tpu.memory_space<vmem>>) target(%dma_start3A_169 : memref<128x100xf32, #tpu.memory_space<hbm>>) target_semaphore(%arg29 : memref<!tpu.dma_semaphore, #tpu.memory_space<semaphore_mem>>)
    }
    %scan3A_68 = arith.constant 8 : i32
    %add3A_69 = arith.constant 1792 : i32
    %add3A_70 = arith.addi %mul3A_2, %add3A_69 : i32
    %dma_wait3A = arith.constant 0 : i32
    %dma_wait3A_71 = tpu.memref_slice %arg8[%add3A_70, %dma_wait3A] : memref<65536x100xf32, #tpu.memory_space<hbm>> -> memref<128x100xf32, #tpu.memory_space<hbm>>
    %dma_wait3A_72 = arith.constant 0 : i32
    %dma_wait3A_73 = tpu.memref_slice %arg8[%add3A_70, %dma_wait3A_72] : memref<65536x100xf32, #tpu.memory_space<hbm>> -> memref<128x100xf32, #tpu.memory_space<hbm>>
    tpu.wait_dma2 semaphore(%arg26 : memref<!tpu.dma_semaphore, #tpu.memory_space<semaphore_mem>>) src(%arg20 : memref<128x100xf32, #tpu.memory_space<vmem>>) dst(%dma_wait3A_73 : memref<128x100xf32, #tpu.memory_space<hbm>>)
    %add3A_74 = arith.constant 1792 : i32
    %add3A_75 = arith.addi %mul3A_2, %add3A_74 : i32
    %dma_wait3A_76 = arith.constant 0 : i32
    %dma_wait3A_77 = tpu.memref_slice %arg9[%add3A_75, %dma_wait3A_76] : memref<65536x100xf32, #tpu.memory_space<hbm>> -> memref<128x100xf32, #tpu.memory_space<hbm>>
    %dma_wait3A_78 = arith.constant 0 : i32
    %dma_wait3A_79 = tpu.memref_slice %arg9[%add3A_75, %dma_wait3A_78] : memref<65536x100xf32, #tpu.memory_space<hbm>> -> memref<128x100xf32, #tpu.memory_space<hbm>>
    tpu.wait_dma2 semaphore(%arg28 : memref<!tpu.dma_semaphore, #tpu.memory_space<semaphore_mem>>) src(%arg22 : memref<128x100xf32, #tpu.memory_space<vmem>>) dst(%dma_wait3A_79 : memref<128x100xf32, #tpu.memory_space<hbm>>)
    %add3A_80 = arith.constant 1920 : i32
    %add3A_81 = arith.addi %mul3A_2, %add3A_80 : i32
    %dma_wait3A_82 = arith.constant 0 : i32
    %dma_wait3A_83 = tpu.memref_slice %arg8[%add3A_81, %dma_wait3A_82] : memref<65536x100xf32, #tpu.memory_space<hbm>> -> memref<128x100xf32, #tpu.memory_space<hbm>>
    %dma_wait3A_84 = arith.constant 0 : i32
    %dma_wait3A_85 = tpu.memref_slice %arg8[%add3A_81, %dma_wait3A_84] : memref<65536x100xf32, #tpu.memory_space<hbm>> -> memref<128x100xf32, #tpu.memory_space<hbm>>
    tpu.wait_dma2 semaphore(%arg27 : memref<!tpu.dma_semaphore, #tpu.memory_space<semaphore_mem>>) src(%arg21 : memref<128x100xf32, #tpu.memory_space<vmem>>) dst(%dma_wait3A_85 : memref<128x100xf32, #tpu.memory_space<hbm>>)
    %add3A_86 = arith.constant 1920 : i32
    %add3A_87 = arith.addi %mul3A_2, %add3A_86 : i32
    %dma_wait3A_88 = arith.constant 0 : i32
    %dma_wait3A_89 = tpu.memref_slice %arg9[%add3A_87, %dma_wait3A_88] : memref<65536x100xf32, #tpu.memory_space<hbm>> -> memref<128x100xf32, #tpu.memory_space<hbm>>
    %dma_wait3A_90 = arith.constant 0 : i32
    %dma_wait3A_91 = tpu.memref_slice %arg9[%add3A_87, %dma_wait3A_90] : memref<65536x100xf32, #tpu.memory_space<hbm>> -> memref<128x100xf32, #tpu.memory_space<hbm>>
    tpu.wait_dma2 semaphore(%arg29 : memref<!tpu.dma_semaphore, #tpu.memory_space<semaphore_mem>>) src(%arg23 : memref<128x100xf32, #tpu.memory_space<vmem>>) dst(%dma_wait3A_91 : memref<128x100xf32, #tpu.memory_space<hbm>>)
    return
  }
}

</mosaic_0001>

<sc_bundles>
// kernel: kernel.3.cloned.1.call-start
scs
__scs_entry_jumppad:
0x0: {  	(pc) =	sbr.rel $0x88, $3  }
0x1: {  	(tag) =	ssettag $0x0;
	lr =	simm.s32 $0x1  }
0x2: {  	[smem:$0x3F9B] =	sst lr;
	_ =	strace $0xD0000000  }
0x3: {  	_ = 	snop  }
0x4: {  	_ = 	snop  }
0x5: {  	_ = 	snop  }
0x6: {  	_ = 	snop  }
0x7: {  	_ = 	snop  }
__scs_overlays_trampoline_lowered:
0x8: {  	[smem:$0x3FAA] =	sst s0  }
0x9: {  	[smem:$0x3FAB] =	sst s1  }
0xa: {  	[smem:$0x3FAC] =	sst s2  }
0xb: {  	[smem:$0x3FAD] =	sst s3  }
0xc: {  	[smem:$0x3FAE] =	sst s4  }
0xd: {  	[smem:$0x3FAF] =	sst s5  }
0xe: {  	[smem:$0x3FB0] =	sst s6  }
0xf: {  	[smem:$0x3FB1] =	sst s7  }
0x10: {  	[smem:$0x3FB2] =	sst s8  }
0x11: {  	[smem:$0x3FB3] =	sst s9;
	s0 =	simm.s32 @!p0 $0x0  }
0x12: {  	s1 =	sld [smem:$0x3F99];
	s0 =	simm.s32 @p0 $0x1  }
0x13: {  	[smem:$0x3FB4] =	sst s0;
	s0 =	simm.s32 @!p1 $0x0  }
0x14: {  	s2 =	sld [smem:$0x3F98];
	s0 =	simm.s32 @p1 $0x1  }
0x15: {  	[smem:$0x3FB5] =	sst s0;
	s0 =	simm.s32 @!p2 $0x0  }
0x16: {  	s3 =	sld [smem:$0x3FDB];
	s0 =	simm.s32 @p2 $0x1  }
0x17: {  	s4 =	simm.s32 $0x1BF5;
	[smem:$0x3FB7] =	sst s0  }
0x18: {  	s0 =	sld [smem:$0x3F9A];
	_ =	swait.ge [sflag:s4], $0x0  }
0x19: {  	s7 =	sld [smem:$0x3F9B]  }
0x1a: {  	s8 =	sadd.s32 $0xFFFFE003, lr  }
0x1b: {  	s9 =	sadd.s32 $0xFFFFFEF7, lr;
	s5 =	simm.s32 $0xFFFFFFFF;
	p2 =	slt.u32 s8, $0xFFFFF086  }
0x1c: {  	p1 =	slt.u32 s9, $0xF7A;
	s5 =	simm.s32 @!p2 $0x0  }
0x1d: {  	s5 =	simm.s32 @p1 $0x1;
	p0 =	seq.s32 s7, s2  }
0x1e: {  	s7 =	smul.u32 @!p0 $0xF7A, s2;
	p2 =	seq.s32 @!p0 s5, $0x0  }
0x1f: {  	s9 =	smul.u32 $0xF7A, s1;
	s8 =	simm.s32 @!p0 $0x1BF5;
	p2 =	por !p2, p0  }
0x20: {  	[sflag:s8] =	ssyncset.s32 @!p0 $0xFFFFF086;
	s6 =	sadd.s32 @!p0 s3, s7;
	s7 =	simm.s32 @!p0 $0x108  }
0x21: {  	s3 =	sadd.s32 s3, s9;
	s6 =	sadd.s32 @!p0 $0x88, s6;
	s7 =	simm.s32 @p2 $0x1082  }
0x22: {  	[simem:s7], [sflag:s8] =	dma.local @!p0 [hbm:s6], $0xF7A  }
0x23: {  	s9 =	sor.u32 $0xD0000000, s2;
	s6 =	simm.s32 $0x108;
	_ =	swait.ge @!p0 [sflag:s8], $0x0  }
0x24: {  	s3 =	sadd.s32 $0x88, s3;
	s6 =	simm.s32 @!p1 $0x1082;
	[sflag:s4] =	ssyncset.s32 $0xFFFFF086  }
0x25: {  	[simem:s6], [sflag:s4] =	dma.local [hbm:s3], $0xF7A  }
0x26: {  	[smem:$0x3F9B] =	sst s1;
	(tag) =	ssettag s2;
	_ =	strace s9  }
0x27: {  	s1 =	sld [smem:$0x3FAB]  }
0x28: {  	s2 =	sld [smem:$0x3FAC]  }
0x29: {  	s4 =	sld [smem:$0x3FAE]  }
0x2a: {  	p0 =	seq.s32 s5, $0x0;
	s5 =	sld [smem:$0x3FAF]  }
0x2b: {  	s6 =	sld [smem:$0x3FB0]  }
0x2c: {  	s7 =	sld [smem:$0x3FB1]  }
0x2d: {  	s3 =	simm.s32 $0x108;
	s8 =	sld [smem:$0x3FB2]  }
0x2e: {  	s3 =	simm.s32 @!p0 $0x1082;
	s9 =	sld [smem:$0x3FB3]  }
0x2f: {  	lr =	sadd.s32 s0, s3;
	s0 =	sld [smem:$0x3FAA]  }
0x30: {  	s3 =	sld [smem:$0x3FAD]  }
0x31: {  	[smem:$0x3FB6] =	sst s10  }
0x32: {  	s10 =	sld [smem:$0x3FB4];
	_ =	sdelay $0x3  }
0x33: {  	p0 =	seq.s32 s10, $0x1;
	s10 =	sld [smem:$0x3FB6];
	_ =	sdelay $0x3  }
0x34: {  	[smem:$0x3FB6] =	sst s10  }
0x35: {  	s10 =	sld [smem:$0x3FB5];
	_ =	sdelay $0x3  }
0x36: {  	p1 =	seq.s32 s10, $0x1;
	s10 =	sld [smem:$0x3FB6];
	_ =	sdelay $0x3  }
0x37: {  	[smem:$0x3FB6] =	sst s10  }
0x38: {  	s10 =	sld [smem:$0x3FB7]  }
0x39: {  	_ = 	snop;
	(pc) =	sbr.ind lr, $3  }
0x3a: {  	_ = 	snop  }
0x3b: {  	_ = 	snop  }
0x3c: {  	p2 =	seq.s32 s10, $0x1;
	s10 =	sld [smem:$0x3FB6]  }
0x3d: {  	_ =	shalt  }
0x3e: {  	_ =	shalt  }
0x3f: {  	_ =	shalt  }
0x40: {  	_ =	shalt  }
0x41: {  	_ =	shalt  }
0x42: {  	_ =	shalt  }
0x43: {  	_ =	shalt  }
0x44: {  	_ =	shalt  }
0x45: {  	_ =	shalt  }
0x46: {  	_ =	shalt  }
0x47: {  	_ =	shalt  }
0x48: {  	_ =	shalt  }
0x49: {  	_ =	shalt  }
0x4a: {  	_ =	shalt  }
0x4b: {  	_ =	shalt  }
0x4c: {  	_ =	shalt  }
0x4d: {  	_ =	shalt  }
0x4e: {  	_ =	shalt  }
0x4f: {  	_ =	shalt  }
0x50: {  	_ =	shalt  }
0x51: {  	_ =	shalt  }
0x52: {  	_ =	shalt  }
0x53: {  	_ =	shalt  }
0x54: {  	_ =	shalt  }
0x55: {  	_ =	shalt  }
0x56: {  	_ =	shalt  }
0x57: {  	_ =	shalt  }
0x58: {  	_ =	shalt  }
0x59: {  	_ =	shalt  }
0x5a: {  	_ =	shalt  }
0x5b: {  	_ =	shalt  }
0x5c: {  	_ =	shalt  }
0x5d: {  	_ =	shalt  }
0x5e: {  	_ =	shalt  }
0x5f: {  	_ =	shalt  }
0x60: {  	_ =	shalt  }
0x61: {  	_ =	shalt  }
0x62: {  	_ =	shalt  }
0x63: {  	_ =	shalt  }
0x64: {  	_ =	shalt  }
0x65: {  	_ =	shalt  }
0x66: {  	_ =	shalt  }
0x67: {  	_ =	shalt  }
0x68: {  	_ =	shalt  }
0x69: {  	_ =	shalt  }
0x6a: {  	_ =	shalt  }
0x6b: {  	_ =	shalt  }
0x6c: {  	_ =	shalt  }
0x6d: {  	_ =	shalt  }
0x6e: {  	_ =	shalt  }
0x6f: {  	_ =	shalt  }
0x70: {  	_ =	shalt  }
0x71: {  	_ =	shalt  }
0x72: {  	_ =	shalt  }
0x73: {  	_ =	shalt  }
0x74: {  	_ =	shalt  }
0x75: {  	_ =	shalt  }
0x76: {  	_ =	shalt  }
0x77: {  	_ =	shalt  }
0x78: {  	_ =	shalt  }
0x79: {  	_ =	shalt  }
0x7a: {  	_ =	shalt  }
0x7b: {  	_ =	shalt  }
0x7c: {  	_ =	shalt  }
0x7d: {  	_ =	shalt  }
0x7e: {  	_ =	shalt  }
0x7f: {  	_ =	shalt  }
0x80: {  	_ =	shalt  }
0x81: {  	_ =	shalt  }
0x82: {  	_ =	shalt  }
0x83: {  	_ =	shalt  }
0x84: {  	_ =	shalt  }
0x85: {  	_ =	shalt  }
0x86: {  	_ =	shalt  }
0x87: {  	_ =	shalt  }
.Lfunc_end0:
.L_simem_size_0:
called_computation_lowered:
.L_overlay_start_0:
0x88: {  	s2 =	sld [smem:$0x3FD9]  }
0x89: {  	s3 =	sld [smem:$0x3FFE];
	_ =	sdelay $0x1  }
0x8a: {  	s1 =	srdreg.scid  }
0x8b: {  	s0 =	sand.u32 $0x1, s1  }
0x8c: {  	s14 =	sshll.u32 s0, $0xA;
	s2 =	sadd.s32 s3, s2  }
0x8d: {  	s2 =	sadd.s32 s2, s14  }
0x8e: {  	[smem:$0x3FC2] =	sst s2  }
0x8f: {  	_ = 	snop  }
0x90: {  	s2 =	sld [smem:$0x3FD0];
	_ =	sdelay $0x2  }
0x91: {  	s4 =	simm.s32 $0xA;
	s5 =	simm.s32 $0x10;
	s15 =	sld [smem:$0x3FC9]  }
0x92: {  	[smem:s5], [sflag:s4] =	dma.local [hbm:s2], $0x1  }
0x93: {  	_ =	swait.eq [sflag:s4], $0x1  }
0x94: {  	[sflag:s4] =	ssyncset.done $0x0  }
0x95: {  	s16 =	sld [smem:$0x10];
	[sflag:s4] =	ssyncadd.s32 $0xFFFFFFFF  }
0x96: {  	s17 =	sld [smem:$0x11];
	(tm) =	ssettm $0x1  }
0x97: {  	s18 =	sld [smem:$0x3FFB];
	_ =	sdelay $0x3  }
0x98: {  	_ =	strace s18  }
0x99: {  	s5 =	sld [smem:$0x3FFC];
	_ =	sdelay $0x3  }
0x9a: {  	_ =	strace s5  }
0x9b: {  	s5 =	sld [smem:$0x3FFD];
	_ =	sdelay $0x3  }
0x9c: {  	_ =	strace s5  }
0x9d: {  	_ =	strace $0x8FFFFFFF  }
0x9e: {  	s19 =	sld [smem:$0x3FDB];
	_ =	sdelay $0x1  }
0x9f: {  	s6 =	simm.s32 $_scs_section_size  }
0xa0: {  	s7 =	simm.s32 $_size__tile_overlayer_lowered;
	s8 =	simm.s32 $_tile_overlayer_lowered  }
0xa1: {  	s22 =	simm.s32 $0x1BFF;
	s21 =	sshll.u32 s8, $0x1;
	s5 =	sadd.s32 s6, s19  }
0xa2: {  	s9 =	simm.s32 $0x0;
	s20 =	sshll.u32 s7, $0x1;
	s7 =	sadd.s32 s21, s5  }
0xa3: {  	[timem:s9], [sflag:s22] =	dma.local [hbm:s7], s20  }
0xa4: {  	_ =	swait.ge [sflag:s22], s20  }
0xa5: {  	s6 =	ssub.s32 $0x0, s20;
	[sflag:s22] =	ssyncset.done $0x0  }
0xa6: {  	[sflag:s22] =	ssyncadd.s32 s6;
	_ =	sdelay $0x1  }
0xa7: {  	s23 =	simm.s32 $0x1B8B  }
0xa8: {  	_ =	swait.ge [sflag:s23], $0x1  }
0xa9: {  	[sflag:s23] =	ssyncset.done $0x0  }
0xaa: {  	s25 =	simm.s32 $0x1B8E;
	s24 =	sld [smem:$0x3FFE];
	[sflag:s23] =	ssyncadd.s32 $0xFFFFFFFF  }
0xab: {  	s26 =	simm.s32 $execute0_lowered;
	[smem:$0x3FD2] =	sst s25  }
0xac: {  	s7 =	sshll.u32 s26, $0x1;
	_ =	strace $0x80000046;
	[dreg:$0x1] =	wrdreg $0xFFFFFFFF  }
0xad: {  	s28 =	simm.s32 $_size_execute0_lowered;
	s5 =	sadd.s32 s5, s7;
	[dreg:$0x0] =	wrdreg $0x0  }
0xae: {  	s7 =	sshll.u32 s28, $0x1;
	[dreg:$0x2] =	wrdreg s5  }
0xaf: {  	[dreg:$0x3] =	wrdreg s7  }
0xb0: {  	[dreg:$0x4] =	wrdreg $0xC0  }
0xb1: {  	_ =	task [dreg:s9], $0x5FFFF  }
0xb2: {  	[dreg:$0x1] =	wrdreg $0xFFFFFFFF  }
0xb3: {  	[dreg:$0x0] =	wrdreg $0x60  }
0xb4: {  	[dreg:$0x2] =	wrdreg s15  }
0xb5: {  	[dreg:$0x3] =	wrdreg s24  }
0xb6: {  	[dreg:$0x4] =	wrdreg s17  }
0xb7: {  	[dreg:$0x5] =	wrdreg s16  }
0xb8: {  	[dreg:$0x6] =	wrdreg $0x9  }
0xb9: {  	_ =	task.clear_ibuf [dreg:s9], $0x7FFFF;
	_ =	strace $0x90000046  }
0xba: {  	s29 =	simm.s32 $0x9;
	_ =	strace $0x80000048  }
0xbb: {  	_ =	swait.ge [sflag:s29], $0x1  }
0xbc: {  	[sflag:s29] =	ssyncadd.s32 $0xFFFFFFFF  }
0xbd: {  	_ =	strace $0x90000048  }
0xbe: {  	_ =	sfence  }
0xbf: {  	s30 =	sld [smem:$0x0];
	_ =	sdelay $0x2  }
0xc0: {  	s31 =	sshll.u32 s1, $0xD;
	s1 =	sshrl.u32 s1, $0x2  }
0xc1: {  	s3 =	sand.u32 $0x4000, s31;
	s1 =	sadd.s32 s1, s30  }
0xc2: {  	s0 =	sor.u32 s3, s0;
	s1 =	sshll.u32 s1, $0x11  }
0xc3: {  	s0 =	sor.u32 s1, s0  }
0xc4: {  	s0 =	sadd.s32 $0x8F2B, s0  }
0xc5: {  	[sflag:s0] =	ssyncadd.remote.s32 $0x1  }
0xc6: {  	_ =	sfence.sel $0xFFFF  }
0xc7: {  	[dreg:$0x0] =	wrdreg $0xFFFFFFFF;
	(pc) =	sbr.abs _section_cstart, $3  }
0xc8: {  	[dreg:$0x1] =	wrdreg $0xFFFFFFFF  }
0xc9: {  	_ =	task.clear_ibuf [dreg:s9], $0x2FFFF;
	_ =	strace $0x9FFFFFFF  }
0xca: {  	(tm) =	ssettm $0x7FFFFFFF  }
0xcb: {  	_ =	shalt  }
tec
execute0_lowered:
.L_overlay_start_1:
0x0: {  	(tag) =	ssettag $0x1  }
0x1: {  	s0 =	rddreg [dreg:$0x0]  }
0x2: {  	s1 =	rddreg [dreg:$0x1];
	s3 =	simm.s32 $0x0  }
0x3: {  	s2 =	srdreg.scid;
	s22 =	stileid.u32;
	s15 =	simm.s32 $0x7  }
0x4: {  	s16 =	simm.s32 $0x80;
	s17 =	simm.s32 $0x100;
	s19 =	simm.s32 $0x380  }
0x5: {  	s20 =	simm.s32 $0x200;
	s21 =	simm.s32 $0x280;
	s28 =	simm.s32 $0x10B80  }
0x6: {  	s29 =	simm.s32 $0x2;
	s30 =	simm.s32 $0xCB80;
	s31 =	simm.s32 $0x14B80  }
0x7: {  	[smem:$0x7FF] =	sst s3;
	s5 =	sadd.s32 $0x1000, s1;
	s4 =	sadd.s32 $0x101000, s1  }
0x8: {  	s2 =	sand.u32 $0x1, s2;
	s6 =	sadd.s32 $0x101200, s1;
	s8 =	sadd.s32 $0x101400, s1  }
0x9: {  	s10 =	sadd.s32 $0x201400, s1;
	_ =	strace $0x80000047;
	[dreg:$0x5] =	wrdreg s4  }
0xa: {  	[dreg:$0x6] =	wrdreg s6;
	s4 =	sshll.u32 s22, $0xC;
	s23 =	sshll.u32 s2, $0xB  }
0xb: {  	s2 =	ssub.s32 $0x2, s2;
	s22 =	simm.s32 $0x180;
	s9 =	sor.u32 s23, s4  }
0xc: {  	s24 =	sshrl.u32 s2, $0x1;
	s23 =	simm.s32 $0xB80;
	s4 =	sshrl.u32 s9, $0x3  }
0xd: {  	v0 =	vlaneseq.u32;
	s1 =	ssub.s32 s2, s24;
	s25 =	sshll.u32 s9, $0x4;
	s13 =	sor.u32 $0x100, s9  }
0xe: {  	v1 =	vimm.s32 $0x0;
	v2 =	vor.u32 $0x10, v0;
	s24 =	simm.s32 $0x1;
	s2 =	simm.s32 $0x6;
	s0 =	sadd.s32 s0, s4  }
0xf: {  	vm1 =	vmmov $0xf;
	v9 =	vimm.s32 $0x0;
	v3 =	vor.u32 $0x20, v0;
	[tilespmem:$0x1FFD0] =	vst v2;
	s26 =	smax.u32 s1, $0x1;
	s1 =	simm.s32 $0x4;
	[dreg:$0x7] =	wrdreg s0  }
0x10: {  	v8 =	vimm.s32 $0xF;
	v4 =	vor.u32 $0x30, v0;
	v9 =	vsel vm1, $0xFFFFFFFF, v9;
	[tilespmem:$0x1FFE0] =	vst v3;
	s4 =	simm.s32 $0x0;
	s0 =	sadd.s32 s5, s25;
	[dreg:$0x9] =	wrdreg s26  }
0x11: {  	v5 =	vor.u32 $0x40, v0;
	v6 =	vor.u32 $0x50, v0;
	v7 =	vor.u32 $0x60, v0;
	[tilespmem:$0x1FFF0] =	vst v9;
	s25 =	simm.s32 $0x4B80;
	s26 =	simm.s32 $0x8B80;
	[dreg:$0x8] =	wrdreg s0  }
.LBB2_1:
0x12: {  	[dreg:$0xa] =	wrdreg s4  }
0x13: {  	s0 =	rddreg [dreg:$0x2]  }
0x14: {  	[tilespmem:s3], [sflag:$0x7] =	stream.linear.gather [hbm4b:s0+s3], $0x80, $0x38;
	[tilespmem:$0x18B80] =	vst v63  }
0x15: {  	_ =	swait.ge [sflag:s15], $0x80  }
0x16: {  	[sflag:s15] =	ssyncset.done $0x0  }
0x17: {  	[sflag:s15] =	ssyncadd.s32 $0xFFFFFF80  }
0x18: {  	s7 =	rddreg [dreg:$0x3]  }
0x19: {  	[tilespmem:s16], [sflag:$0x7] =	stream.linear.gather [hbm4b:s7+s3], $0x80, $0x38;
	[tilespmem:$0x18B80] =	vst v63  }
0x1a: {  	_ =	swait.ge [sflag:s15], $0x80  }
0x1b: {  	[sflag:s15] =	ssyncset.done $0x0  }
0x1c: {  	s11 =	rddreg [dreg:$0x5];
	[sflag:s15] =	ssyncadd.s32 $0xFFFFFF80  }
0x1d: {  	[tilespmem:s17], [sflag:$0x7] =	stream.linear.gather [hbm4b:s11+s3], $0x80, $0x38;
	[tilespmem:$0x18B80] =	vst v63  }
0x1e: {  	_ =	swait.ge [sflag:s15], $0x80  }
0x1f: {  	[sflag:s15] =	ssyncset.done $0x0  }
0x20: {  	s14 =	simm.s32 $0x300;
	s12 =	rddreg [dreg:$0x6];
	[sflag:s15] =	ssyncadd.s32 $0xFFFFFF80  }
0x21: {  	[tilespmem:s14], [sflag:$0x7] =	stream.linear.gather [hbm4b:s12+s3], $0x80, $0x38;
	[tilespmem:$0x18B80] =	vst v63  }
0x22: {  	_ =	swait.ge [sflag:s15], $0x80  }
0x23: {  	[sflag:s15] =	ssyncset.done $0x0  }
0x24: {  	s18 =	rddreg [dreg:$0x7];
	[sflag:s15] =	ssyncadd.s32 $0xFFFFFF80  }
0x25: {  	[tilespmem:s19], [sflag:$0x7] =	stream.linear.gather [hbm4b:s18+s3], $0x800, $0x38;
	[tilespmem:$0x18B80] =	vst v63  }
0x26: {  	v9 =	vmov s3;
	_ =	swait.ge [sflag:s15], $0x800  }
0x27: {  	[sflag:s15] =	ssyncset.done $0x0  }
0x28: {  	[sflag:s15] =	ssyncadd.s32 $0xFFFFF800  }
0x29: {  	v10 =	vld [tilespmem:$0x10]  }
0x2a: {  	v11 =	vld [tilespmem:$0x0]  }
0x2b: {  	v12 =	vld.idx.msk [tilespmem:v9+s3+$0x0], $0xffff  }
0x2c: {  	v13 =	vld [tilespmem:$0x60]  }
0x2d: {  	v14 =	vld.idx.msk [tilespmem:v9+s16+$0x0], $0xffff  }
0x2e: {  	v15 =	vld [tilespmem:$0x90]  }
0x2f: {  	v16 =	vld [tilespmem:$0x80]  }
0x30: {  	vm2 =	vgt.u32 v9, v4  }
0x31: {  	vm4 =	vgt.u32 v9, v3;
	vm3 =	vgt.u32 v9, v7;
	vm5 =	vgt.u32 v9, v0  }
0x32: {  	vm6 =	vgt.u32 v9, v2;
	vm1 =	veq.f32 v11, v12;
	vm7 =	veq.f32 v10, v12  }
0x33: {  	v50 =	vld [tilespmem:$0x20];
	vm8 =	veq.f32 v13, v12;
	vm9 =	vlt.f32 v10, v12;
	vm12 =	vlt.f32 v13, v12  }
0x34: {  	v18 =	vld [tilespmem:$0xD0];
	vm13 =	veq.f32 v15, v14;
	vm14 =	vlt.f32 v11, v12;
	vm15 =	veq.f32 v16, v14  }
0x35: {  	vm0 =	vgt.f32 v15, v14;
	vm7 =	vmand vm6, vm7;
	vm8 =	vmand vm3, vm8  }
0x36: {  	v52 =	vld [tilespmem:$0xC0];
	vm10 =	vmand vm5, vm1;
	vm6 =	vmand vm6, vm13;
	vm5 =	vmand vm5, vm15  }
0x37: {  	v10 =	vld [tilespmem:$0xE0];
	vm7 =	vmor vm9, vm7;
	vm1 =	vmor vm12, vm8;
	vm8 =	vmor vm14, vm10  }
0x38: {  	v11 =	vld [tilespmem:$0xA0];
	vm12 =	vgt.f32 v16, v14;
	vm6 =	vmor vm0, vm6;
	vm14 =	veq.f32 v50, v12  }
0x39: {  	vm0 =	veq.f32 v18, v14;
	v17 =	vsel vm7, $0x1, v1;
	vm7 =	vgt.u32 v9, v6  }
0x3a: {  	v19 =	vld [tilespmem:$0x50];
	v51 =	vsel vm8, $0x1, v1;
	v20 =	vsel vm6, $0x1, v1;
	vm5 =	vmor vm12, vm5  }
0x3b: {  	vm9 =	vmand vm4, vm14;
	vm12 =	vlt.f32 v50, v12;
	v22 =	vsel vm5, $0x1, v1  }
0x3c: {  	v21 =	vld [tilespmem:$0x40];
	vm8 =	vmand vm7, vm0;
	vm5 =	vmor vm12, vm9;
	vm0 =	vgt.f32 v52, v14  }
0x3d: {  	vm12 =	veq.f32 v52, v14;
	vm13 =	veq.f32 v10, v14;
	vm15 =	veq.f32 v11, v14  }
0x3e: {  	v53 =	vld [tilespmem:$0x30];
	vm14 =	vgt.f32 v11, v14;
	v54 =	vsel vm5, $0x1, v1;
	v20 =	vadd.s32 v22, v20  }
0x3f: {  	vm3 =	vmand vm3, vm13;
	vm4 =	vmand vm4, vm15;
	vm13 =	veq.f32 v19, v12  }
0x40: {  	vm15 =	vlt.f32 v19, v12;
	vm6 =	vmand vm7, vm13;
	vm4 =	vmor vm14, vm4  }
0x41: {  	v11 =	vld [tilespmem:$0xB0];
	vm13 =	vgt.u32 v9, v5;
	vm14 =	veq.f32 v21, v12;
	v55 =	vsel vm4, $0x1, v1  }
0x42: {  	vm6 =	vmor vm15, vm6;
	vm5 =	vmand vm13, vm12;
	vm4 =	vmand vm13, vm14  }
0x43: {  	vm15 =	veq.f32 v53, v12;
	vm12 =	vgt.f32 v18, v14;
	vm13 =	vlt.f32 v21, v12  }
0x44: {  	vm7 =	vmand vm2, vm15;
	vm5 =	vmor vm0, vm5;
	vm0 =	vlt.f32 v53, v12  }
0x45: {  	vm4 =	vmor vm13, vm4;
	vm15 =	vgt.f32 v10, v14;
	v10 =	vadd.s32 v51, v17  }
0x46: {  	v60 =	vadd.s32 v55, v20;
	vm7 =	vmor vm0, vm7;
	vm11 =	veq.f32 v11, v14  }
0x47: {  	v56 =	vsel vm5, $0x1, v1;
	vm14 =	vgt.f32 v11, v14;
	vm2 =	vmand vm2, vm11  }
0x48: {  	vm5 =	vmor vm12, vm8;
	v11 =	vsel vm6, $0x1, v1;
	vm2 =	vmor vm14, vm2  }
0x49: {  	v10 =	vadd.s32 v54, v10;
	v61 =	vsel vm4, $0x1, v1;
	v58 =	vsel vm2, $0x1, v1  }
0x4a: {  	v57 =	vsel vm7, $0x1, v1;
	v59 =	vsel vm5, $0x1, v1;
	v12 =	vadd.s32 v58, v60  }
0x4b: {  	v10 =	vadd.s32 v57, v10;
	vm2 =	vmor vm15, vm3;
	v12 =	vadd.s32 v56, v12  }
0x4c: {  	v10 =	vadd.s32 v61, v10;
	v62 =	vsel vm2, $0x1, v1;
	v12 =	vadd.s32 v59, v12  }
0x4d: {  	v63 =	vsel vm1, $0x1, v1;
	v10 =	vadd.s32 v11, v10;
	v11 =	vadd.s32 v62, v12  }
0x4e: {  	v10 =	vadd.s32 v63, v10;
	(xrf0) =	vadd.scan.msk.s32 $0xffff, v11  }
0x4f: {  	s0 =	simm.s32 $0x1;
	(xrf0) =	vadd.scan.msk.s32 $0xffff, v10  }
.LBB2_2:
0x50: {  	_ =	sdelay $0x3  }
0x51: {  	v10, _, _ =	vpop (xrf0)  }
0x52: {  	v11, _, _ =	vpop (xrf0)  }
0x53: {  	v11 =	vbroadcast v11, $0xF  }
0x54: {  	v10 =	vbroadcast v10, $0xF;
	_ =	sdelay $0x4  }
0x55: {  	[tilespmem:v11+s20+$0x0] =	vst.idx.msk $0x1, v9  }
0x56: {  	[tilespmem:v10+s21+$0x0] =	vst.idx.msk $0x1, v9  }
0x57: {  	v10 =	vld.idx.msk [tilespmem:v9+s17+$0x0], $0xffff;
	_ =	sdelay $0x2  }
0x58: {  	s4 =	smov.u32 s0  }
0x59: {  	v9 =	vmov s4  }
0x5a: {  	[tilespmem:v11+s22+$0x0] =	vst.idx.msk $0x1, v10  }
0x5b: {  	v10 =	vld [tilespmem:$0x60]  }
0x5c: {  	v11 =	vld [tilespmem:$0x10]  }
0x5d: {  	v12 =	vld [tilespmem:$0x0]  }
0x5e: {  	v13 =	vld.idx.msk [tilespmem:v9+s3+$0x0], $0xffff  }
0x5f: {  	v14 =	vld.idx.msk [tilespmem:v9+s16+$0x0], $0xffff  }
0x60: {  	v16 =	vld [tilespmem:$0xE0]  }
0x61: {  	v17 =	vld [tilespmem:$0x90]  }
0x62: {  	v50 =	vimm.s32 $0x0;
	vm0 =	vgt.u32 v9, v4;
	v51 =	vld [tilespmem:$0x30]  }
0x63: {  	vm5 =	vgt.u32 v9, v3;
	vm4 =	vgt.u32 v9, v6;
	vm6 =	vgt.u32 v9, v7  }
0x64: {  	vm7 =	vgt.u32 v9, v0;
	vm3 =	vgt.u32 v9, v2;
	vm2 =	vgt.u32 v9, v5;
	v15 =	vld [tilespmem:$0xC0]  }
0x65: {  	v18 =	vld [tilespmem:$0x50];
	vm8 =	veq.f32 v12, v13;
	vm9 =	veq.f32 v11, v13;
	vm10 =	vlt.f32 v10, v13  }
0x66: {  	v19 =	vld [tilespmem:$0x80];
	vm11 =	veq.f32 v10, v13;
	vm12 =	vlt.f32 v12, v13;
	vm13 =	vlt.f32 v11, v13  }
0x67: {  	vm1 =	veq.f32 v17, v14;
	vm14 =	veq.f32 v16, v14;
	vm15 =	veq.f32 v51, v13  }
0x68: {  	vm8 =	vmand vm7, vm8;
	vm9 =	vmand vm3, vm9;
	vm11 =	vmand vm6, vm11  }
0x69: {  	v20 =	vld [tilespmem:$0xD0];
	vm6 =	vmand vm6, vm14;
	vm14 =	vgt.f32 v15, v14;
	vm9 =	vmor vm13, vm9  }
0x6a: {  	v10 =	vld [tilespmem:$0x20];
	vm10 =	vmor vm10, vm11;
	vm11 =	vmand vm3, vm1;
	vm1 =	vgt.f32 v16, v14  }
0x6b: {  	v11 =	vld [tilespmem:$0xA0];
	vm12 =	vmor vm12, vm8;
	vm8 =	vlt.f32 v18, v13;
	vm13 =	vgt.f32 v19, v14  }
0x6c: {  	v49 =	vsel vm9, $0x1, v1;
	v21 =	vsel vm10, $0x1, v1;
	vm9 =	veq.f32 v19, v14  }
0x6d: {  	vm10 =	vgt.f32 v17, v14;
	v17 =	vsel vm1, $0xFFFFFFFF, v50;
	v52 =	vsel vm12, $0x1, v1  }
0x6e: {  	v22 =	vld [tilespmem:$0xB0];
	vm12 =	veq.f32 v18, v13;
	vm9 =	vmand vm7, vm9;
	vm10 =	vmor vm10, vm11  }
0x6f: {  	v53 =	vld [tilespmem:$0x40];
	vm7 =	vgt.f32 v20, v14;
	v12 =	vadd.s32 v52, v49;
	vm3 =	veq.f32 v10, v13  }
0x70: {  	vm1 =	veq.f32 v11, v14;
	v54 =	vsel vm10, $0x1, v1;
	vm9 =	vmor vm13, vm9  }
0x71: {  	vm13 =	vlt.f32 v10, v13;
	vm10 =	vmand vm0, vm15;
	vm15 =	vgt.f32 v11, v14  }
0x72: {  	vm11 =	vmand vm5, vm3;
	vm3 =	veq.f32 v20, v14;
	v10 =	vsel vm9, $0x1, v1  }
0x73: {  	vm5 =	vmand vm5, vm1;
	vm1 =	veq.f32 v22, v14;
	vm9 =	vmand vm4, vm3  }
0x74: {  	vm3 =	vlt.f32 v53, v13;
	v10 =	vadd.s32 v10, v54;
	vm11 =	vmor vm13, vm11  }
0x75: {  	vm4 =	vmand vm4, vm12;
	vm5 =	vmor vm15, vm5;
	vm12 =	vlt.f32 v51, v13  }
0x76: {  	vm13 =	veq.f32 v15, v14;
	vm15 =	veq.f32 v53, v13;
	vm0 =	vmand vm0, vm1  }
0x77: {  	[tilespmem:$0x1FFC0] =	vst v17;
	v11 =	vsel vm11, $0x1, v1;
	v55 =	vsel vm5, $0x1, v1;
	vm4 =	vmor vm8, vm4  }
0x78: {  	v61 =	vld [tilespmem:$0x1FFC0];
	vm13 =	vmand vm2, vm13;
	vm2 =	vmand vm2, vm15;
	vm15 =	vmor vm12, vm10  }
0x79: {  	vm12 =	vgt.f32 v22, v14;
	v10 =	vadd.s32 v55, v10;
	v11 =	vadd.s32 v11, v12  }
0x7a: {  	vm14 =	vmor vm14, vm13;
	v57 =	vsel vm15, $0x1, v1;
	vm13 =	vmor vm7, vm9  }
0x7b: {  	vm0 =	vmor vm12, vm0;
	v58 =	vsel vm4, $0x1, v1;
	v56 =	vsel vm14, $0x1, v1  }
0x7c: {  	vm14 =	vmor vm3, vm2;
	v11 =	vadd.s32 v57, v11;
	v59 =	vsel vm0, $0x1, v1  }
0x7d: {  	p0 =	sne.s32 s0, $0x63;
	v60 =	vsel vm13, $0x1, v1;
	vm15 =	vnez.u8 v61;
	v10 =	vadd.s32 v59, v10  }
.Ltmp0:
0x7e: {  	vm0 =	vmor vm15, vm6;
	v62 =	vsel vm14, $0x1, v1;
	v10 =	vadd.s32 v56, v10;
	(pc) =	sbr.rel @p0 .LBB2_2-.Ltmp0, $4  }
0x7f: {  	v63 =	vsel vm0, $0x1, v1;
	v11 =	vadd.s32 v62, v11;
	v10 =	vadd.s32 v60, v10  }
0x80: {  	v11 =	vadd.s32 v58, v11;
	v10 =	vadd.s32 v63, v10  }
0x81: {  	v11 =	vadd.s32 v21, v11;
	(xrf0) =	vadd.scan.msk.s32 $0xffff, v10  }
0x82: {  	s0 =	sadd.s32 $0x1, s0;
	(xrf0) =	vadd.scan.msk.s32 $0xffff, v11  }
0x83: {  	_ =	sdelay $0x3  }
0x84: {  	v10, _, _ =	vpop (xrf0)  }
0x85: {  	v11, _, _ =	vpop (xrf0)  }
0x86: {  	v11 =	vbroadcast v11, $0xF  }
0x87: {  	v10 =	vbroadcast v10, $0xF;
	_ =	sdelay $0x4  }
0x88: {  	[tilespmem:v11+s20+$0x0] =	vst.idx.msk $0x1, v9  }
0x89: {  	[tilespmem:v10+s21+$0x0] =	vst.idx.msk $0x1, v9  }
0x8a: {  	v9 =	vld.idx.msk [tilespmem:v9+s17+$0x0], $0xffff;
	_ =	sdelay $0x4  }
0x8b: {  	v0 =	vld [tilespmem:$0x1FFF0];
	[tilespmem:v11+s22+$0x0] =	vst.idx.msk $0x1, v9  }
0x8c: {  	v9 =	vld [tilespmem:$0x300]  }
0x8d: {  	v10 =	vld [tilespmem:$0x200]  }
0x8e: {  	v11 =	vld [tilespmem:$0x210]  }
0x8f: {  	v12 =	vld [tilespmem:$0x220]  }
0x90: {  	v13 =	vld [tilespmem:$0x230]  }
0x91: {  	v14 =	vld [tilespmem:$0x240]  }
0x92: {  	v15 =	vld [tilespmem:$0x250]  }
0x93: {  	v16 =	vld [tilespmem:$0x260]  }
0x94: {  	v17 =	vld [tilespmem:$0x280]  }
0x95: {  	v18 =	vld [tilespmem:$0x290]  }
0x96: {  	v19 =	vld [tilespmem:$0x2A0]  }
0x97: {  	v20 =	vld [tilespmem:$0x2B0]  }
0x98: {  	v21 =	vld [tilespmem:$0x2C0]  }
0x99: {  	v22 =	vld [tilespmem:$0x2D0]  }
0x9a: {  	v23 =	vld [tilespmem:$0x2E0]  }
0x9b: {  	v24 =	vld [tilespmem:$0x180]  }
0x9c: {  	v25 =	vld [tilespmem:$0x190]  }
0x9d: {  	v26 =	vld [tilespmem:$0x1A0]  }
0x9e: {  	v27 =	vld [tilespmem:$0x1B0]  }
0x9f: {  	v28 =	vld [tilespmem:$0x1C0]  }
0xa0: {  	s6 =	simm.s32 $0x0;
	s0 =	rddreg [dreg:$0x8];
	s7 =	simm.s32 $0x0;
	v29 =	vld [tilespmem:$0x1D0]  }
0xa1: {  	vm1 =	vnez.u8 v0;
	v30 =	vld [tilespmem:$0x1E0];
	[tilespmem:s23], [sflag:$0x1] =	stream.linear.gather [hbm4b:s0+s6], $0x4000, $0x38  }
.LBB2_4:
0xa2: {  	s12 =	sshll.u32 s7, $0x8  }
0xa3: {  	s0 =	sor.u32 s9, s12  }
0xa4: {  	_ =	swait.ge [sflag:s24], $0x4000;
	s14 =	sshll.u32 s0, $0x4  }
0xa5: {  	p0 =	seq.s32 s7, $0x0;
	[sflag:s24] =	ssyncset.done $0x0;
	s11 =	sor.u32 $0x800, s14  }
0xa6: {  	[sflag:s24] =	ssyncadd.s32 $0xFFFFC000;
	s0 =	simm.s32 @!p0 $0x3;
	s18 =	sadd.s32 s5, s11  }
0xa7: {  	[tilespmem:s25], [sflag:$0x2] =	stream.linear.gather [hbm4b:s18+s3], $0x4000, $0x38;
	[tilespmem:$0x18B80] =	vst v63  }
0xa8: {  	_ =	swait.ge @!p0 [sflag:s0], $0x4000  }
0xa9: {  	[sflag:s0] =	ssyncset.done @!p0 $0x0  }
0xaa: {  	[sflag:s0] =	ssyncadd.s32 @!p0 $0xFFFFC000;
	s0 =	simm.s32 @!p0 $0x5  }
0xab: {  	_ =	swait.ge @!p0 [sflag:s0], $0x4000  }
0xac: {  	[sflag:s0] =	ssyncset.done @!p0 $0x0  }
0xad: {  	[sflag:s0] =	ssyncadd.s32 @!p0 $0xFFFFC000;
	s0 =	simm.s32 $0x0  }
.LBB2_5:
0xae: {  	s18 =	sshll.u32 s0, $0x7  }
0xaf: {  	v38 =	vadd.s32 s18, v10;
	_ =	sdelay $0x2  }
0xb0: {  	v39 =	vadd.s32 s18, v11;
	_ =	sdelay $0x1  }
0xb1: {  	v40 =	vadd.s32 s18, v12;
	v31 =	vld.idx.msk [tilespmem:v38+s23+$0x0], $0xffff;
	_ =	sdelay $0x2  }
0xb2: {  	v41 =	vadd.s32 s18, v13;
	v33 =	vld.idx.msk [tilespmem:v39+s23+$0x0], $0xffff;
	_ =	sdelay $0x1  }
0xb3: {  	s4 =	sadd.s32 s0, s6;
	v42 =	vadd.s32 s18, v14;
	v34 =	vld.idx.msk [tilespmem:v40+s23+$0x0], $0xffff;
	v31 =	vsub.f32 v24, v31  }
0xb4: {  	v32 =	vmov s4;
	v43 =	vadd.s32 s18, v15  }
0xb5: {  	v45 =	vadd.s32 s18, v16;
	v32 =	vand.u32 $0xFFFFFFFE, v32;
	v44 =	vmax.f32 v31, $0.0e+00  }
0xb6: {  	v32 =	vbroadcast v32, $0x0;
	v59 =	vld.idx.msk [tilespmem:v41+s23+$0x0], $0xffff;
	v31 =	vsub.f32 v25, v33;
	(xrf2) =	vadd.scan.msk.f32 $0xffff, v44;
	_ =	sdelay $0x1  }
0xb7: {  	v60 =	vsub.f32 v26, v34;
	v46 =	vmax.f32 v31, $0.0e+00;
	v31 =	vld.idx.msk [tilespmem:v42+s23+$0x0], $0xffff  }
0xb8: {  	v61 =	vld.idx.msk [tilespmem:v43+s23+$0x0], $0xffff;
	(xrf2) =	vadd.scan.msk.f32 $0xffff, v46  }
0xb9: {  	v36 =	vld.idx.msk [tilespmem:v45+s23+$0x0], $0xf;
	v48 =	vmax.f32 v60, $0.0e+00  }
0xba: {  	v62 =	vsub.f32 v27, v59;
	(xrf2) =	vadd.scan.msk.f32 $0xffff, v48  }
0xbb: {  	v47 =	vld.idx.msk [tilespmem:v32+s19+$0x0], $0xffff  }
0xbc: {  	v37 =	vadd.s32 s18, v17;
	v49 =	vmax.f32 v62, $0.0e+00;
	v31 =	vsub.f32 v28, v31  }
0xbd: {  	v35 =	vadd.s32 s18, v18;
	v34 =	vsub.f32 v29, v61;
	v33 =	vadd.s32 s18, v19;
	(xrf2) =	vadd.scan.msk.f32 $0xffff, v49  }
0xbe: {  	v32 =	vadd.s32 s18, v20;
	v55 =	vsub.f32 v30, v36;
	v51 =	vmax.f32 v31, $0.0e+00  }
0xbf: {  	v36 =	vadd.s32 s18, v23;
	v54 =	vmax.f32 v34, $0.0e+00;
	v34 =	vadd.s32 s18, v22;
	(xrf2) =	vadd.scan.msk.f32 $0xffff, v51;
	v63, _, _ =	vpop (xrf2)  }
0xc0: {  	v50 =	vmul.f32 v47, v9;
	v57 =	vperm.xlane v63, v8;
	v58 =	vadd.f32 $0.0e+00, v63  }
0xc1: {  	v52 =	vld.idx.msk [tilespmem:v37+s23+$0x0], $0xffff;
	v55 =	vmax.f32 v55, $0.0e+00;
	vm0 =	vlt.f32 v47, $0.0e+00;
	v31 =	vadd.s32 s18, v21;
	(xrf2) =	vadd.scan.msk.f32 $0xffff, v54  }
0xc2: {  	v53 =	vand.u32 $0x7FFFFFFF, v50;
	v59 =	vld.idx.msk [tilespmem:v33+s23+$0x0], $0xffff;
	v60, _, _ =	vpop (xrf2);
	v44 =	vsub.f32 v58, v44;
	v57 =	vadd.f32 $0.0e+00, v57  }
0xc3: {  	v56 =	vld.idx.msk [tilespmem:v35+s23+$0x0], $0xffff;
	v55 =	vnsel vm1, $0x0, v55;
	v53 =	vnsel vm0, $0x0, v53;
	v62 =	vperm.xlane v60, v8  }
0xc4: {  	v61 =	vld.idx.msk [tilespmem:v32+s23+$0x0], $0xffff;
	v58 =	vmin.f32 v53, v58;
	v0, _, _ =	vpop (xrf2);
	v44 =	vmin.f32 v53, v44;
	v60 =	vadd.f32 v57, v60  }
0xc5: {  	(xrf2) =	vadd.scan.msk.f32 $0xffff, v55;
	v2 =	vperm.xlane v0, v8;
	v57 =	vadd.f32 v62, v57;
	v44 =	vsub.f32 v58, v44  }
0xc6: {  	v52 =	vmax.f32 v52, $0.0e+00;
	v63 =	vld.idx.msk [tilespmem:v31+s23+$0x0], $0xffff;
	v46 =	vsub.f32 v60, v46  }
0xc7: {  	v3, _, _ =	vpop (xrf2);
	v62 =	vld.idx.msk [tilespmem:v34+s23+$0x0], $0xffff;
	v58 =	vmax.f32 v59, $0.0e+00;
	v0 =	vadd.f32 v57, v0;
	v2 =	vadd.f32 v2, v57  }
0xc8: {  	v59 =	vld.idx.msk [tilespmem:v36+s23+$0x0], $0xf;
	v57 =	vmin.f32 v53, v60;
	[tilespmem:v38+s26+$0x0] =	vst.idx.msk $0xffff, v44;
	v38 =	vperm.xlane v3, v8  }
0xc9: {  	v56 =	vmax.f32 v56, $0.0e+00;
	v46 =	vmin.f32 v53, v46;
	v48 =	vsub.f32 v0, v48;
	v44, _, _ =	vpop (xrf2)  }
0xca: {  	(xrf2) =	vadd.scan.msk.f32 $0xffff, v52;
	v0 =	vmin.f32 v53, v0;
	v38 =	vadd.f32 v38, v2;
	v60 =	vperm.xlane v44, v8  }
0xcb: {  	v46 =	vsub.f32 v57, v46;
	v2 =	vadd.f32 v2, v3;
	v57, _, _ =	vpop (xrf2);
	v48 =	vmin.f32 v53, v48  }
0xcc: {  	(xrf2) =	vadd.scan.msk.f32 $0xffff, v56;
	v3 =	vperm.xlane v57, v8;
	v0 =	vsub.f32 v0, v48;
	v48 =	vadd.f32 v60, v38  }
0xcd: {  	v61 =	vmax.f32 v61, $0.0e+00;
	(xrf2) =	vadd.scan.msk.f32 $0xffff, v58;
	v49 =	vsub.f32 v2, v49;
	[tilespmem:v39+s26+$0x0] =	vst.idx.msk $0xffff, v46  }
0xce: {  	v60 =	vmax.f32 v63, $0.0e+00;
	v38 =	vadd.f32 v38, v44;
	(xrf2) =	vadd.scan.msk.f32 $0xffff, v61;
	v3 =	vadd.f32 v3, v48  }
0xcf: {  	v44 =	vmax.f32 v62, $0.0e+00;
	[tilespmem:v40+s26+$0x0] =	vst.idx.msk $0xffff, v0;
	v0 =	vmin.f32 v53, v2;
	v39 =	vadd.f32 v48, v57;
	v57, _, _ =	vpop (xrf2)  }
0xd0: {  	v62 =	vmin.f32 v53, v49;
	v2 =	vsub.f32 v38, v51;
	v3 =	vadd.f32 v3, v57  }
0xd1: {  	v0 =	vsub.f32 v0, v62;
	v38 =	vmin.f32 v53, v38;
	v63 =	vsub.f32 v39, v54  }
0xd2: {  	(xrf2) =	vadd.scan.msk.f32 $0xffff, v60;
	v2 =	vmin.f32 v53, v2;
	v39 =	vmin.f32 v53, v39;
	v46 =	vsub.f32 v3, v55  }
0xd3: {  	(xrf2) =	vadd.scan.msk.f32 $0xffff, v44;
	[tilespmem:v41+s26+$0x0] =	vst.idx.msk $0xffff, v0;
	v0 =	vsub.f32 v38, v2;
	v48 =	vmin.f32 v53, v63  }
0xd4: {  	v49, _, _ =	vpop (xrf2);
	v3 =	vmin.f32 v53, v3;
	v2 =	vsub.f32 v39, v48;
	v51 =	vmin.f32 v53, v46  }
0xd5: {  	v38 =	vadd.f32 $0.0e+00, v49;
	[tilespmem:v42+s26+$0x0] =	vst.idx.msk $0xffff, v0;
	v0 =	vsub.f32 v3, v51  }
0xd6: {  	v54 =	vmax.f32 v59, $0.0e+00;
	v53 =	vperm.xlane v49, v8  }
0xd7: {  	vm0 =	vgt.f32 v47, $0.0e+00;
	v39 =	vnsel vm1, $0x0, v54;
	v57 =	vsub.f32 v38, v52;
	v3, _, _ =	vpop (xrf2)  }
0xd8: {  	v42 =	vnsel vm0, $0x0, v50;
	[tilespmem:v43+s26+$0x0] =	vst.idx.msk $0xffff, v2;
	v55 =	vperm.xlane v3, v8;
	v40 =	vadd.f32 $0.0e+00, v53;
	v2, _, _ =	vpop (xrf2)  }
0xd9: {  	v38 =	vmin.f32 v42, v38;
	v43 =	vmin.f32 v42, v57;
	[tilespmem:v45+s26+$0x0] =	vst.idx.msk $0xf, v0;
	v0, _, _ =	vpop (xrf2);
	(xrf2) =	vadd.scan.msk.f32 $0xffff, v39  }
0xda: {  	v38 =	vsub.f32 v38, v43;
	v59 =	vperm.xlane v2, v8;
	v41 =	vadd.f32 v55, v40  }
0xdb: {  	v3 =	vadd.f32 v40, v3  }
0xdc: {  	[tilespmem:v37+s28+$0x0] =	vst.idx.msk $0xffff, v38;
	v62 =	vperm.xlane v0, v8;
	v63, _, _ =	vpop (xrf2);
	v53 =	vadd.f32 v59, v41  }
0xdd: {  	v55 =	vsub.f32 v3, v56;
	v2 =	vadd.f32 v41, v2;
	v3 =	vmin.f32 v42, v3;
	v40, _, _ =	vpop (xrf2)  }
0xde: {  	v52 =	vperm.xlane v63, v8;
	v54 =	vperm.xlane v40, v8;
	v56 =	vadd.f32 v62, v53  }
0xdf: {  	v57 =	vmin.f32 v42, v55;
	v41 =	vsub.f32 v2, v58;
	v0 =	vadd.f32 v53, v0  }
0xe0: {  	v2 =	vmin.f32 v42, v2;
	v3 =	vsub.f32 v3, v57;
	v59 =	vadd.f32 v52, v56  }
0xe1: {  	v41 =	vmin.f32 v42, v41;
	v43 =	vsub.f32 v0, v61;
	v37 =	vadd.f32 v56, v63  }
0xe2: {  	v0 =	vmin.f32 v42, v0;
	v2 =	vsub.f32 v2, v41;
	v61 =	vadd.f32 v54, v59  }
0xe3: {  	[tilespmem:v35+s28+$0x0] =	vst.idx.msk $0xffff, v3;
	v63 =	vsub.f32 v37, v60;
	v38 =	vadd.f32 v59, v40;
	v62, _, _ =	vpop (xrf2)  }
0xe4: {  	v43 =	vmin.f32 v42, v43;
	v45 =	vmin.f32 v42, v37;
	v3 =	vadd.f32 v61, v62  }
0xe5: {  	v0 =	vsub.f32 v0, v43;
	v46 =	vmin.f32 v42, v63;
	v40 =	vsub.f32 v38, v44  }
0xe6: {  	s18 =	sadd.s32 $0x80, s18;
	[tilespmem:v33+s28+$0x0] =	vst.idx.msk $0xffff, v2;
	v2 =	vsub.f32 v45, v46;
	v47 =	vsub.f32 v3, v39  }
0xe7: {  	[tilespmem:v32+s28+$0x0] =	vst.idx.msk $0xffff, v0;
	v0 =	vmin.f32 v42, v38;
	v38 =	vadd.s32 s18, v10;
	v48 =	vmin.f32 v42, v40  }
0xe8: {  	v0 =	vsub.f32 v0, v48;
	v3 =	vmin.f32 v42, v3;
	v49 =	vmin.f32 v42, v47  }
0xe9: {  	[tilespmem:v31+s28+$0x0] =	vst.idx.msk $0xffff, v2;
	v2 =	vsub.f32 v3, v49;
	v3 =	vadd.s32 s18, v11  }
0xea: {  	[tilespmem:v34+s28+$0x0] =	vst.idx.msk $0xffff, v0  }
0xeb: {  	[tilespmem:v36+s28+$0x0] =	vst.idx.msk $0xf, v2  }
0xec: {  	v2 =	vadd.s32 s18, v12;
	v0 =	vld.idx.msk [tilespmem:v38+s23+$0x0], $0xffff;
	_ =	sdelay $0x1  }
0xed: {  	v39 =	vadd.s32 s18, v13;
	v50 =	vld.idx.msk [tilespmem:v3+s23+$0x0], $0xffff  }
0xee: {  	v40 =	vadd.s32 s18, v14  }
0xef: {  	s4 =	sadd.s32 $0x1, s4  }
0xf0: {  	v51 =	vmov s4;
	v34 =	vld.idx.msk [tilespmem:v2+s23+$0x0], $0xffff;
	v0 =	vsub.f32 v24, v0  }
0xf1: {  	v31 =	vadd.s32 s18, v17  }
0xf2: {  	v41 =	vadd.s32 s18, v15;
	v52 =	vld.idx.msk [tilespmem:v39+s23+$0x0], $0xffff;
	v0 =	vmax.f32 v0, $0.0e+00;
	v53 =	vsub.f32 v25, v50  }
0xf3: {  	v32 =	vadd.s32 s18, v18;
	v54 =	vld.idx.msk [tilespmem:v40+s23+$0x0], $0xffff;
	(xrf2) =	vadd.scan.msk.f32 $0xffff, v0  }
0xf4: {  	v44 =	vadd.s32 s18, v16;
	v42 =	vmax.f32 v53, $0.0e+00  }
0xf5: {  	v43 =	vld.idx.msk [tilespmem:v51+s19+$0x0], $0xffff;
	v55 =	vsub.f32 v26, v34;
	(xrf2) =	vadd.scan.msk.f32 $0xffff, v42  }
0xf6: {  	v57 =	vld.idx.msk [tilespmem:v31+s23+$0x0], $0xffff  }
0xf7: {  	v59 =	vld.idx.msk [tilespmem:v41+s23+$0x0], $0xffff;
	v56 =	vsub.f32 v27, v52;
	v45 =	vmax.f32 v55, $0.0e+00  }
0xf8: {  	v60 =	vld.idx.msk [tilespmem:v32+s23+$0x0], $0xffff;
	v58 =	vsub.f32 v28, v54;
	(xrf2) =	vadd.scan.msk.f32 $0xffff, v45  }
0xf9: {  	v61 =	vld.idx.msk [tilespmem:v44+s23+$0x0], $0xf;
	v46 =	vmax.f32 v56, $0.0e+00  }
0xfa: {  	v47 =	vmax.f32 v58, $0.0e+00;
	(xrf2) =	vadd.scan.msk.f32 $0xffff, v46  }
0xfb: {  	v35 =	vadd.s32 s18, v21;
	(xrf2) =	vadd.scan.msk.f32 $0xffff, v47  }
0xfc: {  	v37 =	vadd.s32 s18, v19;
	v33 =	vadd.s32 s18, v23;
	v48 =	vmul.f32 v43, v9  }
0xfd: {  	vm0 =	vlt.f32 v43, $0.0e+00;
	v51 =	vmax.f32 v57, $0.0e+00;
	v34 =	vsub.f32 v29, v59;
	v63, _, _ =	vpop (xrf2)  }
0xfe: {  	v52 =	vmax.f32 v60, $0.0e+00;
	v61 =	vsub.f32 v30, v61;
	v60 =	vperm.xlane v63, v8  }
0xff: {  	v62 =	vand.u32 $0x7FFFFFFF, v48;
	v53 =	vmax.f32 v34, $0.0e+00;
	v50 =	vadd.f32 $0.0e+00, v63;
	v54, _, _ =	vpop (xrf2)  }
0x100: {  	v49 =	vnsel vm0, $0x0, v62;
	(xrf2) =	vadd.scan.msk.f32 $0xffff, v53;
	v62 =	vperm.xlane v54, v8;
	v57 =	vadd.f32 $0.0e+00, v60  }
0x101: {  	v36 =	vadd.s32 s18, v20;
	v55 =	vmax.f32 v61, $0.0e+00;
	v0 =	vsub.f32 v50, v0  }
0x102: {  	v55 =	vnsel vm1, $0x0, v55;
	v50 =	vmin.f32 v49, v50;
	v58, _, _ =	vpop (xrf2);
	v56 =	vadd.f32 v62, v57  }
0x103: {  	v60 =	vperm.xlane v58, v8;
	v54 =	vadd.f32 v57, v54;
	v0 =	vmin.f32 v49, v0  }
0x104: {  	v34 =	vadd.s32 s18, v22;
	(xrf2) =	vadd.scan.msk.f32 $0xffff, v55;
	v59, _, _ =	vpop (xrf2);
	v57 =	vld.idx.msk [tilespmem:v37+s23+$0x0], $0xffff;
	v0 =	vsub.f32 v50, v0;
	v58 =	vadd.f32 v56, v58  }
0x105: {  	(xrf2) =	vadd.scan.msk.f32 $0xffff, v51;
	v61, _, _ =	vpop (xrf2);
	v62 =	vperm.xlane v59, v8;
	v56 =	vadd.f32 v60, v56;
	v42 =	vsub.f32 v54, v42  }
0x106: {  	v63 =	vld.idx.msk [tilespmem:v36+s23+$0x0], $0xffff;
	v60 =	vperm.xlane v61, v8;
	v50 =	vmin.f32 v49, v54;
	v45 =	vsub.f32 v58, v45  }
0x107: {  	v42 =	vmin.f32 v49, v42;
	v54 =	vmin.f32 v49, v58;
	v58 =	vadd.f32 v62, v56;
	v62 =	vld.idx.msk [tilespmem:v35+s23+$0x0], $0xffff  }
0x108: {  	v56 =	vadd.f32 v56, v59;
	v42 =	vsub.f32 v50, v42  }
0x109: {  	(xrf2) =	vadd.scan.msk.f32 $0xffff, v52;
	v50 =	vmax.f32 v57, $0.0e+00;
	v45 =	vmin.f32 v49, v45;
	v59 =	vadd.f32 v60, v58;
	v60 =	vld.idx.msk [tilespmem:v33+s23+$0x0], $0xf  }
0x10a: {  	v58 =	vadd.f32 v58, v61;
	(xrf2) =	vadd.scan.msk.f32 $0xffff, v50;
	v45 =	vsub.f32 v54, v45;
	v54 =	vld.idx.msk [tilespmem:v34+s23+$0x0], $0xffff;
	v57, _, _ =	vpop (xrf2)  }
0x10b: {  	[tilespmem:v38+s26+$0x0] =	vst.idx.msk $0xffff, v0;
	v0 =	vmax.f32 v63, $0.0e+00;
	v63 =	vsub.f32 v56, v46;
	v61 =	vperm.xlane v57, v8  }
0x10c: {  	v46 =	vadd.f32 v59, v57;
	v47 =	vsub.f32 v58, v47;
	[tilespmem:v3+s26+$0x0] =	vst.idx.msk $0xffff, v42;
	v3 =	vmax.f32 v62, $0.0e+00  }
0x10d: {  	(xrf2) =	vadd.scan.msk.f32 $0xffff, v0;
	v62 =	vmin.f32 v49, v56;
	v38 =	vmin.f32 v49, v63;
	v63 =	vmin.f32 v49, v58  }
0x10e: {  	vm0 =	vgt.f32 v43, $0.0e+00;
	v57, _, _ =	vpop (xrf2);
	[tilespmem:v2+s26+$0x0] =	vst.idx.msk $0xffff, v45;
	v61 =	vadd.f32 v61, v59;
	v47 =	vmin.f32 v49, v47  }
0x10f: {  	v53 =	vsub.f32 v46, v53;
	v2 =	vsub.f32 v62, v38;
	v46 =	vmin.f32 v49, v46;
	v59, _, _ =	vpop (xrf2)  }
0x110: {  	(xrf2) =	vadd.scan.msk.f32 $0xffff, v3;
	v56 =	vsub.f32 v63, v47;
	v62 =	vperm.xlane v59, v8;
	v43 =	vadd.f32 $0.0e+00, v59  }
0x111: {  	v45 =	vmax.f32 v54, $0.0e+00;
	v58 =	vmin.f32 v49, v53;
	v42 =	vadd.f32 v61, v57  }
0x112: {  	[tilespmem:v39+s26+$0x0] =	vst.idx.msk $0xffff, v2;
	v2 =	vnsel vm0, $0x0, v48;
	(xrf2) =	vadd.scan.msk.f32 $0xffff, v45;
	v61 =	vsub.f32 v46, v58  }
0x113: {  	v63, _, _ =	vpop (xrf2);
	v53 =	vmax.f32 v60, $0.0e+00;
	[tilespmem:v40+s26+$0x0] =	vst.idx.msk $0xffff, v56;
	v56 =	vadd.f32 $0.0e+00, v62;
	v59 =	vsub.f32 v43, v51  }
0x114: {  	v43 =	vmin.f32 v2, v43;
	v54 =	vsub.f32 v42, v55;
	v55 =	vperm.xlane v63, v8  }
0x115: {  	v39 =	vnsel vm1, $0x0, v53;
	v42 =	vmin.f32 v49, v42;
	[tilespmem:v41+s26+$0x0] =	vst.idx.msk $0xffff, v61;
	v38 =	vadd.f32 v56, v63  }
0x116: {  	v48 =	vmin.f32 v2, v59;
	v57 =	vmin.f32 v49, v54;
	v58, _, _ =	vpop (xrf2);
	(xrf2) =	vadd.scan.msk.f32 $0xffff, v39;
	v40 =	vadd.f32 v55, v56  }
0x117: {  	v42 =	vsub.f32 v42, v57;
	v60 =	vperm.xlane v58, v8;
	v53 =	vsub.f32 v38, v52;
	v61, _, _ =	vpop (xrf2)  }
0x118: {  	v43 =	vsub.f32 v43, v48;
	v38 =	vmin.f32 v2, v38;
	v62 =	vperm.xlane v61, v8  }
0x119: {  	v46 =	vadd.f32 v60, v40;
	[tilespmem:v44+s26+$0x0] =	vst.idx.msk $0xf, v42;
	v44 =	vmin.f32 v2, v53  }
0x11a: {  	v40 =	vadd.f32 v40, v58;
	v63, _, _ =	vpop (xrf2);
	v38 =	vsub.f32 v38, v44  }
0x11b: {  	v54 =	vperm.xlane v63, v8;
	v41 =	vadd.f32 v46, v61;
	v46 =	vadd.f32 v62, v46  }
0x11c: {  	[tilespmem:v31+s28+$0x0] =	vst.idx.msk $0xffff, v43;
	v56 =	vsub.f32 v40, v50;
	v40 =	vmin.f32 v2, v40;
	v55, _, _ =	vpop (xrf2)  }
0x11d: {  	v0 =	vsub.f32 v41, v0;
	v47 =	vadd.f32 v54, v46;
	v57 =	vperm.xlane v55, v8  }
0x11e: {  	v49 =	vmin.f32 v2, v56;
	v58 =	vadd.f32 v46, v63;
	v41 =	vmin.f32 v2, v41  }
0x11f: {  	v31 =	vsub.f32 v40, v49;
	v0 =	vmin.f32 v2, v0;
	v59 =	vadd.f32 v57, v47  }
0x120: {  	[tilespmem:v32+s28+$0x0] =	vst.idx.msk $0xffff, v38;
	v60 =	vadd.f32 v47, v55;
	v0 =	vsub.f32 v41, v0;
	v61, _, _ =	vpop (xrf2)  }
0x121: {  	v3 =	vsub.f32 v58, v3;
	[tilespmem:v37+s28+$0x0] =	vst.idx.msk $0xffff, v31;
	v31 =	vadd.f32 v59, v61  }
0x122: {  	[tilespmem:v36+s28+$0x0] =	vst.idx.msk $0xffff, v0;
	v0 =	vsub.f32 v60, v45  }
0x123: {  	p0 =	sne.s32 s0, $0x7E;
	v62 =	vmin.f32 v2, v58;
	v3 =	vmin.f32 v2, v3;
	v63 =	vsub.f32 v31, v39  }
.Ltmp1:
0x124: {  	v32 =	vmin.f32 v2, v60;
	v3 =	vsub.f32 v62, v3;
	v0 =	vmin.f32 v2, v0;
	(pc) =	sbr.rel @p0 .LBB2_5-.Ltmp1, $4  }
0x125: {  	v31 =	vmin.f32 v2, v31;
	v0 =	vsub.f32 v32, v0;
	v2 =	vmin.f32 v2, v63  }
0x126: {  	[tilespmem:v35+s28+$0x0] =	vst.idx.msk $0xffff, v3;
	v2 =	vsub.f32 v31, v2  }
0x127: {  	[tilespmem:v34+s28+$0x0] =	vst.idx.msk $0xffff, v0  }
0x128: {  	s0 =	sadd.s32 $0x2, s0;
	[tilespmem:v33+s28+$0x0] =	vst.idx.msk $0xf, v2  }
0x129: {  	s0 =	sadd.s32 s8, s14  }
0x12a: {  	[hbm4b:s0+s3] =	stream.linear.scatter [tilespmem:s26], [sflag:$0x3], $0x4000, $0x38;
	[tilespmem:$0x18B80] =	vst v63  }
0x12b: {  	s18 =	sadd.s32 s10, s14;
	p0 =	seq.s32 s7, $0x7  }
0x12c: {  	[hbm4b:s18+s3] =	stream.linear.scatter [tilespmem:s28], [sflag:$0x5], $0x4000, $0x38;
	[tilespmem:$0x18B80] =	vst v63  }
0x12d: {  	s0 =	sadd.s32 @!p0 s12, s13;
	p1 =	seq.s32 @!p0 s7, $0x0;
	_ =	swait.ge [sflag:s29], $0x4000  }
0x12e: {  	s4 =	simm.s32 @!p0 $0x0;
	s0 =	sshll.u32 @!p0 s0, $0x4;
	[sflag:s29] =	ssyncset.done $0x0  }
0x12f: {  	s12 =	simm.s32 @!p0 $0xB80;
	s0 =	sadd.s32 @!p0 s5, s0;
	[sflag:s29] =	ssyncadd.s32 $0xFFFFC000  }
0x130: {  	[tilespmem:s12], [sflag:$0x1] =	stream.linear.gather @!p0 [hbm4b:s0+s4], $0x4000, $0x38;
	[tilespmem:$0x18B80] =	vst v63  }
0x131: {  	p0 =	por p0, !p1  }
0x132: {  	_ =	swait.ge @p0 [sflag:s1], $0x4000  }
0x133: {  	[sflag:s1] =	ssyncset.done @p0 $0x0  }
0x134: {  	[sflag:s1] =	ssyncadd.s32 @p0 $0xFFFFC000  }
0x135: {  	_ =	swait.ge @p0 [sflag:s2], $0x4000  }
0x136: {  	[sflag:s2] =	ssyncset.done @p0 $0x0  }
0x137: {  	s12 =	simm.s32 $0x0;
	[sflag:s2] =	ssyncadd.s32 @p0 $0xFFFFC000  }
.LBB2_7:
0x138: {  	s4 =	sshll.u32 s12, $0x7  }
0x139: {  	v0 =	vadd.s32 s4, v10;
	_ =	sdelay $0x1  }
0x13a: {  	v2 =	vadd.s32 s4, v11;
	_ =	sdelay $0x2  }
0x13b: {  	s0 =	sadd.s32 s12, s6;
	v38 =	vadd.s32 s4, v12;
	v3 =	vld.idx.msk [tilespmem:v0+s25+$0x0], $0xffff  }
0x13c: {  	s14 =	sadd.s32 $0x80, s0;
	v39 =	vadd.s32 s4, v13  }
0x13d: {  	v40 =	vadd.s32 s4, v14;
	v31 =	vmov s14;
	v32 =	vld.idx.msk [tilespmem:v2+s25+$0x0], $0xffff  }
0x13e: {  	v41 =	vadd.s32 s4, v15;
	v31 =	vand.u32 $0xFFFFFFFE, v31  }
0x13f: {  	v42 =	vadd.s32 s4, v16;
	v31 =	vbroadcast v31, $0x0  }
0x140: {  	v33 =	vld.idx.msk [tilespmem:v38+s25+$0x0], $0xffff;
	v3 =	vsub.f32 v24, v3  }
0x141: {  	v37 =	vadd.s32 s4, v17;
	v34 =	vld.idx.msk [tilespmem:v39+s25+$0x0], $0xffff  }
0x142: {  	v58 =	vld.idx.msk [tilespmem:v40+s25+$0x0], $0xffff;
	v32 =	vsub.f32 v25, v32;
	v3 =	vmax.f32 v3, $0.0e+00  }
0x143: {  	v36 =	vld.idx.msk [tilespmem:v41+s25+$0x0], $0xffff;
	(xrf2) =	vadd.scan.msk.f32 $0xffff, v3  }
0x144: {  	v59 =	vld.idx.msk [tilespmem:v42+s25+$0x0], $0xf;
	v43 =	vmax.f32 v32, $0.0e+00  }
0x145: {  	v44 =	vld.idx.msk [tilespmem:v31+s19+$0x0], $0xffff;
	v31 =	vsub.f32 v26, v33;
	(xrf2) =	vadd.scan.msk.f32 $0xffff, v43  }
0x146: {  	v49 =	vld.idx.msk [tilespmem:v37+s25+$0x0], $0xffff  }
0x147: {  	v35 =	vadd.s32 s4, v18;
	v45 =	vmax.f32 v31, $0.0e+00;
	v31 =	vsub.f32 v27, v34  }
0x148: {  	(xrf2) =	vadd.scan.msk.f32 $0xffff, v45  }
0x149: {  	v33 =	vadd.s32 s4, v19;
	v46 =	vmax.f32 v31, $0.0e+00;
	v31 =	vsub.f32 v28, v58  }
0x14a: {  	v36 =	vsub.f32 v29, v36;
	(xrf2) =	vadd.scan.msk.f32 $0xffff, v46  }
0x14b: {  	v52 =	vsub.f32 v30, v59;
	v49 =	vmax.f32 v49, $0.0e+00;
	v48 =	vmax.f32 v31, $0.0e+00  }
0x14c: {  	v53 =	vld.idx.msk [tilespmem:v35+s25+$0x0], $0xffff;
	v32 =	vadd.s32 s4, v20;
	v51 =	vmax.f32 v36, $0.0e+00;
	v47 =	vmul.f32 v44, v9;
	(xrf2) =	vadd.scan.msk.f32 $0xffff, v48  }
0x14d: {  	v34 =	vadd.s32 s4, v22;
	vm0 =	vlt.f32 v44, $0.0e+00;
	v31 =	vadd.s32 s4, v21;
	v60, _, _ =	vpop (xrf2)  }
0x14e: {  	v56 =	vld.idx.msk [tilespmem:v33+s25+$0x0], $0xffff;
	v50 =	vand.u32 $0x7FFFFFFF, v47;
	(xrf2) =	vadd.scan.msk.f32 $0xffff, v51;
	v54 =	vperm.xlane v60, v8;
	v55 =	vadd.f32 $0.0e+00, v60  }
0x14f: {  	v36 =	vadd.s32 s4, v23;
	v52 =	vmax.f32 v52, $0.0e+00;
	v50 =	vnsel vm0, $0x0, v50;
	v57, _, _ =	vpop (xrf2)  }
0x150: {  	v59 =	vperm.xlane v57, v8;
	v3 =	vsub.f32 v55, v3;
	v54 =	vadd.f32 $0.0e+00, v54  }
0x151: {  	v53 =	vmax.f32 v53, $0.0e+00;
	v52 =	vnsel vm1, $0x0, v52;
	v58 =	vld.idx.msk [tilespmem:v32+s25+$0x0], $0xffff;
	v55 =	vmin.f32 v50, v55  }
0x152: {  	(xrf2) =	vadd.scan.msk.f32 $0xffff, v52;
	v61, _, _ =	vpop (xrf2);
	v3 =	vmin.f32 v50, v3;
	v57 =	vadd.f32 v54, v57;
	v54 =	vadd.f32 v59, v54  }
0x153: {  	v60 =	vld.idx.msk [tilespmem:v31+s25+$0x0], $0xffff;
	v62 =	vperm.xlane v61, v8;
	v3 =	vsub.f32 v55, v3;
	v55 =	vmax.f32 v56, $0.0e+00  }
0x154: {  	v63, _, _ =	vpop (xrf2);
	v59 =	vld.idx.msk [tilespmem:v34+s25+$0x0], $0xffff;
	v43 =	vsub.f32 v57, v43;
	v61 =	vadd.f32 v54, v61;
	v57 =	vmin.f32 v50, v57  }
0x155: {  	v56 =	vld.idx.msk [tilespmem:v36+s25+$0x0], $0xf;
	[tilespmem:v0+s30+$0x0] =	vst.idx.msk $0xffff, v3;
	v0 =	vperm.xlane v63, v8;
	v3 =	vadd.f32 v62, v54  }
0x156: {  	v58 =	vmax.f32 v58, $0.0e+00;
	v54, _, _ =	vpop (xrf2);
	v43 =	vmin.f32 v50, v43;
	v45 =	vsub.f32 v61, v45  }
0x157: {  	v61 =	vmin.f32 v50, v61;
	v62 =	vperm.xlane v54, v8;
	v0 =	vadd.f32 v0, v3  }
0x158: {  	(xrf2) =	vadd.scan.msk.f32 $0xffff, v49;
	v43 =	vsub.f32 v57, v43;
	v57, _, _ =	vpop (xrf2);
	v3 =	vadd.f32 v3, v63;
	v45 =	vmin.f32 v50, v45  }
0x159: {  	v63 =	vperm.xlane v57, v8;
	v45 =	vsub.f32 v61, v45;
	v61 =	vadd.f32 v62, v0  }
0x15a: {  	v60 =	vmax.f32 v60, $0.0e+00;
	(xrf2) =	vadd.scan.msk.f32 $0xffff, v53;
	v46 =	vsub.f32 v3, v46;
	v0 =	vadd.f32 v0, v54  }
0x15b: {  	(xrf2) =	vadd.scan.msk.f32 $0xffff, v55;
	[tilespmem:v2+s30+$0x0] =	vst.idx.msk $0xffff, v43;
	v2 =	vadd.f32 v61, v57;
	v61 =	vadd.f32 v63, v61  }
0x15c: {  	(xrf2) =	vadd.scan.msk.f32 $0xffff, v58;
	v54 =	vmax.f32 v59, $0.0e+00;
	v3 =	vmin.f32 v50, v3;
	v62, _, _ =	vpop (xrf2);
	[tilespmem:v38+s30+$0x0] =	vst.idx.msk $0xffff, v45  }
0x15d: {  	v63 =	vsub.f32 v0, v48;
	v48 =	vmin.f32 v50, v46;
	v43 =	vadd.f32 v61, v62  }
0x15e: {  	v0 =	vmin.f32 v50, v0;
	v3 =	vsub.f32 v3, v48;
	v51 =	vsub.f32 v2, v51  }
0x15f: {  	(xrf2) =	vadd.scan.msk.f32 $0xffff, v60;
	v38 =	vmin.f32 v50, v63;
	v2 =	vmin.f32 v50, v2;
	v59 =	vsub.f32 v43, v52  }
0x160: {  	(xrf2) =	vadd.scan.msk.f32 $0xffff, v54;
	[tilespmem:v39+s30+$0x0] =	vst.idx.msk $0xffff, v3;
	v0 =	vsub.f32 v0, v38;
	v57 =	vmin.f32 v50, v51  }
0x161: {  	v61 =	vmin.f32 v50, v43;
	v2 =	vsub.f32 v2, v57;
	v62 =	vmin.f32 v50, v59  }
0x162: {  	vm0 =	vgt.f32 v44, $0.0e+00;
	v3, _, _ =	vpop (xrf2);
	[tilespmem:v40+s30+$0x0] =	vst.idx.msk $0xffff, v0;
	v0 =	vsub.f32 v61, v62  }
0x163: {  	v48 =	vmax.f32 v56, $0.0e+00;
	v63 =	vperm.xlane v3, v8;
	v3 =	vadd.f32 $0.0e+00, v3  }
0x164: {  	v39 =	vnsel vm1, $0x0, v48;
	v43 =	vnsel vm0, $0x0, v47;
	v50, _, _ =	vpop (xrf2)  }
0x165: {  	[tilespmem:v41+s30+$0x0] =	vst.idx.msk $0xffff, v2;
	v51 =	vperm.xlane v50, v8;
	v52 =	vadd.f32 $0.0e+00, v63;
	v56 =	vsub.f32 v3, v49;
	v2, _, _ =	vpop (xrf2)  }
0x166: {  	v3 =	vmin.f32 v43, v3;
	[tilespmem:v42+s30+$0x0] =	vst.idx.msk $0xf, v0;
	v57 =	vperm.xlane v2, v8;
	v0, _, _ =	vpop (xrf2);
	(xrf2) =	vadd.scan.msk.f32 $0xffff, v39  }
0x167: {  	v40 =	vadd.f32 v51, v52;
	v42 =	vmin.f32 v43, v56;
	v38 =	vadd.f32 v52, v50  }
0x168: {  	v3 =	vsub.f32 v3, v42  }
0x169: {  	v59 =	vperm.xlane v0, v8;
	v61, _, _ =	vpop (xrf2);
	v63 =	vadd.f32 v57, v40;
	v53 =	vsub.f32 v38, v53  }
0x16a: {  	v2 =	vadd.f32 v40, v2;
	v41, _, _ =	vpop (xrf2);
	v62 =	vperm.xlane v61, v8;
	[tilespmem:v37+s31+$0x0] =	vst.idx.msk $0xffff, v3  }
0x16b: {  	v3 =	vmin.f32 v43, v38;
	v52 =	vperm.xlane v41, v8;
	v56 =	vadd.f32 v59, v63  }
0x16c: {  	v57 =	vmin.f32 v43, v53;
	v40 =	vsub.f32 v2, v55;
	v0 =	vadd.f32 v63, v0  }
0x16d: {  	v2 =	vmin.f32 v43, v2;
	v3 =	vsub.f32 v3, v57;
	v59 =	vadd.f32 v62, v56  }
0x16e: {  	v40 =	vmin.f32 v43, v40;
	v42 =	vsub.f32 v0, v58;
	v37 =	vadd.f32 v56, v61  }
0x16f: {  	v0 =	vmin.f32 v43, v0;
	v2 =	vsub.f32 v2, v40;
	v61 =	vadd.f32 v52, v59  }
0x170: {  	[tilespmem:v35+s31+$0x0] =	vst.idx.msk $0xffff, v3;
	v63 =	vsub.f32 v37, v60;
	v38 =	vadd.f32 v59, v41;
	v62, _, _ =	vpop (xrf2)  }
0x171: {  	v42 =	vmin.f32 v43, v42;
	v44 =	vmin.f32 v43, v37;
	v3 =	vadd.f32 v61, v62  }
0x172: {  	v0 =	vsub.f32 v0, v42;
	v45 =	vmin.f32 v43, v63;
	v46 =	vsub.f32 v38, v54  }
0x173: {  	s4 =	sadd.s32 $0x80, s4;
	[tilespmem:v33+s31+$0x0] =	vst.idx.msk $0xffff, v2;
	v2 =	vsub.f32 v44, v45;
	v47 =	vsub.f32 v3, v39  }
0x174: {  	[tilespmem:v32+s31+$0x0] =	vst.idx.msk $0xffff, v0;
	v0 =	vmin.f32 v43, v38;
	v38 =	vadd.s32 s4, v10;
	v48 =	vmin.f32 v43, v46  }
0x175: {  	v0 =	vsub.f32 v0, v48;
	v3 =	vmin.f32 v43, v3;
	v49 =	vmin.f32 v43, v47  }
0x176: {  	[tilespmem:v31+s31+$0x0] =	vst.idx.msk $0xffff, v2;
	v2 =	vsub.f32 v3, v49;
	v3 =	vadd.s32 s4, v11  }
0x177: {  	[tilespmem:v34+s31+$0x0] =	vst.idx.msk $0xffff, v0  }
0x178: {  	[tilespmem:v36+s31+$0x0] =	vst.idx.msk $0xf, v2  }
0x179: {  	v2 =	vadd.s32 s4, v12;
	v0 =	vld.idx.msk [tilespmem:v38+s25+$0x0], $0xffff;
	_ =	sdelay $0x1  }
0x17a: {  	v39 =	vadd.s32 s4, v13;
	v50 =	vld.idx.msk [tilespmem:v3+s25+$0x0], $0xffff  }
0x17b: {  	v40 =	vadd.s32 s4, v14  }
0x17c: {  	s0 =	sadd.s32 $0x81, s0  }
0x17d: {  	v51 =	vmov s0;
	v34 =	vld.idx.msk [tilespmem:v2+s25+$0x0], $0xffff;
	v0 =	vsub.f32 v24, v0  }
0x17e: {  	v31 =	vadd.s32 s4, v17  }
0x17f: {  	v41 =	vadd.s32 s4, v15;
	v52 =	vld.idx.msk [tilespmem:v39+s25+$0x0], $0xffff;
	v0 =	vmax.f32 v0, $0.0e+00;
	v53 =	vsub.f32 v25, v50  }
0x180: {  	v32 =	vadd.s32 s4, v18;
	v54 =	vld.idx.msk [tilespmem:v40+s25+$0x0], $0xffff;
	(xrf2) =	vadd.scan.msk.f32 $0xffff, v0  }
0x181: {  	v44 =	vadd.s32 s4, v16;
	v42 =	vmax.f32 v53, $0.0e+00  }
0x182: {  	v43 =	vld.idx.msk [tilespmem:v51+s19+$0x0], $0xffff;
	v55 =	vsub.f32 v26, v34;
	(xrf2) =	vadd.scan.msk.f32 $0xffff, v42  }
0x183: {  	v57 =	vld.idx.msk [tilespmem:v31+s25+$0x0], $0xffff  }
0x184: {  	v59 =	vld.idx.msk [tilespmem:v41+s25+$0x0], $0xffff;
	v56 =	vsub.f32 v27, v52;
	v45 =	vmax.f32 v55, $0.0e+00  }
0x185: {  	v60 =	vld.idx.msk [tilespmem:v32+s25+$0x0], $0xffff;
	v58 =	vsub.f32 v28, v54;
	(xrf2) =	vadd.scan.msk.f32 $0xffff, v45  }
0x186: {  	v61 =	vld.idx.msk [tilespmem:v44+s25+$0x0], $0xf;
	v46 =	vmax.f32 v56, $0.0e+00  }
0x187: {  	v47 =	vmax.f32 v58, $0.0e+00;
	(xrf2) =	vadd.scan.msk.f32 $0xffff, v46  }
0x188: {  	v35 =	vadd.s32 s4, v21;
	(xrf2) =	vadd.scan.msk.f32 $0xffff, v47  }
0x189: {  	v37 =	vadd.s32 s4, v19;
	v33 =	vadd.s32 s4, v23;
	v48 =	vmul.f32 v43, v9  }
0x18a: {  	vm0 =	vlt.f32 v43, $0.0e+00;
	v51 =	vmax.f32 v57, $0.0e+00;
	v34 =	vsub.f32 v29, v59;
	v63, _, _ =	vpop (xrf2)  }
0x18b: {  	v52 =	vmax.f32 v60, $0.0e+00;
	v61 =	vsub.f32 v30, v61;
	v60 =	vperm.xlane v63, v8  }
0x18c: {  	v62 =	vand.u32 $0x7FFFFFFF, v48;
	v53 =	vmax.f32 v34, $0.0e+00;
	v50 =	vadd.f32 $0.0e+00, v63;
	v54, _, _ =	vpop (xrf2)  }
0x18d: {  	v49 =	vnsel vm0, $0x0, v62;
	(xrf2) =	vadd.scan.msk.f32 $0xffff, v53;
	v62 =	vperm.xlane v54, v8;
	v57 =	vadd.f32 $0.0e+00, v60  }
0x18e: {  	v36 =	vadd.s32 s4, v20;
	v55 =	vmax.f32 v61, $0.0e+00;
	v0 =	vsub.f32 v50, v0  }
0x18f: {  	v55 =	vnsel vm1, $0x0, v55;
	v50 =	vmin.f32 v49, v50;
	v58, _, _ =	vpop (xrf2);
	v56 =	vadd.f32 v62, v57  }
0x190: {  	v60 =	vperm.xlane v58, v8;
	v54 =	vadd.f32 v57, v54;
	v0 =	vmin.f32 v49, v0  }
0x191: {  	v34 =	vadd.s32 s4, v22;
	(xrf2) =	vadd.scan.msk.f32 $0xffff, v55;
	v59, _, _ =	vpop (xrf2);
	v57 =	vld.idx.msk [tilespmem:v37+s25+$0x0], $0xffff;
	v0 =	vsub.f32 v50, v0;
	v58 =	vadd.f32 v56, v58  }
0x192: {  	(xrf2) =	vadd.scan.msk.f32 $0xffff, v51;
	v61, _, _ =	vpop (xrf2);
	v62 =	vperm.xlane v59, v8;
	v56 =	vadd.f32 v60, v56;
	v42 =	vsub.f32 v54, v42  }
0x193: {  	v63 =	vld.idx.msk [tilespmem:v36+s25+$0x0], $0xffff;
	v60 =	vperm.xlane v61, v8;
	v50 =	vmin.f32 v49, v54;
	v45 =	vsub.f32 v58, v45  }
0x194: {  	v42 =	vmin.f32 v49, v42;
	v54 =	vmin.f32 v49, v58;
	v58 =	vadd.f32 v62, v56;
	v62 =	vld.idx.msk [tilespmem:v35+s25+$0x0], $0xffff  }
0x195: {  	v56 =	vadd.f32 v56, v59;
	v42 =	vsub.f32 v50, v42  }
0x196: {  	(xrf2) =	vadd.scan.msk.f32 $0xffff, v52;
	v50 =	vmax.f32 v57, $0.0e+00;
	v45 =	vmin.f32 v49, v45;
	v59 =	vadd.f32 v60, v58;
	v60 =	vld.idx.msk [tilespmem:v33+s25+$0x0], $0xf  }
0x197: {  	v58 =	vadd.f32 v58, v61;
	(xrf2) =	vadd.scan.msk.f32 $0xffff, v50;
	v45 =	vsub.f32 v54, v45;
	v54 =	vld.idx.msk [tilespmem:v34+s25+$0x0], $0xffff;
	v57, _, _ =	vpop (xrf2)  }
0x198: {  	[tilespmem:v38+s30+$0x0] =	vst.idx.msk $0xffff, v0;
	v0 =	vmax.f32 v63, $0.0e+00;
	v63 =	vsub.f32 v56, v46;
	v61 =	vperm.xlane v57, v8  }
0x199: {  	v46 =	vadd.f32 v59, v57;
	v47 =	vsub.f32 v58, v47;
	[tilespmem:v3+s30+$0x0] =	vst.idx.msk $0xffff, v42;
	v3 =	vmax.f32 v62, $0.0e+00  }
0x19a: {  	(xrf2) =	vadd.scan.msk.f32 $0xffff, v0;
	v62 =	vmin.f32 v49, v56;
	v38 =	vmin.f32 v49, v63;
	v63 =	vmin.f32 v49, v58  }
0x19b: {  	vm0 =	vgt.f32 v43, $0.0e+00;
	v57, _, _ =	vpop (xrf2);
	[tilespmem:v2+s30+$0x0] =	vst.idx.msk $0xffff, v45;
	v61 =	vadd.f32 v61, v59;
	v47 =	vmin.f32 v49, v47  }
0x19c: {  	v53 =	vsub.f32 v46, v53;
	v2 =	vsub.f32 v62, v38;
	v46 =	vmin.f32 v49, v46;
	v59, _, _ =	vpop (xrf2)  }
0x19d: {  	(xrf2) =	vadd.scan.msk.f32 $0xffff, v3;
	v56 =	vsub.f32 v63, v47;
	v62 =	vperm.xlane v59, v8;
	v43 =	vadd.f32 $0.0e+00, v59  }
0x19e: {  	v45 =	vmax.f32 v54, $0.0e+00;
	v58 =	vmin.f32 v49, v53;
	v42 =	vadd.f32 v61, v57  }
0x19f: {  	[tilespmem:v39+s30+$0x0] =	vst.idx.msk $0xffff, v2;
	v2 =	vnsel vm0, $0x0, v48;
	(xrf2) =	vadd.scan.msk.f32 $0xffff, v45;
	v61 =	vsub.f32 v46, v58  }
0x1a0: {  	v63, _, _ =	vpop (xrf2);
	v53 =	vmax.f32 v60, $0.0e+00;
	[tilespmem:v40+s30+$0x0] =	vst.idx.msk $0xffff, v56;
	v56 =	vadd.f32 $0.0e+00, v62;
	v59 =	vsub.f32 v43, v51  }
0x1a1: {  	v43 =	vmin.f32 v2, v43;
	v54 =	vsub.f32 v42, v55;
	v55 =	vperm.xlane v63, v8  }
0x1a2: {  	v39 =	vnsel vm1, $0x0, v53;
	v42 =	vmin.f32 v49, v42;
	[tilespmem:v41+s30+$0x0] =	vst.idx.msk $0xffff, v61;
	v38 =	vadd.f32 v56, v63  }
0x1a3: {  	v48 =	vmin.f32 v2, v59;
	v57 =	vmin.f32 v49, v54;
	v58, _, _ =	vpop (xrf2);
	(xrf2) =	vadd.scan.msk.f32 $0xffff, v39;
	v40 =	vadd.f32 v55, v56  }
0x1a4: {  	v42 =	vsub.f32 v42, v57;
	v60 =	vperm.xlane v58, v8;
	v53 =	vsub.f32 v38, v52;
	v61, _, _ =	vpop (xrf2)  }
0x1a5: {  	v43 =	vsub.f32 v43, v48;
	v38 =	vmin.f32 v2, v38;
	v62 =	vperm.xlane v61, v8  }
0x1a6: {  	v46 =	vadd.f32 v60, v40;
	[tilespmem:v44+s30+$0x0] =	vst.idx.msk $0xf, v42;
	v44 =	vmin.f32 v2, v53  }
0x1a7: {  	v40 =	vadd.f32 v40, v58;
	v63, _, _ =	vpop (xrf2);
	v38 =	vsub.f32 v38, v44  }
0x1a8: {  	v54 =	vperm.xlane v63, v8;
	v41 =	vadd.f32 v46, v61;
	v46 =	vadd.f32 v62, v46  }
0x1a9: {  	[tilespmem:v31+s31+$0x0] =	vst.idx.msk $0xffff, v43;
	v56 =	vsub.f32 v40, v50;
	v40 =	vmin.f32 v2, v40;
	v55, _, _ =	vpop (xrf2)  }
0x1aa: {  	v0 =	vsub.f32 v41, v0;
	v47 =	vadd.f32 v54, v46;
	v57 =	vperm.xlane v55, v8  }
0x1ab: {  	v49 =	vmin.f32 v2, v56;
	v58 =	vadd.f32 v46, v63;
	v41 =	vmin.f32 v2, v41  }
0x1ac: {  	v31 =	vsub.f32 v40, v49;
	v0 =	vmin.f32 v2, v0;
	v59 =	vadd.f32 v57, v47  }
0x1ad: {  	[tilespmem:v32+s31+$0x0] =	vst.idx.msk $0xffff, v38;
	v60 =	vadd.f32 v47, v55;
	v0 =	vsub.f32 v41, v0;
	v61, _, _ =	vpop (xrf2)  }
0x1ae: {  	v3 =	vsub.f32 v58, v3;
	[tilespmem:v37+s31+$0x0] =	vst.idx.msk $0xffff, v31;
	v31 =	vadd.f32 v59, v61  }
0x1af: {  	[tilespmem:v36+s31+$0x0] =	vst.idx.msk $0xffff, v0;
	v0 =	vsub.f32 v60, v45  }
0x1b0: {  	p0 =	sne.s32 s12, $0x7E;
	v62 =	vmin.f32 v2, v58;
	v3 =	vmin.f32 v2, v3;
	v63 =	vsub.f32 v31, v39  }
.Ltmp2:
0x1b1: {  	v32 =	vmin.f32 v2, v60;
	v3 =	vsub.f32 v62, v3;
	v0 =	vmin.f32 v2, v0;
	(pc) =	sbr.rel @p0 .LBB2_7-.Ltmp2, $4  }
0x1b2: {  	v31 =	vmin.f32 v2, v31;
	v0 =	vsub.f32 v32, v0;
	v2 =	vmin.f32 v2, v63  }
0x1b3: {  	[tilespmem:v35+s31+$0x0] =	vst.idx.msk $0xffff, v3;
	v2 =	vsub.f32 v31, v2  }
0x1b4: {  	[tilespmem:v34+s31+$0x0] =	vst.idx.msk $0xffff, v0  }
0x1b5: {  	s12 =	sadd.s32 $0x2, s12;
	[tilespmem:v33+s31+$0x0] =	vst.idx.msk $0xf, v2  }
0x1b6: {  	s7 =	sadd.s32 $0x1, s7  }
0x1b7: {  	p0 =	sne.s32 s7, $0x8  }
.Ltmp3:
0x1b8: {  	_ = 	snop;
	(pc) =	sbr.rel @p0 .LBB2_4-.Ltmp3, $4  }
0x1b9: {  	s0 =	sadd.s32 s8, s11  }
0x1ba: {  	[hbm4b:s0+s3] =	stream.linear.scatter [tilespmem:s30], [sflag:$0x4], $0x4000, $0x38;
	[tilespmem:$0x18B80] =	vst v63  }
0x1bb: {  	s18 =	sadd.s32 s10, s11;
	s6 =	sadd.s32 $0x100, s6  }
0x1bc: {  	[hbm4b:s18+s3] =	stream.linear.scatter [tilespmem:s31], [sflag:$0x6], $0x4000, $0x38;
	[tilespmem:$0x18B80] =	vst v63  }
0x1bd: {  	s0 =	simm.s32 $0x3  }
0x1be: {  	_ =	swait.ge [sflag:s0], $0x4000  }
0x1bf: {  	[sflag:s0] =	ssyncset.done $0x0  }
0x1c0: {  	s14 =	simm.s32 $0x5;
	[sflag:s0] =	ssyncadd.s32 $0xFFFFC000  }
0x1c1: {  	_ =	swait.ge [sflag:s14], $0x4000  }
0x1c2: {  	[sflag:s14] =	ssyncset.done $0x0  }
0x1c3: {  	[sflag:s14] =	ssyncadd.s32 $0xFFFFC000  }
0x1c4: {  	_ =	swait.ge [sflag:s1], $0x4000  }
0x1c5: {  	[sflag:s1] =	ssyncset.done $0x0  }
0x1c6: {  	[sflag:s1] =	ssyncadd.s32 $0xFFFFC000  }
0x1c7: {  	_ =	swait.ge [sflag:s2], $0x4000  }
0x1c8: {  	s4 =	rddreg [dreg:$0xa]  }
0x1c9: {  	s18 =	rddreg [dreg:$0x9];
	s4 =	sadd.s32 $0x1, s4  }
0x1ca: {  	p0 =	sne.s32 s4, s18  }
.Ltmp4:
0x1cb: {  	_ = 	snop;
	(pc) =	sbr.rel @p0 .LBB2_1-.Ltmp4, $3  }
0x1cc: {  	_ =	sdelay $0x1  }
0x1cd: {  	[sflag:s2] =	ssyncset.done $0x0;
	v2 =	vld [tilespmem:$0x1FFD0]  }
0x1ce: {  	v0 =	vlaneseq.u32;
	v3 =	vld [tilespmem:$0x1FFE0];
	[sflag:s2] =	ssyncadd.s32 $0xFFFFC000  }
0x1cf: {  	_ =	sfence.sel $0x180000  }
0x1d0: {  	[bflag:$0x0] =	sbarrier.arrive $0xFFFF  }
0x1d1: {  	_ =	strace $0x90000047  }
0x1d2: {  	s0 =	stileid.u32;
	[bflag:$0x2] =	sbarrier.arrive $0xFFFF  }
0x1d3: {  	p0 =	sne.s32 s0, $0x0;
	s0 =	rddreg [dreg:$0x4]  }
0x1d4: {  	s0 =	sadd.s32 @!p0 $0x100000, s0  }
0x1d5: {  	[sflag:s0] =	ssyncadd.tile.s32 @!p0 $0x1;
	_ =	shalt  }
.Lfunc_end2:
_tile_overlayer_lowered:
.L_overlay_start_2:
0x1d6: {  	(tag) =	ssettag $0x2  }
0x1d7: {  	s0 =	rddreg [dreg:$0x0];
	s2 =	stileid.u32  }
0x1d8: {  	s1 =	rddreg [dreg:$0x1];
	p0 =	sne.s32 s2, $0x0  }
0x1d9: {  	s3 =	rddreg [dreg:$0x2];
	[bflag:$0x3] =	sbarrier.arrive $0xFFFF;
	s2 =	simm.s32 @!p0 $0x1C07  }
0x1da: {  	[timem:s3], [sflag:s2] =	dma.local @!p0 [hbm:s0], s1  }
0x1db: {  	s0 =	simm.s32 @!p0 $0x7  }
0x1dc: {  	_ =	swait.ge @!p0 [sflag:s0], s1  }
0x1dd: {  	s1 =	ssub.s32 @!p0 $0x0, s1;
	[sflag:s0] =	ssyncset.done @!p0 $0x0  }
0x1de: {  	[sflag:s0] =	ssyncadd.s32 @!p0 s1  }
0x1df: {  	[bflag:$0x3] =	sbarrier.arrive $0xFFFF  }
0x1e0: {  	_ =	shalt  }

</sc_bundles>
